<compile_context>
chip_gen: v7x
topology: tpu7x:2x2x1
jax: 0.10.2.dev20260603
libtpu: 0.0.44.dev20260713+nightly
codegen_flags: <defaults>
</compile_context>

<pallas_src>
import functools

import jax
import jax.numpy as jnp
from jax import lax
from jax.experimental import pallas as pl
from jax.experimental.pallas import tpu as pltpu
from jax.experimental.pallas import tpu_sc as plsc

_N = 10000
_E = 320000
_D = 128
_G = 128

_NC = 2
_NS = 16
_NW = _NC * _NS
_EW = _E // _NW
_K = 80
_T = _EW // _K
_RPT = 632
_NP = _NS * _RPT

_BLK = 2000
_NBLK = _N // _BLK


def _sc_agg_body(x_hbm, src_hbm, dst_hbm, zeros_hbm, out_hbm,
                 acc, sidx, di0, di1, r0, r1, gs0, gs1, ss0, ss1, is0, is1,
                 zsem):
    r = [r0, r1]
    di = [di0, di1]
    gs = [gs0, gs1]
    ss = [ss0, ss1]
    isem = [is0, is1]
    c = lax.axis_index("c")
    s = lax.axis_index("s")
    w = s * _NC + c

    pltpu.async_copy(zeros_hbm, acc.at[pl.ds(s * _RPT, _RPT)], zsem)
    pltpu.sync_copy(src_hbm.at[w], sidx)

    def didx_start(t, j):
        pltpu.async_copy(dst_hbm.at[w, t], di[j], isem[j])

    def didx_wait(t, j):
        pltpu.make_async_copy(dst_hbm.at[w, t], di[j], isem[j]).wait()

    def gather_start(t, j):
        pltpu.async_copy(x_hbm.at[sidx.at[t]], r[j], gs[j])

    def gather_wait(t, j):
        pltpu.make_async_copy(x_hbm.at[sidx.at[t]], r[j], gs[j]).wait()

    def scatter_start(j):
        pltpu.async_copy(r[j], acc.at[di[j]], ss[j], add=True)

    def scatter_wait(j):
        pltpu.make_async_copy(r[j], acc.at[di[j]], ss[j]).wait()

    def _start(i, _):
        didx_start(i, 0)
        gather_start(i, 0)
        didx_start(i + 1, 1)
        gather_start(i + 1, 1)
        pltpu.make_async_copy(zeros_hbm, acc.at[pl.ds(s * _RPT, _RPT)],
                              zsem).wait()
        plsc.subcore_barrier()
        didx_wait(i, 0)
        gather_wait(i, 0)
        scatter_start(0)
        return 0
    lax.fori_loop(0, jnp.int32(1), _start, 0)

    def _pair(i, _):
        t = 2 * i + 1
        gather_wait(t, 1)
        didx_wait(t, 1)
        scatter_start(1)
        scatter_wait(0)
        didx_start(t + 1, 0)
        gather_start(t + 1, 0)
        gather_wait(t + 1, 0)
        didx_wait(t + 1, 0)
        scatter_start(0)
        scatter_wait(1)

        @pl.when(t + 2 < _T)
        def _():
            didx_start(t + 2, 1)
            gather_start(t + 2, 1)
        return 0
    lax.fori_loop(0, (_T - 1) // 2, _pair, 0)

    scatter_wait(0)

    plsc.subcore_barrier()

    pltpu.sync_copy(acc.at[pl.ds(s * _RPT, _RPT)],
                    out_hbm.at[c, pl.ds(s * _RPT, _RPT)])


_sc_agg = functools.partial(
    pl.kernel,
    out_type=jax.ShapeDtypeStruct((_NC, _NP, _D), jnp.float32),
    mesh=plsc.VectorSubcoreMesh(core_axis_name="c", subcore_axis_name="s"),
    scratch_types=[
        pltpu.VMEM_SHARED((_NP, _D), jnp.float32),
        pltpu.VMEM((_T, _K), jnp.int32),
        pltpu.VMEM((_K,), jnp.int32),
        pltpu.VMEM((_K,), jnp.int32),
        pltpu.VMEM((_K, _D), jnp.float32),
        pltpu.VMEM((_K, _D), jnp.float32),
        pltpu.SemaphoreType.DMA,
        pltpu.SemaphoreType.DMA,
        pltpu.SemaphoreType.DMA,
        pltpu.SemaphoreType.DMA,
        pltpu.SemaphoreType.DMA,
        pltpu.SemaphoreType.DMA,
        pltpu.SemaphoreType.DMA,
    ],
)(_sc_agg_body)


def _bn_affine(st, g, be):
    m = st[0:1, :] * (1.0 / _N)
    v = st[1:2, :] * (1.0 / _N) - m * m
    a = lax.rsqrt(v + 1e-5) * g
    return a, be - m * a


def _acc_stats(i, y, st):
    s1 = jnp.sum(y, axis=0, keepdims=True)
    s2 = jnp.sum(y * y, axis=0, keepdims=True)
    upd = jnp.concatenate([s1, s2, jnp.zeros((6, _D), jnp.float32)], axis=0)

    @pl.when(i == 0)
    def _():
        st[...] = upd

    @pl.when(i > 0)
    def _():
        st[...] += upd


def _layer_common(p, i, h_ref, a0_ref, a1_ref, wa_ref, ba_ref, ga_ref,
                  bea_ref, wb_ref, bb_ref, y1s, y2s, st1, st2):
    @pl.when(p == 0)
    def _():
        u = h_ref[...] + a0_ref[0] + a1_ref[0]
        y = jnp.dot(u, wa_ref[...], preferred_element_type=jnp.float32) + ba_ref[...]
        y1s[pl.ds(i * _BLK, _BLK), :] = y
        _acc_stats(i, y, st1)

    @pl.when(p == 1)
    def _():
        a, cc = _bn_affine(st1[...], ga_ref[...], bea_ref[...])
        z = jnp.maximum(y1s[pl.ds(i * _BLK, _BLK), :] * a + cc, 0.0)
        y2 = jnp.dot(z, wb_ref[...], preferred_element_type=jnp.float32) + bb_ref[...]
        y2s[pl.ds(i * _BLK, _BLK), :] = y2
        _acc_stats(i, y2, st2)


def _layer_body(h_ref, a0_ref, a1_ref, wa_ref, ba_ref, ga_ref, bea_ref,
                wb_ref, bb_ref, gb_ref, beb_ref, out_ref, y1s, y2s, st1, st2):
    p, i = pl.program_id(0), pl.program_id(1)
    _layer_common(p, i, h_ref, a0_ref, a1_ref, wa_ref, ba_ref, ga_ref,
                  bea_ref, wb_ref, bb_ref, y1s, y2s, st1, st2)

    @pl.when(p == 2)
    def _():
        a, cc = _bn_affine(st2[...], gb_ref[...], beb_ref[...])
        out_ref[...] = jnp.maximum(y2s[pl.ds(i * _BLK, _BLK), :] * a + cc, 0.0)


def _layer_last_body(h_ref, a0_ref, a1_ref, wa_ref, ba_ref, ga_ref, bea_ref,
                     wb_ref, bb_ref, gb_ref, beb_ref, bt_ref, lw_ref, lb_ref,
                     out_ref, y1s, y2s, st1, st2, pacc):
    p, i = pl.program_id(0), pl.program_id(1)
    _layer_common(p, i, h_ref, a0_ref, a1_ref, wa_ref, ba_ref, ga_ref,
                  bea_ref, wb_ref, bb_ref, y1s, y2s, st1, st2)

    @pl.when(p == 2)
    def _():
        a, cc = _bn_affine(st2[...], gb_ref[...], beb_ref[...])
        h = jnp.maximum(y2s[pl.ds(i * _BLK, _BLK), :] * a + cc, 0.0)
        bt = bt_ref[0, 0, :]
        onehot = (bt[:, None] == lax.broadcasted_iota(jnp.int32, (_BLK, _G), 1)
                  ).astype(jnp.float32)
        pp = lax.dot_general(onehot, h, (((0,), (0,)), ((), ())),
                             preferred_element_type=jnp.float32)

        @pl.when(i == 0)
        def _():
            pacc[...] = pp

        @pl.when(i > 0)
        def _():
            pacc[...] += pp

        @pl.when(i == _NBLK - 1)
        def _():
            out_ref[...] = (jnp.dot(pacc[...], lw_ref[...],
                                    preferred_element_type=jnp.float32)
                            + lb_ref[...])


def _phase0_blk(p, i):
    return (jnp.where(p == 0, i, _NBLK - 1), 0)


_lay_in_specs = [
    pl.BlockSpec((_BLK, _D), _phase0_blk),
    pl.BlockSpec((1, _BLK, _D), lambda p, i: (0,) + _phase0_blk(p, i)),
    pl.BlockSpec((1, _BLK, _D), lambda p, i: (1,) + _phase0_blk(p, i)),
    pl.BlockSpec((_D, _D), lambda p, i: (0, 0)),
    pl.BlockSpec((1, _D), lambda p, i: (0, 0)),
    pl.BlockSpec((1, _D), lambda p, i: (0, 0)),
    pl.BlockSpec((1, _D), lambda p, i: (0, 0)),
    pl.BlockSpec((_D, _D), lambda p, i: (0, 0)),
    pl.BlockSpec((1, _D), lambda p, i: (0, 0)),
    pl.BlockSpec((1, _D), lambda p, i: (0, 0)),
    pl.BlockSpec((1, _D), lambda p, i: (0, 0)),
]

_lay_scratch = [
    pltpu.VMEM((_N, _D), jnp.float32),
    pltpu.VMEM((_N, _D), jnp.float32),
    pltpu.VMEM((8, _D), jnp.float32),
    pltpu.VMEM((8, _D), jnp.float32),
]

_layer = pl.pallas_call(
    _layer_body,
    grid=(3, _NBLK),
    in_specs=_lay_in_specs,
    out_specs=pl.BlockSpec((_BLK, _D), lambda p, i: (jnp.where(p == 2, i, 0), 0)),
    out_shape=jax.ShapeDtypeStruct((_N, _D), jnp.float32),
    scratch_shapes=_lay_scratch,
)

_layer_last = pl.pallas_call(
    _layer_last_body,
    grid=(3, _NBLK),
    in_specs=_lay_in_specs + [
        pl.BlockSpec((1, 1, _BLK), lambda p, i: (jnp.where(p == 2, i, _NBLK - 1), 0, 0)),
        pl.BlockSpec((_D, 2 * _D), lambda p, i: (0, 0)),
        pl.BlockSpec((1, 2 * _D), lambda p, i: (0, 0)),
    ],
    out_specs=pl.BlockSpec((_G, 2 * _D), lambda p, i: (0, 0)),
    out_shape=jax.ShapeDtypeStruct((_G, 2 * _D), jnp.float32),
    scratch_shapes=_lay_scratch + [pltpu.VMEM((_G, _D), jnp.float32)],
)


def kernel(x, edge_index, batch,
           W0a, b0a, g0a, be0a, W0b, b0b, g0b, be0b,
           W1a, b1a, g1a, be1a, W1b, b1b, g1b, be1b,
           W2a, b2a, g2a, be2a, W2b, b2b, g2b, be2b,
           linW, linb):
    src3 = edge_index[0].astype(jnp.int32).reshape(_NW, _T, _K)
    dst3 = edge_index[1].astype(jnp.int32).reshape(_NW, _T, _K)
    bt3 = batch.astype(jnp.int32).reshape(_NBLK, 1, _BLK)

    p = {
        "W0a": W0a, "b0a": b0a, "g0a": g0a, "be0a": be0a,
        "W0b": W0b, "b0b": b0b, "g0b": g0b, "be0b": be0b,
        "W1a": W1a, "b1a": b1a, "g1a": g1a, "be1a": be1a,
        "W1b": W1b, "b1b": b1b, "g1b": g1b, "be1b": be1b,
        "W2a": W2a, "b2a": b2a, "g2a": g2a, "be2a": be2a,
        "W2b": W2b, "b2b": b2b, "g2b": g2b, "be2b": be2b,
    }

    def row(v):
        return v.reshape(1, -1)

    zc = jnp.zeros((_RPT, _D), jnp.float32)
    h = x
    for l in range(3):
        agg = _sc_agg(h, src3, dst3, zc)
        args = (h, agg, agg, p[f"W{l}a"], row(p[f"b{l}a"]),
                row(p[f"g{l}a"]), row(p[f"be{l}a"]),
                p[f"W{l}b"], row(p[f"b{l}b"]),
                row(p[f"g{l}b"]), row(p[f"be{l}b"]))
        if l < 2:
            h = _layer(*args)
        else:
            out = _layer_last(*args, bt3, linW, row(linb))
    return out

# --- scband reference (transcript-rebuilt; emitter-appended) ---
"""Pipeline reference for scband-gin0-16295105921239 (READ-ONLY COPY).

The authoritative reference and input builder live on the scoring server;
editing this copy changes nothing except your own understanding.
"""

import jax, jax.numpy as jnp
import numpy as np

N = 10000
E = 320000
D = 128
H = 128
G = 128


def setup_inputs(seed: int = 0):
    key = jax.random.key(seed)
    inp = {}
    inp["x"] = jax.random.normal(jax.random.fold_in(key, 0), (N, D), dtype=jnp.float32)
    inp["edge_index"] = jax.random.randint(jax.random.fold_in(key, 1), (2, E), 0, N)
    inp["batch"] = jnp.sort(jax.random.randint(jax.random.fold_in(key, 2), (N,), 0, G))
    i = 3
    for l in range(3):
        din = D if l == 0 else H
        for s in ("a", "b"):
            d_in = din if s == "a" else H
            inp[f"W{l}{s}"] = jax.random.normal(jax.random.fold_in(key, i), (d_in, H), dtype=jnp.float32) * 0.05
            i += 1
            inp[f"b{l}{s}"] = jnp.zeros((H,), jnp.float32)
            inp[f"g{l}{s}"] = jnp.ones((H,), jnp.float32)
            inp[f"be{l}{s}"] = jnp.zeros((H,), jnp.float32)
    inp["linW"] = jax.random.normal(jax.random.fold_in(key, i), (H, 2 * H), dtype=jnp.float32) * 0.05
    inp["linb"] = jnp.zeros((2 * H,), jnp.float32)
    return inp


def _bn(x, g, b):
    # BatchNorm1d in training mode: batch statistics, biased variance, eps=1e-5
    m = jnp.mean(x, axis=0)
    v = jnp.mean((x - m) ** 2, axis=0)
    return (x - m) / jnp.sqrt(v + 1e-5) * g + b


def _gin(x, src, dst, Wa, ba, ga, bea, Wb, bb, gb, beb):
    # GINConv with train_eps=False (eps=0): h_i = nn(x_i + sum_{j in N(i)} x_j)
    agg = jax.ops.segment_sum(x[src], dst, num_segments=x.shape[0])
    h = x + agg
    h = jnp.maximum(_bn(h @ Wa + ba, ga, bea), 0.0)
    h = jnp.maximum(_bn(h @ Wb + bb, gb, beb), 0.0)
    return h


def reference(x, edge_index, batch,
              W0a, b0a, g0a, be0a, W0b, b0b, g0b, be0b,
              W1a, b1a, g1a, be1a, W1b, b1b, g1b, be1b,
              W2a, b2a, g2a, be2a, W2b, b2b, g2b, be2b,
              linW, linb):
    p = {
        "W0a": W0a, "b0a": b0a, "g0a": g0a, "be0a": be0a,
        "W0b": W0b, "b0b": b0b, "g0b": g0b, "be0b": be0b,
        "W1a": W1a, "b1a": b1a, "g1a": g1a, "be1a": be1a,
        "W1b": W1b, "b1b": b1b, "g1b": g1b, "be1b": be1b,
        "W2a": W2a, "b2a": b2a, "g2a": g2a, "be2a": be2a,
        "W2b": W2b, "b2b": b2b, "g2b": g2b, "be2b": be2b,
        "linW": linW, "linb": linb,
    }
    src, dst = edge_index[0], edge_index[1]
    h = x
    for l in range(3):
        h = _gin(h, src, dst,
                 p[f"W{l}a"], p[f"b{l}a"], p[f"g{l}a"], p[f"be{l}a"],
                 p[f"W{l}b"], p[f"b{l}b"], p[f"g{l}b"], p[f"be{l}b"])
    # readout='sum' -> global_add_pool over the batch vector
    pooled = jax.ops.segment_sum(h, batch, num_segments=G)
    out = pooled @ p["linW"] + p["linb"]
    # dropout is identity in eval mode
    return out

if __name__ == "__main__":
    import jax
    _d = setup_inputs()
    print(jax.jit(kernel)(*tuple(_d.values())))

</pallas_src>

<mosaic_0001>
#map = affine_map<(d0, d1) -> (0, 0)>
#map1 = affine_map<(d0, d1) -> (0, 0, 0)>
module attributes {stable_mosaic.version = 14 : i64} {
  func.func @_sc_agg_body(%arg0: i32, %arg1: i32, %arg2: memref<10000x128xf32, #tpu.memory_space<hbm>>, %arg3: memref<32x125x80xi32, #tpu.memory_space<hbm>>, %arg4: memref<32x125x80xi32, #tpu.memory_space<hbm>>, %arg5: memref<632x128xf32, #tpu.memory_space<hbm>>, %arg6: memref<2x10112x128xf32, #tpu.memory_space<hbm>>, %arg7: memref<10112x128xf32, #tpu.memory_space<vmem_shared>>, %arg8: memref<125x80xi32, #tpu.memory_space<vmem>>, %arg9: memref<80xi32, #tpu.memory_space<vmem>>, %arg10: memref<80xi32, #tpu.memory_space<vmem>>, %arg11: memref<80x128xf32, #tpu.memory_space<vmem>>, %arg12: memref<80x128xf32, #tpu.memory_space<vmem>>, %arg13: memref<!tpu.dma_semaphore, #tpu.memory_space<semaphore_mem>>, %arg14: memref<!tpu.dma_semaphore, #tpu.memory_space<semaphore_mem>>, %arg15: memref<!tpu.dma_semaphore, #tpu.memory_space<semaphore_mem>>, %arg16: memref<!tpu.dma_semaphore, #tpu.memory_space<semaphore_mem>>, %arg17: memref<!tpu.dma_semaphore, #tpu.memory_space<semaphore_mem>>, %arg18: memref<!tpu.dma_semaphore, #tpu.memory_space<semaphore_mem>>, %arg19: memref<!tpu.dma_semaphore, #tpu.memory_space<semaphore_mem>>) attributes {dimension_semantics = [#tpu.dimension_semantics<core_parallel>, #tpu.dimension_semantics<subcore_parallel>], iteration_bounds = array<i64: 2, 16>, scalar_prefetch = 0 : i64, scratch_operands = 13 : i64, tpu.core_type = #tpu.core_type<sc_vector_subcore>, window_params = [{transform_indices = #map}, {transform_indices = #map1}, {transform_indices = #map1}, {transform_indices = #map}, {transform_indices = #map1}]} {
    %mul3A = arith.constant 2 : i32
    %mul3A_0 = arith.muli %arg1, %mul3A : i32
    %add3A = arith.addi %mul3A_0, %arg0 : i32
    %mul3A_1 = arith.constant 632 : i32
    %mul3A_2 = arith.muli %arg1, %mul3A_1 : i32
    %dma_start3A = arith.constant 0 : i32
    %dma_start3A_3 = tpu.memref_slice %arg7[%mul3A_2, %dma_start3A] : memref<10112x128xf32, #tpu.memory_space<vmem_shared>> -> memref<632x128xf32, #tpu.memory_space<vmem_shared>>
    tpu.enqueue_dma source(%arg5 : memref<632x128xf32, #tpu.memory_space<hbm>>) target(%dma_start3A_3 : memref<632x128xf32, #tpu.memory_space<vmem_shared>>) target_semaphore(%arg19 : memref<!tpu.dma_semaphore, #tpu.memory_space<semaphore_mem>>)
    "tpu.region"() ({
      %run_scoped3A = tpu.sem_alloc : memref<!tpu.dma_semaphore, #tpu.memory_space<semaphore_mem>>
      %dma_start3A_28 = arith.constant 0 : i32
      %dma_start3A_29 = arith.constant 0 : i32
      %dma_start3A_30 = tpu.memref_slice %arg3[%add3A, %dma_start3A_28, %dma_start3A_29] : memref<32x125x80xi32, #tpu.memory_space<hbm>> -> memref<1x125x80xi32, #tpu.memory_space<hbm>>
      %dma_start3A_31 = tpu.memref_squeeze %dma_start3A_30 : memref<1x125x80xi32, #tpu.memory_space<hbm>> -> memref<125x80xi32, #tpu.memory_space<hbm>>
      %dma_start3A_32 = arith.constant 0 : i32
      %dma_start3A_33 = arith.constant 0 : i32
      %dma_start3A_34 = tpu.memref_slice %arg3[%add3A, %dma_start3A_32, %dma_start3A_33] : memref<32x125x80xi32, #tpu.memory_space<hbm>> -> memref<1x125x80xi32, #tpu.memory_space<hbm>>
      %dma_start3A_35 = tpu.memref_squeeze %dma_start3A_34 : memref<1x125x80xi32, #tpu.memory_space<hbm>> -> memref<125x80xi32, #tpu.memory_space<hbm>>
      tpu.enqueue_dma source(%dma_start3A_35 : memref<125x80xi32, #tpu.memory_space<hbm>>) target(%arg8 : memref<125x80xi32, #tpu.memory_space<vmem>>) target_semaphore(%run_scoped3A : memref<!tpu.dma_semaphore, #tpu.memory_space<semaphore_mem>>)
      %dma_wait3A_36 = arith.constant 0 : i32
      %dma_wait3A_37 = arith.constant 0 : i32
      %dma_wait3A_38 = tpu.memref_slice %arg3[%add3A, %dma_wait3A_36, %dma_wait3A_37] : memref<32x125x80xi32, #tpu.memory_space<hbm>> -> memref<1x125x80xi32, #tpu.memory_space<hbm>>
      %dma_wait3A_39 = tpu.memref_squeeze %dma_wait3A_38 : memref<1x125x80xi32, #tpu.memory_space<hbm>> -> memref<125x80xi32, #tpu.memory_space<hbm>>
      %dma_wait3A_40 = arith.constant 0 : i32
      %dma_wait3A_41 = arith.constant 0 : i32
      %dma_wait3A_42 = tpu.memref_slice %arg3[%add3A, %dma_wait3A_40, %dma_wait3A_41] : memref<32x125x80xi32, #tpu.memory_space<hbm>> -> memref<1x125x80xi32, #tpu.memory_space<hbm>>
      %dma_wait3A_43 = tpu.memref_squeeze %dma_wait3A_42 : memref<1x125x80xi32, #tpu.memory_space<hbm>> -> memref<125x80xi32, #tpu.memory_space<hbm>>
      tpu.wait_dma2 semaphore(%run_scoped3A : memref<!tpu.dma_semaphore, #tpu.memory_space<semaphore_mem>>) src(%dma_wait3A_43 : memref<125x80xi32, #tpu.memory_space<hbm>>) dst(%arg8 : memref<125x80xi32, #tpu.memory_space<vmem>>)
      tpu.yield
    }) : () -> ()
    %while3A = arith.constant 0 : i32
    %while3A_4 = arith.constant 1 : i32
    %while3A_5 = arith.constant 0 : i32
    %while3A_6 = arith.subi %while3A_4, %while3A : i32
    %while3A_7 = arith.addi %while3A, %while3A_6 : i32
    %while3A_8 = arith.constant 1 : i32
    %while3A_9 = arith.divsi %while3A_6, %while3A_8 : i32
    %while3A_10 = arith.muli %while3A_9, %while3A_8 : i32
    %while3A_11 = arith.addi %while3A, %while3A_10 : i32
    %while3A_12 = arith.constant 1 : i32
    %while3A_13 = scf.for %while3A_28 = %while3A to %while3A_11 step %while3A_12 iter_args(%while3A_29 = %while3A_5) -> (i32)  : i32 {
      %dma_start3A_30 = arith.constant 0 : i32
      %dma_start3A_31 = tpu.memref_slice %arg4[%add3A, %while3A_28, %dma_start3A_30] : memref<32x125x80xi32, #tpu.memory_space<hbm>> -> memref<1x1x80xi32, #tpu.memory_space<hbm>>
      %dma_start3A_32 = tpu.memref_squeeze %dma_start3A_31 : memref<1x1x80xi32, #tpu.memory_space<hbm>> -> memref<80xi32, #tpu.memory_space<hbm>>
      %dma_start3A_33 = arith.constant 0 : i32
      %dma_start3A_34 = tpu.memref_slice %arg4[%add3A, %while3A_28, %dma_start3A_33] : memref<32x125x80xi32, #tpu.memory_space<hbm>> -> memref<1x1x80xi32, #tpu.memory_space<hbm>>
      %dma_start3A_35 = tpu.memref_squeeze %dma_start3A_34 : memref<1x1x80xi32, #tpu.memory_space<hbm>> -> memref<80xi32, #tpu.memory_space<hbm>>
      tpu.enqueue_dma source(%dma_start3A_35 : memref<80xi32, #tpu.memory_space<hbm>>) target(%arg9 : memref<80xi32, #tpu.memory_space<vmem>>) target_semaphore(%arg17 : memref<!tpu.dma_semaphore, #tpu.memory_space<semaphore_mem>>)
      %dma_start3A_36 = arith.constant 0 : i32
      %dma_start3A_37 = tpu.memref_slice %arg8[%while3A_28, %dma_start3A_36] : memref<125x80xi32, #tpu.memory_space<vmem>> -> memref<1x80xi32, #tpu.memory_space<vmem>>
      %dma_start3A_38 = tpu.memref_squeeze %dma_start3A_37 : memref<1x80xi32, #tpu.memory_space<vmem>> -> memref<80xi32, #tpu.memory_space<vmem>>
      %dma_start3A_39 = arith.constant 0 : i32
      %dma_start3A_40 = arith.constant 0 : i32
      %dma_start3A_41 = tpu.memref_slice %arg2[%dma_start3A_39, %dma_start3A_40] : memref<10000x128xf32, #tpu.memory_space<hbm>> -> memref<10000x128xf32, #tpu.memory_space<hbm>>
      tpu.enqueue_indirect_dma source(%dma_start3A_41 : memref<10000x128xf32, #tpu.memory_space<hbm>>) target(%arg11 : memref<80x128xf32, #tpu.memory_space<vmem>>) offsets(%dma_start3A_38 : memref<80xi32, #tpu.memory_space<vmem>>) semaphore(%arg13 : memref<!tpu.dma_semaphore, #tpu.memory_space<semaphore_mem>>)
      %add3A_42 = arith.constant 1 : i32
      %add3A_43 = arith.addi %while3A_28, %add3A_42 : i32
      %dma_start3A_44 = arith.constant 0 : i32
      %dma_start3A_45 = tpu.memref_slice %arg4[%add3A, %add3A_43, %dma_start3A_44] : memref<32x125x80xi32, #tpu.memory_space<hbm>> -> memref<1x1x80xi32, #tpu.memory_space<hbm>>
      %dma_start3A_46 = tpu.memref_squeeze %dma_start3A_45 : memref<1x1x80xi32, #tpu.memory_space<hbm>> -> memref<80xi32, #tpu.memory_space<hbm>>
      %dma_start3A_47 = arith.constant 0 : i32
      %dma_start3A_48 = tpu.memref_slice %arg4[%add3A, %add3A_43, %dma_start3A_47] : memref<32x125x80xi32, #tpu.memory_space<hbm>> -> memref<1x1x80xi32, #tpu.memory_space<hbm>>
      %dma_start3A_49 = tpu.memref_squeeze %dma_start3A_48 : memref<1x1x80xi32, #tpu.memory_space<hbm>> -> memref<80xi32, #tpu.memory_space<hbm>>
      tpu.enqueue_dma source(%dma_start3A_49 : memref<80xi32, #tpu.memory_space<hbm>>) target(%arg10 : memref<80xi32, #tpu.memory_space<vmem>>) target_semaphore(%arg18 : memref<!tpu.dma_semaphore, #tpu.memory_space<semaphore_mem>>)
      %add3A_50 = arith.constant 1 : i32
      %add3A_51 = arith.addi %while3A_28, %add3A_50 : i32
      %dma_start3A_52 = arith.constant 0 : i32
      %dma_start3A_53 = tpu.memref_slice %arg8[%add3A_51, %dma_start3A_52] : memref<125x80xi32, #tpu.memory_space<vmem>> -> memref<1x80xi32, #tpu.memory_space<vmem>>
      %dma_start3A_54 = tpu.memref_squeeze %dma_start3A_53 : memref<1x80xi32, #tpu.memory_space<vmem>> -> memref<80xi32, #tpu.memory_space<vmem>>
      %dma_start3A_55 = arith.constant 0 : i32
      %dma_start3A_56 = arith.constant 0 : i32
      %dma_start3A_57 = tpu.memref_slice %arg2[%dma_start3A_55, %dma_start3A_56] : memref<10000x128xf32, #tpu.memory_space<hbm>> -> memref<10000x128xf32, #tpu.memory_space<hbm>>
      tpu.enqueue_indirect_dma source(%dma_start3A_57 : memref<10000x128xf32, #tpu.memory_space<hbm>>) target(%arg12 : memref<80x128xf32, #tpu.memory_space<vmem>>) offsets(%dma_start3A_54 : memref<80xi32, #tpu.memory_space<vmem>>) semaphore(%arg14 : memref<!tpu.dma_semaphore, #tpu.memory_space<semaphore_mem>>)
      %mul3A_58 = arith.constant 632 : i32
      %mul3A_59 = arith.muli %arg1, %mul3A_58 : i32
      %dma_wait3A_60 = arith.constant 0 : i32
      %dma_wait3A_61 = tpu.memref_slice %arg7[%mul3A_59, %dma_wait3A_60] : memref<10112x128xf32, #tpu.memory_space<vmem_shared>> -> memref<632x128xf32, #tpu.memory_space<vmem_shared>>
      tpu.wait_dma2 semaphore(%arg19 : memref<!tpu.dma_semaphore, #tpu.memory_space<semaphore_mem>>) src(%arg5 : memref<632x128xf32, #tpu.memory_space<hbm>>) dst(%dma_wait3A_61 : memref<632x128xf32, #tpu.memory_space<vmem_shared>>)
      %barrier3A_62 = arith.constant 0 : index
      tpu.barrier barrier_id(%barrier3A_62)
      %dma_wait3A_63 = arith.constant 0 : i32
      %dma_wait3A_64 = tpu.memref_slice %arg4[%add3A, %while3A_28, %dma_wait3A_63] : memref<32x125x80xi32, #tpu.memory_space<hbm>> -> memref<1x1x80xi32, #tpu.memory_space<hbm>>
      %dma_wait3A_65 = tpu.memref_squeeze %dma_wait3A_64 : memref<1x1x80xi32, #tpu.memory_space<hbm>> -> memref<80xi32, #tpu.memory_space<hbm>>
      %dma_wait3A_66 = arith.constant 0 : i32
      %dma_wait3A_67 = tpu.memref_slice %arg4[%add3A, %while3A_28, %dma_wait3A_66] : memref<32x125x80xi32, #tpu.memory_space<hbm>> -> memref<1x1x80xi32, #tpu.memory_space<hbm>>
      %dma_wait3A_68 = tpu.memref_squeeze %dma_wait3A_67 : memref<1x1x80xi32, #tpu.memory_space<hbm>> -> memref<80xi32, #tpu.memory_space<hbm>>
      tpu.wait_dma2 semaphore(%arg17 : memref<!tpu.dma_semaphore, #tpu.memory_space<semaphore_mem>>) src(%dma_wait3A_68 : memref<80xi32, #tpu.memory_space<hbm>>) dst(%arg9 : memref<80xi32, #tpu.memory_space<vmem>>)
      %dma_wait3A_69 = arith.constant 0 : i32
      %dma_wait3A_70 = tpu.memref_slice %arg8[%while3A_28, %dma_wait3A_69] : memref<125x80xi32, #tpu.memory_space<vmem>> -> memref<1x80xi32, #tpu.memory_space<vmem>>
      %dma_wait3A_71 = tpu.memref_squeeze %dma_wait3A_70 : memref<1x80xi32, #tpu.memory_space<vmem>> -> memref<80xi32, #tpu.memory_space<vmem>>
      %dma_wait3A_72 = arith.constant 0 : i32
      %dma_wait3A_73 = arith.constant 0 : i32
      %dma_wait3A_74 = tpu.memref_slice %arg2[%dma_wait3A_72, %dma_wait3A_73] : memref<10000x128xf32, #tpu.memory_space<hbm>> -> memref<10000x128xf32, #tpu.memory_space<hbm>>
      tpu.wait_indirect_dma semaphore(%arg13 : memref<!tpu.dma_semaphore, #tpu.memory_space<semaphore_mem>>) src(%dma_wait3A_74 : memref<10000x128xf32, #tpu.memory_space<hbm>>) dst(%arg11 : memref<80x128xf32, #tpu.memory_space<vmem>>)
      %dma_start3A_75 = arith.constant 0 : i32
      %dma_start3A_76 = arith.constant 0 : i32
      %dma_start3A_77 = tpu.memref_slice %arg7[%dma_start3A_75, %dma_start3A_76] : memref<10112x128xf32, #tpu.memory_space<vmem_shared>> -> memref<10112x128xf32, #tpu.memory_space<vmem_shared>>
      tpu.enqueue_indirect_dma source(%arg11 : memref<80x128xf32, #tpu.memory_space<vmem>>) target(%dma_start3A_77 : memref<10112x128xf32, #tpu.memory_space<vmem_shared>>) offsets(%arg9 : memref<80xi32, #tpu.memory_space<vmem>>) semaphore(%arg15 : memref<!tpu.dma_semaphore, #tpu.memory_space<semaphore_mem>>) {add = true}
      %while3A_78 = arith.constant 0 : i32
      scf.yield %while3A_78 : i32
    }
    %while3A_14 = arith.constant 1 : i32
    %while3A_15 = scf.for %while3A_28 = %while3A_11 to %while3A_7 step %while3A_14 iter_args(%while3A_29 = %while3A_13) -> (i32)  : i32 {
      %dma_start3A_30 = arith.constant 0 : i32
      %dma_start3A_31 = tpu.memref_slice %arg4[%add3A, %while3A_28, %dma_start3A_30] : memref<32x125x80xi32, #tpu.memory_space<hbm>> -> memref<1x1x80xi32, #tpu.memory_space<hbm>>
      %dma_start3A_32 = tpu.memref_squeeze %dma_start3A_31 : memref<1x1x80xi32, #tpu.memory_space<hbm>> -> memref<80xi32, #tpu.memory_space<hbm>>
      %dma_start3A_33 = arith.constant 0 : i32
      %dma_start3A_34 = tpu.memref_slice %arg4[%add3A, %while3A_28, %dma_start3A_33] : memref<32x125x80xi32, #tpu.memory_space<hbm>> -> memref<1x1x80xi32, #tpu.memory_space<hbm>>
      %dma_start3A_35 = tpu.memref_squeeze %dma_start3A_34 : memref<1x1x80xi32, #tpu.memory_space<hbm>> -> memref<80xi32, #tpu.memory_space<hbm>>
      tpu.enqueue_dma source(%dma_start3A_35 : memref<80xi32, #tpu.memory_space<hbm>>) target(%arg9 : memref<80xi32, #tpu.memory_space<vmem>>) target_semaphore(%arg17 : memref<!tpu.dma_semaphore, #tpu.memory_space<semaphore_mem>>)
      %dma_start3A_36 = arith.constant 0 : i32
      %dma_start3A_37 = tpu.memref_slice %arg8[%while3A_28, %dma_start3A_36] : memref<125x80xi32, #tpu.memory_space<vmem>> -> memref<1x80xi32, #tpu.memory_space<vmem>>
      %dma_start3A_38 = tpu.memref_squeeze %dma_start3A_37 : memref<1x80xi32, #tpu.memory_space<vmem>> -> memref<80xi32, #tpu.memory_space<vmem>>
      %dma_start3A_39 = arith.constant 0 : i32
      %dma_start3A_40 = arith.constant 0 : i32
      %dma_start3A_41 = tpu.memref_slice %arg2[%dma_start3A_39, %dma_start3A_40] : memref<10000x128xf32, #tpu.memory_space<hbm>> -> memref<10000x128xf32, #tpu.memory_space<hbm>>
      tpu.enqueue_indirect_dma source(%dma_start3A_41 : memref<10000x128xf32, #tpu.memory_space<hbm>>) target(%arg11 : memref<80x128xf32, #tpu.memory_space<vmem>>) offsets(%dma_start3A_38 : memref<80xi32, #tpu.memory_space<vmem>>) semaphore(%arg13 : memref<!tpu.dma_semaphore, #tpu.memory_space<semaphore_mem>>)
      %add3A_42 = arith.constant 1 : i32
      %add3A_43 = arith.addi %while3A_28, %add3A_42 : i32
      %dma_start3A_44 = arith.constant 0 : i32
      %dma_start3A_45 = tpu.memref_slice %arg4[%add3A, %add3A_43, %dma_start3A_44] : memref<32x125x80xi32, #tpu.memory_space<hbm>> -> memref<1x1x80xi32, #tpu.memory_space<hbm>>
      %dma_start3A_46 = tpu.memref_squeeze %dma_start3A_45 : memref<1x1x80xi32, #tpu.memory_space<hbm>> -> memref<80xi32, #tpu.memory_space<hbm>>
      %dma_start3A_47 = arith.constant 0 : i32
      %dma_start3A_48 = tpu.memref_slice %arg4[%add3A, %add3A_43, %dma_start3A_47] : memref<32x125x80xi32, #tpu.memory_space<hbm>> -> memref<1x1x80xi32, #tpu.memory_space<hbm>>
      %dma_start3A_49 = tpu.memref_squeeze %dma_start3A_48 : memref<1x1x80xi32, #tpu.memory_space<hbm>> -> memref<80xi32, #tpu.memory_space<hbm>>
      tpu.enqueue_dma source(%dma_start3A_49 : memref<80xi32, #tpu.memory_space<hbm>>) target(%arg10 : memref<80xi32, #tpu.memory_space<vmem>>) target_semaphore(%arg18 : memref<!tpu.dma_semaphore, #tpu.memory_space<semaphore_mem>>)
      %add3A_50 = arith.constant 1 : i32
      %add3A_51 = arith.addi %while3A_28, %add3A_50 : i32
      %dma_start3A_52 = arith.constant 0 : i32
      %dma_start3A_53 = tpu.memref_slice %arg8[%add3A_51, %dma_start3A_52] : memref<125x80xi32, #tpu.memory_space<vmem>> -> memref<1x80xi32, #tpu.memory_space<vmem>>
      %dma_start3A_54 = tpu.memref_squeeze %dma_start3A_53 : memref<1x80xi32, #tpu.memory_space<vmem>> -> memref<80xi32, #tpu.memory_space<vmem>>
      %dma_start3A_55 = arith.constant 0 : i32
      %dma_start3A_56 = arith.constant 0 : i32
      %dma_start3A_57 = tpu.memref_slice %arg2[%dma_start3A_55, %dma_start3A_56] : memref<10000x128xf32, #tpu.memory_space<hbm>> -> memref<10000x128xf32, #tpu.memory_space<hbm>>
      tpu.enqueue_indirect_dma source(%dma_start3A_57 : memref<10000x128xf32, #tpu.memory_space<hbm>>) target(%arg12 : memref<80x128xf32, #tpu.memory_space<vmem>>) offsets(%dma_start3A_54 : memref<80xi32, #tpu.memory_space<vmem>>) semaphore(%arg14 : memref<!tpu.dma_semaphore, #tpu.memory_space<semaphore_mem>>)
      %mul3A_58 = arith.constant 632 : i32
      %mul3A_59 = arith.muli %arg1, %mul3A_58 : i32
      %dma_wait3A_60 = arith.constant 0 : i32
      %dma_wait3A_61 = tpu.memref_slice %arg7[%mul3A_59, %dma_wait3A_60] : memref<10112x128xf32, #tpu.memory_space<vmem_shared>> -> memref<632x128xf32, #tpu.memory_space<vmem_shared>>
      tpu.wait_dma2 semaphore(%arg19 : memref<!tpu.dma_semaphore, #tpu.memory_space<semaphore_mem>>) src(%arg5 : memref<632x128xf32, #tpu.memory_space<hbm>>) dst(%dma_wait3A_61 : memref<632x128xf32, #tpu.memory_space<vmem_shared>>)
      %barrier3A_62 = arith.constant 0 : index
      tpu.barrier barrier_id(%barrier3A_62)
      %dma_wait3A_63 = arith.constant 0 : i32
      %dma_wait3A_64 = tpu.memref_slice %arg4[%add3A, %while3A_28, %dma_wait3A_63] : memref<32x125x80xi32, #tpu.memory_space<hbm>> -> memref<1x1x80xi32, #tpu.memory_space<hbm>>
      %dma_wait3A_65 = tpu.memref_squeeze %dma_wait3A_64 : memref<1x1x80xi32, #tpu.memory_space<hbm>> -> memref<80xi32, #tpu.memory_space<hbm>>
      %dma_wait3A_66 = arith.constant 0 : i32
      %dma_wait3A_67 = tpu.memref_slice %arg4[%add3A, %while3A_28, %dma_wait3A_66] : memref<32x125x80xi32, #tpu.memory_space<hbm>> -> memref<1x1x80xi32, #tpu.memory_space<hbm>>
      %dma_wait3A_68 = tpu.memref_squeeze %dma_wait3A_67 : memref<1x1x80xi32, #tpu.memory_space<hbm>> -> memref<80xi32, #tpu.memory_space<hbm>>
      tpu.wait_dma2 semaphore(%arg17 : memref<!tpu.dma_semaphore, #tpu.memory_space<semaphore_mem>>) src(%dma_wait3A_68 : memref<80xi32, #tpu.memory_space<hbm>>) dst(%arg9 : memref<80xi32, #tpu.memory_space<vmem>>)
      %dma_wait3A_69 = arith.constant 0 : i32
      %dma_wait3A_70 = tpu.memref_slice %arg8[%while3A_28, %dma_wait3A_69] : memref<125x80xi32, #tpu.memory_space<vmem>> -> memref<1x80xi32, #tpu.memory_space<vmem>>
      %dma_wait3A_71 = tpu.memref_squeeze %dma_wait3A_70 : memref<1x80xi32, #tpu.memory_space<vmem>> -> memref<80xi32, #tpu.memory_space<vmem>>
      %dma_wait3A_72 = arith.constant 0 : i32
      %dma_wait3A_73 = arith.constant 0 : i32
      %dma_wait3A_74 = tpu.memref_slice %arg2[%dma_wait3A_72, %dma_wait3A_73] : memref<10000x128xf32, #tpu.memory_space<hbm>> -> memref<10000x128xf32, #tpu.memory_space<hbm>>
      tpu.wait_indirect_dma semaphore(%arg13 : memref<!tpu.dma_semaphore, #tpu.memory_space<semaphore_mem>>) src(%dma_wait3A_74 : memref<10000x128xf32, #tpu.memory_space<hbm>>) dst(%arg11 : memref<80x128xf32, #tpu.memory_space<vmem>>)
      %dma_start3A_75 = arith.constant 0 : i32
      %dma_start3A_76 = arith.constant 0 : i32
      %dma_start3A_77 = tpu.memref_slice %arg7[%dma_start3A_75, %dma_start3A_76] : memref<10112x128xf32, #tpu.memory_space<vmem_shared>> -> memref<10112x128xf32, #tpu.memory_space<vmem_shared>>
      tpu.enqueue_indirect_dma source(%arg11 : memref<80x128xf32, #tpu.memory_space<vmem>>) target(%dma_start3A_77 : memref<10112x128xf32, #tpu.memory_space<vmem_shared>>) offsets(%arg9 : memref<80xi32, #tpu.memory_space<vmem>>) semaphore(%arg15 : memref<!tpu.dma_semaphore, #tpu.memory_space<semaphore_mem>>) {add = true}
      %while3A_78 = arith.constant 0 : i32
      scf.yield %while3A_78 : i32
    }
    %scan3A = arith.constant 0 : i32
    %scan3A_16 = arith.constant 0 : i32
    %scan3A_17 = arith.constant 62 : i32
    %scan3A_18 = arith.addi %scan3A_16, %scan3A_17 : i32
    %scan3A_19 = arith.constant 1 : i32
    %scan3A_20 = scf.for %scan3A_28 = %scan3A_16 to %scan3A_18 step %scan3A_19 iter_args(%scan3A_29 = %scan3A) -> (i32)  : i32 {
      %mul3A_30 = arith.constant 2 : i32
      %mul3A_31 = arith.muli %mul3A_30, %scan3A_28 : i32
      %add3A_32 = arith.constant 1 : i32
      %add3A_33 = arith.addi %mul3A_31, %add3A_32 : i32
      %dma_wait3A_34 = arith.constant 0 : i32
      %dma_wait3A_35 = tpu.memref_slice %arg8[%add3A_33, %dma_wait3A_34] : memref<125x80xi32, #tpu.memory_space<vmem>> -> memref<1x80xi32, #tpu.memory_space<vmem>>
      %dma_wait3A_36 = tpu.memref_squeeze %dma_wait3A_35 : memref<1x80xi32, #tpu.memory_space<vmem>> -> memref<80xi32, #tpu.memory_space<vmem>>
      %dma_wait3A_37 = arith.constant 0 : i32
      %dma_wait3A_38 = arith.constant 0 : i32
      %dma_wait3A_39 = tpu.memref_slice %arg2[%dma_wait3A_37, %dma_wait3A_38] : memref<10000x128xf32, #tpu.memory_space<hbm>> -> memref<10000x128xf32, #tpu.memory_space<hbm>>
      tpu.wait_indirect_dma semaphore(%arg14 : memref<!tpu.dma_semaphore, #tpu.memory_space<semaphore_mem>>) src(%dma_wait3A_39 : memref<10000x128xf32, #tpu.memory_space<hbm>>) dst(%arg12 : memref<80x128xf32, #tpu.memory_space<vmem>>)
      %dma_wait3A_40 = arith.constant 0 : i32
      %dma_wait3A_41 = tpu.memref_slice %arg4[%add3A, %add3A_33, %dma_wait3A_40] : memref<32x125x80xi32, #tpu.memory_space<hbm>> -> memref<1x1x80xi32, #tpu.memory_space<hbm>>
      %dma_wait3A_42 = tpu.memref_squeeze %dma_wait3A_41 : memref<1x1x80xi32, #tpu.memory_space<hbm>> -> memref<80xi32, #tpu.memory_space<hbm>>
      %dma_wait3A_43 = arith.constant 0 : i32
      %dma_wait3A_44 = tpu.memref_slice %arg4[%add3A, %add3A_33, %dma_wait3A_43] : memref<32x125x80xi32, #tpu.memory_space<hbm>> -> memref<1x1x80xi32, #tpu.memory_space<hbm>>
      %dma_wait3A_45 = tpu.memref_squeeze %dma_wait3A_44 : memref<1x1x80xi32, #tpu.memory_space<hbm>> -> memref<80xi32, #tpu.memory_space<hbm>>
      tpu.wait_dma2 semaphore(%arg18 : memref<!tpu.dma_semaphore, #tpu.memory_space<semaphore_mem>>) src(%dma_wait3A_45 : memref<80xi32, #tpu.memory_space<hbm>>) dst(%arg10 : memref<80xi32, #tpu.memory_space<vmem>>)
      %dma_start3A_46 = arith.constant 0 : i32
      %dma_start3A_47 = arith.constant 0 : i32
      %dma_start3A_48 = tpu.memref_slice %arg7[%dma_start3A_46, %dma_start3A_47] : memref<10112x128xf32, #tpu.memory_space<vmem_shared>> -> memref<10112x128xf32, #tpu.memory_space<vmem_shared>>
      tpu.enqueue_indirect_dma source(%arg12 : memref<80x128xf32, #tpu.memory_space<vmem>>) target(%dma_start3A_48 : memref<10112x128xf32, #tpu.memory_space<vmem_shared>>) offsets(%arg10 : memref<80xi32, #tpu.memory_space<vmem>>) semaphore(%arg16 : memref<!tpu.dma_semaphore, #tpu.memory_space<semaphore_mem>>) {add = true}
      %dma_wait3A_49 = arith.constant 0 : i32
      %dma_wait3A_50 = arith.constant 0 : i32
      %dma_wait3A_51 = tpu.memref_slice %arg7[%dma_wait3A_49, %dma_wait3A_50] : memref<10112x128xf32, #tpu.memory_space<vmem_shared>> -> memref<10112x128xf32, #tpu.memory_space<vmem_shared>>
      tpu.wait_indirect_dma semaphore(%arg15 : memref<!tpu.dma_semaphore, #tpu.memory_space<semaphore_mem>>) src(%arg11 : memref<80x128xf32, #tpu.memory_space<vmem>>) dst(%dma_wait3A_51 : memref<10112x128xf32, #tpu.memory_space<vmem_shared>>)
      %add3A_52 = arith.constant 1 : i32
      %add3A_53 = arith.addi %add3A_33, %add3A_52 : i32
      %dma_start3A_54 = arith.constant 0 : i32
      %dma_start3A_55 = tpu.memref_slice %arg4[%add3A, %add3A_53, %dma_start3A_54] : memref<32x125x80xi32, #tpu.memory_space<hbm>> -> memref<1x1x80xi32, #tpu.memory_space<hbm>>
      %dma_start3A_56 = tpu.memref_squeeze %dma_start3A_55 : memref<1x1x80xi32, #tpu.memory_space<hbm>> -> memref<80xi32, #tpu.memory_space<hbm>>
      %dma_start3A_57 = arith.constant 0 : i32
      %dma_start3A_58 = tpu.memref_slice %arg4[%add3A, %add3A_53, %dma_start3A_57] : memref<32x125x80xi32, #tpu.memory_space<hbm>> -> memref<1x1x80xi32, #tpu.memory_space<hbm>>
      %dma_start3A_59 = tpu.memref_squeeze %dma_start3A_58 : memref<1x1x80xi32, #tpu.memory_space<hbm>> -> memref<80xi32, #tpu.memory_space<hbm>>
      tpu.enqueue_dma source(%dma_start3A_59 : memref<80xi32, #tpu.memory_space<hbm>>) target(%arg9 : memref<80xi32, #tpu.memory_space<vmem>>) target_semaphore(%arg17 : memref<!tpu.dma_semaphore, #tpu.memory_space<semaphore_mem>>)
      %add3A_60 = arith.constant 1 : i32
      %add3A_61 = arith.addi %add3A_33, %add3A_60 : i32
      %dma_start3A_62 = arith.constant 0 : i32
      %dma_start3A_63 = tpu.memref_slice %arg8[%add3A_61, %dma_start3A_62] : memref<125x80xi32, #tpu.memory_space<vmem>> -> memref<1x80xi32, #tpu.memory_space<vmem>>
      %dma_start3A_64 = tpu.memref_squeeze %dma_start3A_63 : memref<1x80xi32, #tpu.memory_space<vmem>> -> memref<80xi32, #tpu.memory_space<vmem>>
      %dma_start3A_65 = arith.constant 0 : i32
      %dma_start3A_66 = arith.constant 0 : i32
      %dma_start3A_67 = tpu.memref_slice %arg2[%dma_start3A_65, %dma_start3A_66] : memref<10000x128xf32, #tpu.memory_space<hbm>> -> memref<10000x128xf32, #tpu.memory_space<hbm>>
      tpu.enqueue_indirect_dma source(%dma_start3A_67 : memref<10000x128xf32, #tpu.memory_space<hbm>>) target(%arg11 : memref<80x128xf32, #tpu.memory_space<vmem>>) offsets(%dma_start3A_64 : memref<80xi32, #tpu.memory_space<vmem>>) semaphore(%arg13 : memref<!tpu.dma_semaphore, #tpu.memory_space<semaphore_mem>>)
      %add3A_68 = arith.constant 1 : i32
      %add3A_69 = arith.addi %add3A_33, %add3A_68 : i32
      %dma_wait3A_70 = arith.constant 0 : i32
      %dma_wait3A_71 = tpu.memref_slice %arg8[%add3A_69, %dma_wait3A_70] : memref<125x80xi32, #tpu.memory_space<vmem>> -> memref<1x80xi32, #tpu.memory_space<vmem>>
      %dma_wait3A_72 = tpu.memref_squeeze %dma_wait3A_71 : memref<1x80xi32, #tpu.memory_space<vmem>> -> memref<80xi32, #tpu.memory_space<vmem>>
      %dma_wait3A_73 = arith.constant 0 : i32
      %dma_wait3A_74 = arith.constant 0 : i32
      %dma_wait3A_75 = tpu.memref_slice %arg2[%dma_wait3A_73, %dma_wait3A_74] : memref<10000x128xf32, #tpu.memory_space<hbm>> -> memref<10000x128xf32, #tpu.memory_space<hbm>>
      tpu.wait_indirect_dma semaphore(%arg13 : memref<!tpu.dma_semaphore, #tpu.memory_space<semaphore_mem>>) src(%dma_wait3A_75 : memref<10000x128xf32, #tpu.memory_space<hbm>>) dst(%arg11 : memref<80x128xf32, #tpu.memory_space<vmem>>)
      %add3A_76 = arith.constant 1 : i32
      %add3A_77 = arith.addi %add3A_33, %add3A_76 : i32
      %dma_wait3A_78 = arith.constant 0 : i32
      %dma_wait3A_79 = tpu.memref_slice %arg4[%add3A, %add3A_77, %dma_wait3A_78] : memref<32x125x80xi32, #tpu.memory_space<hbm>> -> memref<1x1x80xi32, #tpu.memory_space<hbm>>
      %dma_wait3A_80 = tpu.memref_squeeze %dma_wait3A_79 : memref<1x1x80xi32, #tpu.memory_space<hbm>> -> memref<80xi32, #tpu.memory_space<hbm>>
      %dma_wait3A_81 = arith.constant 0 : i32
      %dma_wait3A_82 = tpu.memref_slice %arg4[%add3A, %add3A_77, %dma_wait3A_81] : memref<32x125x80xi32, #tpu.memory_space<hbm>> -> memref<1x1x80xi32, #tpu.memory_space<hbm>>
      %dma_wait3A_83 = tpu.memref_squeeze %dma_wait3A_82 : memref<1x1x80xi32, #tpu.memory_space<hbm>> -> memref<80xi32, #tpu.memory_space<hbm>>
      tpu.wait_dma2 semaphore(%arg17 : memref<!tpu.dma_semaphore, #tpu.memory_space<semaphore_mem>>) src(%dma_wait3A_83 : memref<80xi32, #tpu.memory_space<hbm>>) dst(%arg9 : memref<80xi32, #tpu.memory_space<vmem>>)
      %dma_start3A_84 = arith.constant 0 : i32
      %dma_start3A_85 = arith.constant 0 : i32
      %dma_start3A_86 = tpu.memref_slice %arg7[%dma_start3A_84, %dma_start3A_85] : memref<10112x128xf32, #tpu.memory_space<vmem_shared>> -> memref<10112x128xf32, #tpu.memory_space<vmem_shared>>
      tpu.enqueue_indirect_dma source(%arg11 : memref<80x128xf32, #tpu.memory_space<vmem>>) target(%dma_start3A_86 : memref<10112x128xf32, #tpu.memory_space<vmem_shared>>) offsets(%arg9 : memref<80xi32, #tpu.memory_space<vmem>>) semaphore(%arg15 : memref<!tpu.dma_semaphore, #tpu.memory_space<semaphore_mem>>) {add = true}
      %dma_wait3A_87 = arith.constant 0 : i32
      %dma_wait3A_88 = arith.constant 0 : i32
      %dma_wait3A_89 = tpu.memref_slice %arg7[%dma_wait3A_87, %dma_wait3A_88] : memref<10112x128xf32, #tpu.memory_space<vmem_shared>> -> memref<10112x128xf32, #tpu.memory_space<vmem_shared>>
      tpu.wait_indirect_dma semaphore(%arg16 : memref<!tpu.dma_semaphore, #tpu.memory_space<semaphore_mem>>) src(%arg12 : memref<80x128xf32, #tpu.memory_space<vmem>>) dst(%dma_wait3A_89 : memref<10112x128xf32, #tpu.memory_space<vmem_shared>>)
      %add3A_90 = arith.constant 2 : i32
      %add3A_91 = arith.addi %add3A_33, %add3A_90 : i32
      %lt3A = arith.constant 125 : i32
      %lt3A_92 = arith.cmpi slt, %add3A_91, %lt3A : i32
      %convert_element_type3A = arith.extui %lt3A_92 : i1 to i32
      %cond3A = arith.constant 0 : i32
      %cond3A_93 = arith.cmpi ne, %convert_element_type3A, %cond3A : i32
      scf.if %cond3A_93 {
        %add3A_95 = arith.constant 2 : i32
        %add3A_96 = arith.addi %add3A_33, %add3A_95 : i32
        %dma_start3A_97 = arith.constant 0 : i32
        %dma_start3A_98 = tpu.memref_slice %arg4[%add3A, %add3A_96, %dma_start3A_97] : memref<32x125x80xi32, #tpu.memory_space<hbm>> -> memref<1x1x80xi32, #tpu.memory_space<hbm>>
        %dma_start3A_99 = tpu.memref_squeeze %dma_start3A_98 : memref<1x1x80xi32, #tpu.memory_space<hbm>> -> memref<80xi32, #tpu.memory_space<hbm>>
        %dma_start3A_100 = arith.constant 0 : i32
        %dma_start3A_101 = tpu.memref_slice %arg4[%add3A, %add3A_96, %dma_start3A_100] : memref<32x125x80xi32, #tpu.memory_space<hbm>> -> memref<1x1x80xi32, #tpu.memory_space<hbm>>
        %dma_start3A_102 = tpu.memref_squeeze %dma_start3A_101 : memref<1x1x80xi32, #tpu.memory_space<hbm>> -> memref<80xi32, #tpu.memory_space<hbm>>
        tpu.enqueue_dma source(%dma_start3A_102 : memref<80xi32, #tpu.memory_space<hbm>>) target(%arg10 : memref<80xi32, #tpu.memory_space<vmem>>) target_semaphore(%arg18 : memref<!tpu.dma_semaphore, #tpu.memory_space<semaphore_mem>>)
        %add3A_103 = arith.constant 2 : i32
        %add3A_104 = arith.addi %add3A_33, %add3A_103 : i32
        %dma_start3A_105 = arith.constant 0 : i32
        %dma_start3A_106 = tpu.memref_slice %arg8[%add3A_104, %dma_start3A_105] : memref<125x80xi32, #tpu.memory_space<vmem>> -> memref<1x80xi32, #tpu.memory_space<vmem>>
        %dma_start3A_107 = tpu.memref_squeeze %dma_start3A_106 : memref<1x80xi32, #tpu.memory_space<vmem>> -> memref<80xi32, #tpu.memory_space<vmem>>
        %dma_start3A_108 = arith.constant 0 : i32
        %dma_start3A_109 = arith.constant 0 : i32
        %dma_start3A_110 = tpu.memref_slice %arg2[%dma_start3A_108, %dma_start3A_109] : memref<10000x128xf32, #tpu.memory_space<hbm>> -> memref<10000x128xf32, #tpu.memory_space<hbm>>
        tpu.enqueue_indirect_dma source(%dma_start3A_110 : memref<10000x128xf32, #tpu.memory_space<hbm>>) target(%arg12 : memref<80x128xf32, #tpu.memory_space<vmem>>) offsets(%dma_start3A_107 : memref<80xi32, #tpu.memory_space<vmem>>) semaphore(%arg14 : memref<!tpu.dma_semaphore, #tpu.memory_space<semaphore_mem>>)
      } else {
      }
      %scan3A_94 = arith.constant 0 : i32
      scf.yield %scan3A_94 : i32
    }
    %scan3A_21 = arith.constant 62 : i32
    %dma_wait3A = arith.constant 0 : i32
    %dma_wait3A_22 = arith.constant 0 : i32
    %dma_wait3A_23 = tpu.memref_slice %arg7[%dma_wait3A, %dma_wait3A_22] : memref<10112x128xf32, #tpu.memory_space<vmem_shared>> -> memref<10112x128xf32, #tpu.memory_space<vmem_shared>>
    tpu.wait_indirect_dma semaphore(%arg15 : memref<!tpu.dma_semaphore, #tpu.memory_space<semaphore_mem>>) src(%arg11 : memref<80x128xf32, #tpu.memory_space<vmem>>) dst(%dma_wait3A_23 : memref<10112x128xf32, #tpu.memory_space<vmem_shared>>)
    %barrier3A = arith.constant 0 : index
    tpu.barrier barrier_id(%barrier3A)
    %mul3A_24 = arith.constant 632 : i32
    %mul3A_25 = arith.muli %arg1, %mul3A_24 : i32
    %mul3A_26 = arith.constant 632 : i32
    %mul3A_27 = arith.muli %arg1, %mul3A_26 : i32
    "tpu.region"() ({
      %run_scoped3A = tpu.sem_alloc : memref<!tpu.dma_semaphore, #tpu.memory_space<semaphore_mem>>
      %dma_start3A_28 = arith.constant 0 : i32
      %dma_start3A_29 = tpu.memref_slice %arg6[%arg0, %mul3A_27, %dma_start3A_28] : memref<2x10112x128xf32, #tpu.memory_space<hbm>> -> memref<1x632x128xf32, #tpu.memory_space<hbm>>
      %dma_start3A_30 = tpu.memref_squeeze %dma_start3A_29 : memref<1x632x128xf32, #tpu.memory_space<hbm>> -> memref<632x128xf32, #tpu.memory_space<hbm>>
      %dma_start3A_31 = arith.constant 0 : i32
      %dma_start3A_32 = tpu.memref_slice %arg7[%mul3A_25, %dma_start3A_31] : memref<10112x128xf32, #tpu.memory_space<vmem_shared>> -> memref<632x128xf32, #tpu.memory_space<vmem_shared>>
      tpu.enqueue_dma source(%dma_start3A_32 : memref<632x128xf32, #tpu.memory_space<vmem_shared>>) target(%dma_start3A_30 : memref<632x128xf32, #tpu.memory_space<hbm>>) target_semaphore(%run_scoped3A : memref<!tpu.dma_semaphore, #tpu.memory_space<semaphore_mem>>)
      %dma_wait3A_33 = arith.constant 0 : i32
      %dma_wait3A_34 = tpu.memref_slice %arg6[%arg0, %mul3A_27, %dma_wait3A_33] : memref<2x10112x128xf32, #tpu.memory_space<hbm>> -> memref<1x632x128xf32, #tpu.memory_space<hbm>>
      %dma_wait3A_35 = tpu.memref_squeeze %dma_wait3A_34 : memref<1x632x128xf32, #tpu.memory_space<hbm>> -> memref<632x128xf32, #tpu.memory_space<hbm>>
      %dma_wait3A_36 = arith.constant 0 : i32
      %dma_wait3A_37 = tpu.memref_slice %arg7[%mul3A_25, %dma_wait3A_36] : memref<10112x128xf32, #tpu.memory_space<vmem_shared>> -> memref<632x128xf32, #tpu.memory_space<vmem_shared>>
      tpu.wait_dma2 semaphore(%run_scoped3A : memref<!tpu.dma_semaphore, #tpu.memory_space<semaphore_mem>>) src(%dma_wait3A_37 : memref<632x128xf32, #tpu.memory_space<vmem_shared>>) dst(%dma_wait3A_35 : memref<632x128xf32, #tpu.memory_space<hbm>>)
      tpu.yield
    }) : () -> ()
    return
  }
}

#map = affine_map<(d0, d1) -> (0, 0)>
#map1 = affine_map<(d0, d1) -> (0, 0, 0)>
module attributes {stable_mosaic.version = 14 : i64} {
  func.func @_sc_agg_body(%arg0: i32, %arg1: i32, %arg2: memref<10000x128xf32, #tpu.memory_space<hbm>>, %arg3: memref<32x125x80xi32, #tpu.memory_space<hbm>>, %arg4: memref<32x125x80xi32, #tpu.memory_space<hbm>>, %arg5: memref<632x128xf32, #tpu.memory_space<hbm>>, %arg6: memref<2x10112x128xf32, #tpu.memory_space<hbm>>, %arg7: memref<10112x128xf32, #tpu.memory_space<vmem_shared>>, %arg8: memref<125x80xi32, #tpu.memory_space<vmem>>, %arg9: memref<80xi32, #tpu.memory_space<vmem>>, %arg10: memref<80xi32, #tpu.memory_space<vmem>>, %arg11: memref<80x128xf32, #tpu.memory_space<vmem>>, %arg12: memref<80x128xf32, #tpu.memory_space<vmem>>, %arg13: memref<!tpu.dma_semaphore, #tpu.memory_space<semaphore_mem>>, %arg14: memref<!tpu.dma_semaphore, #tpu.memory_space<semaphore_mem>>, %arg15: memref<!tpu.dma_semaphore, #tpu.memory_space<semaphore_mem>>, %arg16: memref<!tpu.dma_semaphore, #tpu.memory_space<semaphore_mem>>, %arg17: memref<!tpu.dma_semaphore, #tpu.memory_space<semaphore_mem>>, %arg18: memref<!tpu.dma_semaphore, #tpu.memory_space<semaphore_mem>>, %arg19: memref<!tpu.dma_semaphore, #tpu.memory_space<semaphore_mem>>) attributes {dimension_semantics = [#tpu.dimension_semantics<core_parallel>, #tpu.dimension_semantics<subcore_parallel>], iteration_bounds = array<i64: 2, 16>, scalar_prefetch = 0 : i64, scratch_operands = 13 : i64, tpu.core_type = #tpu.core_type<sc_vector_subcore>, window_params = [{transform_indices = #map}, {transform_indices = #map1}, {transform_indices = #map1}, {transform_indices = #map}, {transform_indices = #map1}]} {
    %mul3A = arith.constant 2 : i32
    %mul3A_0 = arith.muli %arg1, %mul3A : i32
    %add3A = arith.addi %mul3A_0, %arg0 : i32
    %mul3A_1 = arith.constant 632 : i32
    %mul3A_2 = arith.muli %arg1, %mul3A_1 : i32
    %dma_start3A = arith.constant 0 : i32
    %dma_start3A_3 = tpu.memref_slice %arg7[%mul3A_2, %dma_start3A] : memref<10112x128xf32, #tpu.memory_space<vmem_shared>> -> memref<632x128xf32, #tpu.memory_space<vmem_shared>>
    tpu.enqueue_dma source(%arg5 : memref<632x128xf32, #tpu.memory_space<hbm>>) target(%dma_start3A_3 : memref<632x128xf32, #tpu.memory_space<vmem_shared>>) target_semaphore(%arg19 : memref<!tpu.dma_semaphore, #tpu.memory_space<semaphore_mem>>)
    "tpu.region"() ({
      %run_scoped3A = tpu.sem_alloc : memref<!tpu.dma_semaphore, #tpu.memory_space<semaphore_mem>>
      %dma_start3A_28 = arith.constant 0 : i32
      %dma_start3A_29 = arith.constant 0 : i32
      %dma_start3A_30 = tpu.memref_slice %arg3[%add3A, %dma_start3A_28, %dma_start3A_29] : memref<32x125x80xi32, #tpu.memory_space<hbm>> -> memref<1x125x80xi32, #tpu.memory_space<hbm>>
      %dma_start3A_31 = tpu.memref_squeeze %dma_start3A_30 : memref<1x125x80xi32, #tpu.memory_space<hbm>> -> memref<125x80xi32, #tpu.memory_space<hbm>>
      %dma_start3A_32 = arith.constant 0 : i32
      %dma_start3A_33 = arith.constant 0 : i32
      %dma_start3A_34 = tpu.memref_slice %arg3[%add3A, %dma_start3A_32, %dma_start3A_33] : memref<32x125x80xi32, #tpu.memory_space<hbm>> -> memref<1x125x80xi32, #tpu.memory_space<hbm>>
      %dma_start3A_35 = tpu.memref_squeeze %dma_start3A_34 : memref<1x125x80xi32, #tpu.memory_space<hbm>> -> memref<125x80xi32, #tpu.memory_space<hbm>>
      tpu.enqueue_dma source(%dma_start3A_35 : memref<125x80xi32, #tpu.memory_space<hbm>>) target(%arg8 : memref<125x80xi32, #tpu.memory_space<vmem>>) target_semaphore(%run_scoped3A : memref<!tpu.dma_semaphore, #tpu.memory_space<semaphore_mem>>)
      %dma_wait3A_36 = arith.constant 0 : i32
      %dma_wait3A_37 = arith.constant 0 : i32
      %dma_wait3A_38 = tpu.memref_slice %arg3[%add3A, %dma_wait3A_36, %dma_wait3A_37] : memref<32x125x80xi32, #tpu.memory_space<hbm>> -> memref<1x125x80xi32, #tpu.memory_space<hbm>>
      %dma_wait3A_39 = tpu.memref_squeeze %dma_wait3A_38 : memref<1x125x80xi32, #tpu.memory_space<hbm>> -> memref<125x80xi32, #tpu.memory_space<hbm>>
      %dma_wait3A_40 = arith.constant 0 : i32
      %dma_wait3A_41 = arith.constant 0 : i32
      %dma_wait3A_42 = tpu.memref_slice %arg3[%add3A, %dma_wait3A_40, %dma_wait3A_41] : memref<32x125x80xi32, #tpu.memory_space<hbm>> -> memref<1x125x80xi32, #tpu.memory_space<hbm>>
      %dma_wait3A_43 = tpu.memref_squeeze %dma_wait3A_42 : memref<1x125x80xi32, #tpu.memory_space<hbm>> -> memref<125x80xi32, #tpu.memory_space<hbm>>
      tpu.wait_dma2 semaphore(%run_scoped3A : memref<!tpu.dma_semaphore, #tpu.memory_space<semaphore_mem>>) src(%dma_wait3A_43 : memref<125x80xi32, #tpu.memory_space<hbm>>) dst(%arg8 : memref<125x80xi32, #tpu.memory_space<vmem>>)
      tpu.yield
    }) : () -> ()
    %while3A = arith.constant 0 : i32
    %while3A_4 = arith.constant 1 : i32
    %while3A_5 = arith.constant 0 : i32
    %while3A_6 = arith.subi %while3A_4, %while3A : i32
    %while3A_7 = arith.addi %while3A, %while3A_6 : i32
    %while3A_8 = arith.constant 1 : i32
    %while3A_9 = arith.divsi %while3A_6, %while3A_8 : i32
    %while3A_10 = arith.muli %while3A_9, %while3A_8 : i32
    %while3A_11 = arith.addi %while3A, %while3A_10 : i32
    %while3A_12 = arith.constant 1 : i32
    %while3A_13 = scf.for %while3A_28 = %while3A to %while3A_11 step %while3A_12 iter_args(%while3A_29 = %while3A_5) -> (i32)  : i32 {
      %dma_start3A_30 = arith.constant 0 : i32
      %dma_start3A_31 = tpu.memref_slice %arg4[%add3A, %while3A_28, %dma_start3A_30] : memref<32x125x80xi32, #tpu.memory_space<hbm>> -> memref<1x1x80xi32, #tpu.memory_space<hbm>>
      %dma_start3A_32 = tpu.memref_squeeze %dma_start3A_31 : memref<1x1x80xi32, #tpu.memory_space<hbm>> -> memref<80xi32, #tpu.memory_space<hbm>>
      %dma_start3A_33 = arith.constant 0 : i32
      %dma_start3A_34 = tpu.memref_slice %arg4[%add3A, %while3A_28, %dma_start3A_33] : memref<32x125x80xi32, #tpu.memory_space<hbm>> -> memref<1x1x80xi32, #tpu.memory_space<hbm>>
      %dma_start3A_35 = tpu.memref_squeeze %dma_start3A_34 : memref<1x1x80xi32, #tpu.memory_space<hbm>> -> memref<80xi32, #tpu.memory_space<hbm>>
      tpu.enqueue_dma source(%dma_start3A_35 : memref<80xi32, #tpu.memory_space<hbm>>) target(%arg9 : memref<80xi32, #tpu.memory_space<vmem>>) target_semaphore(%arg17 : memref<!tpu.dma_semaphore, #tpu.memory_space<semaphore_mem>>)
      %dma_start3A_36 = arith.constant 0 : i32
      %dma_start3A_37 = tpu.memref_slice %arg8[%while3A_28, %dma_start3A_36] : memref<125x80xi32, #tpu.memory_space<vmem>> -> memref<1x80xi32, #tpu.memory_space<vmem>>
      %dma_start3A_38 = tpu.memref_squeeze %dma_start3A_37 : memref<1x80xi32, #tpu.memory_space<vmem>> -> memref<80xi32, #tpu.memory_space<vmem>>
      %dma_start3A_39 = arith.constant 0 : i32
      %dma_start3A_40 = arith.constant 0 : i32
      %dma_start3A_41 = tpu.memref_slice %arg2[%dma_start3A_39, %dma_start3A_40] : memref<10000x128xf32, #tpu.memory_space<hbm>> -> memref<10000x128xf32, #tpu.memory_space<hbm>>
      tpu.enqueue_indirect_dma source(%dma_start3A_41 : memref<10000x128xf32, #tpu.memory_space<hbm>>) target(%arg11 : memref<80x128xf32, #tpu.memory_space<vmem>>) offsets(%dma_start3A_38 : memref<80xi32, #tpu.memory_space<vmem>>) semaphore(%arg13 : memref<!tpu.dma_semaphore, #tpu.memory_space<semaphore_mem>>)
      %add3A_42 = arith.constant 1 : i32
      %add3A_43 = arith.addi %while3A_28, %add3A_42 : i32
      %dma_start3A_44 = arith.constant 0 : i32
      %dma_start3A_45 = tpu.memref_slice %arg4[%add3A, %add3A_43, %dma_start3A_44] : memref<32x125x80xi32, #tpu.memory_space<hbm>> -> memref<1x1x80xi32, #tpu.memory_space<hbm>>
      %dma_start3A_46 = tpu.memref_squeeze %dma_start3A_45 : memref<1x1x80xi32, #tpu.memory_space<hbm>> -> memref<80xi32, #tpu.memory_space<hbm>>
      %dma_start3A_47 = arith.constant 0 : i32
      %dma_start3A_48 = tpu.memref_slice %arg4[%add3A, %add3A_43, %dma_start3A_47] : memref<32x125x80xi32, #tpu.memory_space<hbm>> -> memref<1x1x80xi32, #tpu.memory_space<hbm>>
      %dma_start3A_49 = tpu.memref_squeeze %dma_start3A_48 : memref<1x1x80xi32, #tpu.memory_space<hbm>> -> memref<80xi32, #tpu.memory_space<hbm>>
      tpu.enqueue_dma source(%dma_start3A_49 : memref<80xi32, #tpu.memory_space<hbm>>) target(%arg10 : memref<80xi32, #tpu.memory_space<vmem>>) target_semaphore(%arg18 : memref<!tpu.dma_semaphore, #tpu.memory_space<semaphore_mem>>)
      %add3A_50 = arith.constant 1 : i32
      %add3A_51 = arith.addi %while3A_28, %add3A_50 : i32
      %dma_start3A_52 = arith.constant 0 : i32
      %dma_start3A_53 = tpu.memref_slice %arg8[%add3A_51, %dma_start3A_52] : memref<125x80xi32, #tpu.memory_space<vmem>> -> memref<1x80xi32, #tpu.memory_space<vmem>>
      %dma_start3A_54 = tpu.memref_squeeze %dma_start3A_53 : memref<1x80xi32, #tpu.memory_space<vmem>> -> memref<80xi32, #tpu.memory_space<vmem>>
      %dma_start3A_55 = arith.constant 0 : i32
      %dma_start3A_56 = arith.constant 0 : i32
      %dma_start3A_57 = tpu.memref_slice %arg2[%dma_start3A_55, %dma_start3A_56] : memref<10000x128xf32, #tpu.memory_space<hbm>> -> memref<10000x128xf32, #tpu.memory_space<hbm>>
      tpu.enqueue_indirect_dma source(%dma_start3A_57 : memref<10000x128xf32, #tpu.memory_space<hbm>>) target(%arg12 : memref<80x128xf32, #tpu.memory_space<vmem>>) offsets(%dma_start3A_54 : memref<80xi32, #tpu.memory_space<vmem>>) semaphore(%arg14 : memref<!tpu.dma_semaphore, #tpu.memory_space<semaphore_mem>>)
      %mul3A_58 = arith.constant 632 : i32
      %mul3A_59 = arith.muli %arg1, %mul3A_58 : i32
      %dma_wait3A_60 = arith.constant 0 : i32
      %dma_wait3A_61 = tpu.memref_slice %arg7[%mul3A_59, %dma_wait3A_60] : memref<10112x128xf32, #tpu.memory_space<vmem_shared>> -> memref<632x128xf32, #tpu.memory_space<vmem_shared>>
      tpu.wait_dma2 semaphore(%arg19 : memref<!tpu.dma_semaphore, #tpu.memory_space<semaphore_mem>>) src(%arg5 : memref<632x128xf32, #tpu.memory_space<hbm>>) dst(%dma_wait3A_61 : memref<632x128xf32, #tpu.memory_space<vmem_shared>>)
      %barrier3A_62 = arith.constant 0 : index
      tpu.barrier barrier_id(%barrier3A_62)
      %dma_wait3A_63 = arith.constant 0 : i32
      %dma_wait3A_64 = tpu.memref_slice %arg4[%add3A, %while3A_28, %dma_wait3A_63] : memref<32x125x80xi32, #tpu.memory_space<hbm>> -> memref<1x1x80xi32, #tpu.memory_space<hbm>>
      %dma_wait3A_65 = tpu.memref_squeeze %dma_wait3A_64 : memref<1x1x80xi32, #tpu.memory_space<hbm>> -> memref<80xi32, #tpu.memory_space<hbm>>
      %dma_wait3A_66 = arith.constant 0 : i32
      %dma_wait3A_67 = tpu.memref_slice %arg4[%add3A, %while3A_28, %dma_wait3A_66] : memref<32x125x80xi32, #tpu.memory_space<hbm>> -> memref<1x1x80xi32, #tpu.memory_space<hbm>>
      %dma_wait3A_68 = tpu.memref_squeeze %dma_wait3A_67 : memref<1x1x80xi32, #tpu.memory_space<hbm>> -> memref<80xi32, #tpu.memory_space<hbm>>
      tpu.wait_dma2 semaphore(%arg17 : memref<!tpu.dma_semaphore, #tpu.memory_space<semaphore_mem>>) src(%dma_wait3A_68 : memref<80xi32, #tpu.memory_space<hbm>>) dst(%arg9 : memref<80xi32, #tpu.memory_space<vmem>>)
      %dma_wait3A_69 = arith.constant 0 : i32
      %dma_wait3A_70 = tpu.memref_slice %arg8[%while3A_28, %dma_wait3A_69] : memref<125x80xi32, #tpu.memory_space<vmem>> -> memref<1x80xi32, #tpu.memory_space<vmem>>
      %dma_wait3A_71 = tpu.memref_squeeze %dma_wait3A_70 : memref<1x80xi32, #tpu.memory_space<vmem>> -> memref<80xi32, #tpu.memory_space<vmem>>
      %dma_wait3A_72 = arith.constant 0 : i32
      %dma_wait3A_73 = arith.constant 0 : i32
      %dma_wait3A_74 = tpu.memref_slice %arg2[%dma_wait3A_72, %dma_wait3A_73] : memref<10000x128xf32, #tpu.memory_space<hbm>> -> memref<10000x128xf32, #tpu.memory_space<hbm>>
      tpu.wait_indirect_dma semaphore(%arg13 : memref<!tpu.dma_semaphore, #tpu.memory_space<semaphore_mem>>) src(%dma_wait3A_74 : memref<10000x128xf32, #tpu.memory_space<hbm>>) dst(%arg11 : memref<80x128xf32, #tpu.memory_space<vmem>>)
      %dma_start3A_75 = arith.constant 0 : i32
      %dma_start3A_76 = arith.constant 0 : i32
      %dma_start3A_77 = tpu.memref_slice %arg7[%dma_start3A_75, %dma_start3A_76] : memref<10112x128xf32, #tpu.memory_space<vmem_shared>> -> memref<10112x128xf32, #tpu.memory_space<vmem_shared>>
      tpu.enqueue_indirect_dma source(%arg11 : memref<80x128xf32, #tpu.memory_space<vmem>>) target(%dma_start3A_77 : memref<10112x128xf32, #tpu.memory_space<vmem_shared>>) offsets(%arg9 : memref<80xi32, #tpu.memory_space<vmem>>) semaphore(%arg15 : memref<!tpu.dma_semaphore, #tpu.memory_space<semaphore_mem>>) {add = true}
      %while3A_78 = arith.constant 0 : i32
      scf.yield %while3A_78 : i32
    }
    %while3A_14 = arith.constant 1 : i32
    %while3A_15 = scf.for %while3A_28 = %while3A_11 to %while3A_7 step %while3A_14 iter_args(%while3A_29 = %while3A_13) -> (i32)  : i32 {
      %dma_start3A_30 = arith.constant 0 : i32
      %dma_start3A_31 = tpu.memref_slice %arg4[%add3A, %while3A_28, %dma_start3A_30] : memref<32x125x80xi32, #tpu.memory_space<hbm>> -> memref<1x1x80xi32, #tpu.memory_space<hbm>>
      %dma_start3A_32 = tpu.memref_squeeze %dma_start3A_31 : memref<1x1x80xi32, #tpu.memory_space<hbm>> -> memref<80xi32, #tpu.memory_space<hbm>>
      %dma_start3A_33 = arith.constant 0 : i32
      %dma_start3A_34 = tpu.memref_slice %arg4[%add3A, %while3A_28, %dma_start3A_33] : memref<32x125x80xi32, #tpu.memory_space<hbm>> -> memref<1x1x80xi32, #tpu.memory_space<hbm>>
      %dma_start3A_35 = tpu.memref_squeeze %dma_start3A_34 : memref<1x1x80xi32, #tpu.memory_space<hbm>> -> memref<80xi32, #tpu.memory_space<hbm>>
      tpu.enqueue_dma source(%dma_start3A_35 : memref<80xi32, #tpu.memory_space<hbm>>) target(%arg9 : memref<80xi32, #tpu.memory_space<vmem>>) target_semaphore(%arg17 : memref<!tpu.dma_semaphore, #tpu.memory_space<semaphore_mem>>)
      %dma_start3A_36 = arith.constant 0 : i32
      %dma_start3A_37 = tpu.memref_slice %arg8[%while3A_28, %dma_start3A_36] : memref<125x80xi32, #tpu.memory_space<vmem>> -> memref<1x80xi32, #tpu.memory_space<vmem>>
      %dma_start3A_38 = tpu.memref_squeeze %dma_start3A_37 : memref<1x80xi32, #tpu.memory_space<vmem>> -> memref<80xi32, #tpu.memory_space<vmem>>
      %dma_start3A_39 = arith.constant 0 : i32
      %dma_start3A_40 = arith.constant 0 : i32
      %dma_start3A_41 = tpu.memref_slice %arg2[%dma_start3A_39, %dma_start3A_40] : memref<10000x128xf32, #tpu.memory_space<hbm>> -> memref<10000x128xf32, #tpu.memory_space<hbm>>
      tpu.enqueue_indirect_dma source(%dma_start3A_41 : memref<10000x128xf32, #tpu.memory_space<hbm>>) target(%arg11 : memref<80x128xf32, #tpu.memory_space<vmem>>) offsets(%dma_start3A_38 : memref<80xi32, #tpu.memory_space<vmem>>) semaphore(%arg13 : memref<!tpu.dma_semaphore, #tpu.memory_space<semaphore_mem>>)
      %add3A_42 = arith.constant 1 : i32
      %add3A_43 = arith.addi %while3A_28, %add3A_42 : i32
      %dma_start3A_44 = arith.constant 0 : i32
      %dma_start3A_45 = tpu.memref_slice %arg4[%add3A, %add3A_43, %dma_start3A_44] : memref<32x125x80xi32, #tpu.memory_space<hbm>> -> memref<1x1x80xi32, #tpu.memory_space<hbm>>
      %dma_start3A_46 = tpu.memref_squeeze %dma_start3A_45 : memref<1x1x80xi32, #tpu.memory_space<hbm>> -> memref<80xi32, #tpu.memory_space<hbm>>
      %dma_start3A_47 = arith.constant 0 : i32
      %dma_start3A_48 = tpu.memref_slice %arg4[%add3A, %add3A_43, %dma_start3A_47] : memref<32x125x80xi32, #tpu.memory_space<hbm>> -> memref<1x1x80xi32, #tpu.memory_space<hbm>>
      %dma_start3A_49 = tpu.memref_squeeze %dma_start3A_48 : memref<1x1x80xi32, #tpu.memory_space<hbm>> -> memref<80xi32, #tpu.memory_space<hbm>>
      tpu.enqueue_dma source(%dma_start3A_49 : memref<80xi32, #tpu.memory_space<hbm>>) target(%arg10 : memref<80xi32, #tpu.memory_space<vmem>>) target_semaphore(%arg18 : memref<!tpu.dma_semaphore, #tpu.memory_space<semaphore_mem>>)
      %add3A_50 = arith.constant 1 : i32
      %add3A_51 = arith.addi %while3A_28, %add3A_50 : i32
      %dma_start3A_52 = arith.constant 0 : i32
      %dma_start3A_53 = tpu.memref_slice %arg8[%add3A_51, %dma_start3A_52] : memref<125x80xi32, #tpu.memory_space<vmem>> -> memref<1x80xi32, #tpu.memory_space<vmem>>
      %dma_start3A_54 = tpu.memref_squeeze %dma_start3A_53 : memref<1x80xi32, #tpu.memory_space<vmem>> -> memref<80xi32, #tpu.memory_space<vmem>>
      %dma_start3A_55 = arith.constant 0 : i32
      %dma_start3A_56 = arith.constant 0 : i32
      %dma_start3A_57 = tpu.memref_slice %arg2[%dma_start3A_55, %dma_start3A_56] : memref<10000x128xf32, #tpu.memory_space<hbm>> -> memref<10000x128xf32, #tpu.memory_space<hbm>>
      tpu.enqueue_indirect_dma source(%dma_start3A_57 : memref<10000x128xf32, #tpu.memory_space<hbm>>) target(%arg12 : memref<80x128xf32, #tpu.memory_space<vmem>>) offsets(%dma_start3A_54 : memref<80xi32, #tpu.memory_space<vmem>>) semaphore(%arg14 : memref<!tpu.dma_semaphore, #tpu.memory_space<semaphore_mem>>)
      %mul3A_58 = arith.constant 632 : i32
      %mul3A_59 = arith.muli %arg1, %mul3A_58 : i32
      %dma_wait3A_60 = arith.constant 0 : i32
      %dma_wait3A_61 = tpu.memref_slice %arg7[%mul3A_59, %dma_wait3A_60] : memref<10112x128xf32, #tpu.memory_space<vmem_shared>> -> memref<632x128xf32, #tpu.memory_space<vmem_shared>>
      tpu.wait_dma2 semaphore(%arg19 : memref<!tpu.dma_semaphore, #tpu.memory_space<semaphore_mem>>) src(%arg5 : memref<632x128xf32, #tpu.memory_space<hbm>>) dst(%dma_wait3A_61 : memref<632x128xf32, #tpu.memory_space<vmem_shared>>)
      %barrier3A_62 = arith.constant 0 : index
      tpu.barrier barrier_id(%barrier3A_62)
      %dma_wait3A_63 = arith.constant 0 : i32
      %dma_wait3A_64 = tpu.memref_slice %arg4[%add3A, %while3A_28, %dma_wait3A_63] : memref<32x125x80xi32, #tpu.memory_space<hbm>> -> memref<1x1x80xi32, #tpu.memory_space<hbm>>
      %dma_wait3A_65 = tpu.memref_squeeze %dma_wait3A_64 : memref<1x1x80xi32, #tpu.memory_space<hbm>> -> memref<80xi32, #tpu.memory_space<hbm>>
      %dma_wait3A_66 = arith.constant 0 : i32
      %dma_wait3A_67 = tpu.memref_slice %arg4[%add3A, %while3A_28, %dma_wait3A_66] : memref<32x125x80xi32, #tpu.memory_space<hbm>> -> memref<1x1x80xi32, #tpu.memory_space<hbm>>
      %dma_wait3A_68 = tpu.memref_squeeze %dma_wait3A_67 : memref<1x1x80xi32, #tpu.memory_space<hbm>> -> memref<80xi32, #tpu.memory_space<hbm>>
      tpu.wait_dma2 semaphore(%arg17 : memref<!tpu.dma_semaphore, #tpu.memory_space<semaphore_mem>>) src(%dma_wait3A_68 : memref<80xi32, #tpu.memory_space<hbm>>) dst(%arg9 : memref<80xi32, #tpu.memory_space<vmem>>)
      %dma_wait3A_69 = arith.constant 0 : i32
      %dma_wait3A_70 = tpu.memref_slice %arg8[%while3A_28, %dma_wait3A_69] : memref<125x80xi32, #tpu.memory_space<vmem>> -> memref<1x80xi32, #tpu.memory_space<vmem>>
      %dma_wait3A_71 = tpu.memref_squeeze %dma_wait3A_70 : memref<1x80xi32, #tpu.memory_space<vmem>> -> memref<80xi32, #tpu.memory_space<vmem>>
      %dma_wait3A_72 = arith.constant 0 : i32
      %dma_wait3A_73 = arith.constant 0 : i32
      %dma_wait3A_74 = tpu.memref_slice %arg2[%dma_wait3A_72, %dma_wait3A_73] : memref<10000x128xf32, #tpu.memory_space<hbm>> -> memref<10000x128xf32, #tpu.memory_space<hbm>>
      tpu.wait_indirect_dma semaphore(%arg13 : memref<!tpu.dma_semaphore, #tpu.memory_space<semaphore_mem>>) src(%dma_wait3A_74 : memref<10000x128xf32, #tpu.memory_space<hbm>>) dst(%arg11 : memref<80x128xf32, #tpu.memory_space<vmem>>)
      %dma_start3A_75 = arith.constant 0 : i32
      %dma_start3A_76 = arith.constant 0 : i32
      %dma_start3A_77 = tpu.memref_slice %arg7[%dma_start3A_75, %dma_start3A_76] : memref<10112x128xf32, #tpu.memory_space<vmem_shared>> -> memref<10112x128xf32, #tpu.memory_space<vmem_shared>>
      tpu.enqueue_indirect_dma source(%arg11 : memref<80x128xf32, #tpu.memory_space<vmem>>) target(%dma_start3A_77 : memref<10112x128xf32, #tpu.memory_space<vmem_shared>>) offsets(%arg9 : memref<80xi32, #tpu.memory_space<vmem>>) semaphore(%arg15 : memref<!tpu.dma_semaphore, #tpu.memory_space<semaphore_mem>>) {add = true}
      %while3A_78 = arith.constant 0 : i32
      scf.yield %while3A_78 : i32
    }
    %scan3A = arith.constant 0 : i32
    %scan3A_16 = arith.constant 0 : i32
    %scan3A_17 = arith.constant 62 : i32
    %scan3A_18 = arith.addi %scan3A_16, %scan3A_17 : i32
    %scan3A_19 = arith.constant 1 : i32
    %scan3A_20 = scf.for %scan3A_28 = %scan3A_16 to %scan3A_18 step %scan3A_19 iter_args(%scan3A_29 = %scan3A) -> (i32)  : i32 {
      %mul3A_30 = arith.constant 2 : i32
      %mul3A_31 = arith.muli %mul3A_30, %scan3A_28 : i32
      %add3A_32 = arith.constant 1 : i32
      %add3A_33 = arith.addi %mul3A_31, %add3A_32 : i32
      %dma_wait3A_34 = arith.constant 0 : i32
      %dma_wait3A_35 = tpu.memref_slice %arg8[%add3A_33, %dma_wait3A_34] : memref<125x80xi32, #tpu.memory_space<vmem>> -> memref<1x80xi32, #tpu.memory_space<vmem>>
      %dma_wait3A_36 = tpu.memref_squeeze %dma_wait3A_35 : memref<1x80xi32, #tpu.memory_space<vmem>> -> memref<80xi32, #tpu.memory_space<vmem>>
      %dma_wait3A_37 = arith.constant 0 : i32
      %dma_wait3A_38 = arith.constant 0 : i32
      %dma_wait3A_39 = tpu.memref_slice %arg2[%dma_wait3A_37, %dma_wait3A_38] : memref<10000x128xf32, #tpu.memory_space<hbm>> -> memref<10000x128xf32, #tpu.memory_space<hbm>>
      tpu.wait_indirect_dma semaphore(%arg14 : memref<!tpu.dma_semaphore, #tpu.memory_space<semaphore_mem>>) src(%dma_wait3A_39 : memref<10000x128xf32, #tpu.memory_space<hbm>>) dst(%arg12 : memref<80x128xf32, #tpu.memory_space<vmem>>)
      %dma_wait3A_40 = arith.constant 0 : i32
      %dma_wait3A_41 = tpu.memref_slice %arg4[%add3A, %add3A_33, %dma_wait3A_40] : memref<32x125x80xi32, #tpu.memory_space<hbm>> -> memref<1x1x80xi32, #tpu.memory_space<hbm>>
      %dma_wait3A_42 = tpu.memref_squeeze %dma_wait3A_41 : memref<1x1x80xi32, #tpu.memory_space<hbm>> -> memref<80xi32, #tpu.memory_space<hbm>>
      %dma_wait3A_43 = arith.constant 0 : i32
      %dma_wait3A_44 = tpu.memref_slice %arg4[%add3A, %add3A_33, %dma_wait3A_43] : memref<32x125x80xi32, #tpu.memory_space<hbm>> -> memref<1x1x80xi32, #tpu.memory_space<hbm>>
      %dma_wait3A_45 = tpu.memref_squeeze %dma_wait3A_44 : memref<1x1x80xi32, #tpu.memory_space<hbm>> -> memref<80xi32, #tpu.memory_space<hbm>>
      tpu.wait_dma2 semaphore(%arg18 : memref<!tpu.dma_semaphore, #tpu.memory_space<semaphore_mem>>) src(%dma_wait3A_45 : memref<80xi32, #tpu.memory_space<hbm>>) dst(%arg10 : memref<80xi32, #tpu.memory_space<vmem>>)
      %dma_start3A_46 = arith.constant 0 : i32
      %dma_start3A_47 = arith.constant 0 : i32
      %dma_start3A_48 = tpu.memref_slice %arg7[%dma_start3A_46, %dma_start3A_47] : memref<10112x128xf32, #tpu.memory_space<vmem_shared>> -> memref<10112x128xf32, #tpu.memory_space<vmem_shared>>
      tpu.enqueue_indirect_dma source(%arg12 : memref<80x128xf32, #tpu.memory_space<vmem>>) target(%dma_start3A_48 : memref<10112x128xf32, #tpu.memory_space<vmem_shared>>) offsets(%arg10 : memref<80xi32, #tpu.memory_space<vmem>>) semaphore(%arg16 : memref<!tpu.dma_semaphore, #tpu.memory_space<semaphore_mem>>) {add = true}
      %dma_wait3A_49 = arith.constant 0 : i32
      %dma_wait3A_50 = arith.constant 0 : i32
      %dma_wait3A_51 = tpu.memref_slice %arg7[%dma_wait3A_49, %dma_wait3A_50] : memref<10112x128xf32, #tpu.memory_space<vmem_shared>> -> memref<10112x128xf32, #tpu.memory_space<vmem_shared>>
      tpu.wait_indirect_dma semaphore(%arg15 : memref<!tpu.dma_semaphore, #tpu.memory_space<semaphore_mem>>) src(%arg11 : memref<80x128xf32, #tpu.memory_space<vmem>>) dst(%dma_wait3A_51 : memref<10112x128xf32, #tpu.memory_space<vmem_shared>>)
      %add3A_52 = arith.constant 1 : i32
      %add3A_53 = arith.addi %add3A_33, %add3A_52 : i32
      %dma_start3A_54 = arith.constant 0 : i32
      %dma_start3A_55 = tpu.memref_slice %arg4[%add3A, %add3A_53, %dma_start3A_54] : memref<32x125x80xi32, #tpu.memory_space<hbm>> -> memref<1x1x80xi32, #tpu.memory_space<hbm>>
      %dma_start3A_56 = tpu.memref_squeeze %dma_start3A_55 : memref<1x1x80xi32, #tpu.memory_space<hbm>> -> memref<80xi32, #tpu.memory_space<hbm>>
      %dma_start3A_57 = arith.constant 0 : i32
      %dma_start3A_58 = tpu.memref_slice %arg4[%add3A, %add3A_53, %dma_start3A_57] : memref<32x125x80xi32, #tpu.memory_space<hbm>> -> memref<1x1x80xi32, #tpu.memory_space<hbm>>
      %dma_start3A_59 = tpu.memref_squeeze %dma_start3A_58 : memref<1x1x80xi32, #tpu.memory_space<hbm>> -> memref<80xi32, #tpu.memory_space<hbm>>
      tpu.enqueue_dma source(%dma_start3A_59 : memref<80xi32, #tpu.memory_space<hbm>>) target(%arg9 : memref<80xi32, #tpu.memory_space<vmem>>) target_semaphore(%arg17 : memref<!tpu.dma_semaphore, #tpu.memory_space<semaphore_mem>>)
      %add3A_60 = arith.constant 1 : i32
      %add3A_61 = arith.addi %add3A_33, %add3A_60 : i32
      %dma_start3A_62 = arith.constant 0 : i32
      %dma_start3A_63 = tpu.memref_slice %arg8[%add3A_61, %dma_start3A_62] : memref<125x80xi32, #tpu.memory_space<vmem>> -> memref<1x80xi32, #tpu.memory_space<vmem>>
      %dma_start3A_64 = tpu.memref_squeeze %dma_start3A_63 : memref<1x80xi32, #tpu.memory_space<vmem>> -> memref<80xi32, #tpu.memory_space<vmem>>
      %dma_start3A_65 = arith.constant 0 : i32
      %dma_start3A_66 = arith.constant 0 : i32
      %dma_start3A_67 = tpu.memref_slice %arg2[%dma_start3A_65, %dma_start3A_66] : memref<10000x128xf32, #tpu.memory_space<hbm>> -> memref<10000x128xf32, #tpu.memory_space<hbm>>
      tpu.enqueue_indirect_dma source(%dma_start3A_67 : memref<10000x128xf32, #tpu.memory_space<hbm>>) target(%arg11 : memref<80x128xf32, #tpu.memory_space<vmem>>) offsets(%dma_start3A_64 : memref<80xi32, #tpu.memory_space<vmem>>) semaphore(%arg13 : memref<!tpu.dma_semaphore, #tpu.memory_space<semaphore_mem>>)
      %add3A_68 = arith.constant 1 : i32
      %add3A_69 = arith.addi %add3A_33, %add3A_68 : i32
      %dma_wait3A_70 = arith.constant 0 : i32
      %dma_wait3A_71 = tpu.memref_slice %arg8[%add3A_69, %dma_wait3A_70] : memref<125x80xi32, #tpu.memory_space<vmem>> -> memref<1x80xi32, #tpu.memory_space<vmem>>
      %dma_wait3A_72 = tpu.memref_squeeze %dma_wait3A_71 : memref<1x80xi32, #tpu.memory_space<vmem>> -> memref<80xi32, #tpu.memory_space<vmem>>
      %dma_wait3A_73 = arith.constant 0 : i32
      %dma_wait3A_74 = arith.constant 0 : i32
      %dma_wait3A_75 = tpu.memref_slice %arg2[%dma_wait3A_73, %dma_wait3A_74] : memref<10000x128xf32, #tpu.memory_space<hbm>> -> memref<10000x128xf32, #tpu.memory_space<hbm>>
      tpu.wait_indirect_dma semaphore(%arg13 : memref<!tpu.dma_semaphore, #tpu.memory_space<semaphore_mem>>) src(%dma_wait3A_75 : memref<10000x128xf32, #tpu.memory_space<hbm>>) dst(%arg11 : memref<80x128xf32, #tpu.memory_space<vmem>>)
      %add3A_76 = arith.constant 1 : i32
      %add3A_77 = arith.addi %add3A_33, %add3A_76 : i32
      %dma_wait3A_78 = arith.constant 0 : i32
      %dma_wait3A_79 = tpu.memref_slice %arg4[%add3A, %add3A_77, %dma_wait3A_78] : memref<32x125x80xi32, #tpu.memory_space<hbm>> -> memref<1x1x80xi32, #tpu.memory_space<hbm>>
      %dma_wait3A_80 = tpu.memref_squeeze %dma_wait3A_79 : memref<1x1x80xi32, #tpu.memory_space<hbm>> -> memref<80xi32, #tpu.memory_space<hbm>>
      %dma_wait3A_81 = arith.constant 0 : i32
      %dma_wait3A_82 = tpu.memref_slice %arg4[%add3A, %add3A_77, %dma_wait3A_81] : memref<32x125x80xi32, #tpu.memory_space<hbm>> -> memref<1x1x80xi32, #tpu.memory_space<hbm>>
      %dma_wait3A_83 = tpu.memref_squeeze %dma_wait3A_82 : memref<1x1x80xi32, #tpu.memory_space<hbm>> -> memref<80xi32, #tpu.memory_space<hbm>>
      tpu.wait_dma2 semaphore(%arg17 : memref<!tpu.dma_semaphore, #tpu.memory_space<semaphore_mem>>) src(%dma_wait3A_83 : memref<80xi32, #tpu.memory_space<hbm>>) dst(%arg9 : memref<80xi32, #tpu.memory_space<vmem>>)
      %dma_start3A_84 = arith.constant 0 : i32
      %dma_start3A_85 = arith.constant 0 : i32
      %dma_start3A_86 = tpu.memref_slice %arg7[%dma_start3A_84, %dma_start3A_85] : memref<10112x128xf32, #tpu.memory_space<vmem_shared>> -> memref<10112x128xf32, #tpu.memory_space<vmem_shared>>
      tpu.enqueue_indirect_dma source(%arg11 : memref<80x128xf32, #tpu.memory_space<vmem>>) target(%dma_start3A_86 : memref<10112x128xf32, #tpu.memory_space<vmem_shared>>) offsets(%arg9 : memref<80xi32, #tpu.memory_space<vmem>>) semaphore(%arg15 : memref<!tpu.dma_semaphore, #tpu.memory_space<semaphore_mem>>) {add = true}
      %dma_wait3A_87 = arith.constant 0 : i32
      %dma_wait3A_88 = arith.constant 0 : i32
      %dma_wait3A_89 = tpu.memref_slice %arg7[%dma_wait3A_87, %dma_wait3A_88] : memref<10112x128xf32, #tpu.memory_space<vmem_shared>> -> memref<10112x128xf32, #tpu.memory_space<vmem_shared>>
      tpu.wait_indirect_dma semaphore(%arg16 : memref<!tpu.dma_semaphore, #tpu.memory_space<semaphore_mem>>) src(%arg12 : memref<80x128xf32, #tpu.memory_space<vmem>>) dst(%dma_wait3A_89 : memref<10112x128xf32, #tpu.memory_space<vmem_shared>>)
      %add3A_90 = arith.constant 2 : i32
      %add3A_91 = arith.addi %add3A_33, %add3A_90 : i32
      %lt3A = arith.constant 125 : i32
      %lt3A_92 = arith.cmpi slt, %add3A_91, %lt3A : i32
      %convert_element_type3A = arith.extui %lt3A_92 : i1 to i32
      %cond3A = arith.constant 0 : i32
      %cond3A_93 = arith.cmpi ne, %convert_element_type3A, %cond3A : i32
      scf.if %cond3A_93 {
        %add3A_95 = arith.constant 2 : i32
        %add3A_96 = arith.addi %add3A_33, %add3A_95 : i32
        %dma_start3A_97 = arith.constant 0 : i32
        %dma_start3A_98 = tpu.memref_slice %arg4[%add3A, %add3A_96, %dma_start3A_97] : memref<32x125x80xi32, #tpu.memory_space<hbm>> -> memref<1x1x80xi32, #tpu.memory_space<hbm>>
        %dma_start3A_99 = tpu.memref_squeeze %dma_start3A_98 : memref<1x1x80xi32, #tpu.memory_space<hbm>> -> memref<80xi32, #tpu.memory_space<hbm>>
        %dma_start3A_100 = arith.constant 0 : i32
        %dma_start3A_101 = tpu.memref_slice %arg4[%add3A, %add3A_96, %dma_start3A_100] : memref<32x125x80xi32, #tpu.memory_space<hbm>> -> memref<1x1x80xi32, #tpu.memory_space<hbm>>
        %dma_start3A_102 = tpu.memref_squeeze %dma_start3A_101 : memref<1x1x80xi32, #tpu.memory_space<hbm>> -> memref<80xi32, #tpu.memory_space<hbm>>
        tpu.enqueue_dma source(%dma_start3A_102 : memref<80xi32, #tpu.memory_space<hbm>>) target(%arg10 : memref<80xi32, #tpu.memory_space<vmem>>) target_semaphore(%arg18 : memref<!tpu.dma_semaphore, #tpu.memory_space<semaphore_mem>>)
        %add3A_103 = arith.constant 2 : i32
        %add3A_104 = arith.addi %add3A_33, %add3A_103 : i32
        %dma_start3A_105 = arith.constant 0 : i32
        %dma_start3A_106 = tpu.memref_slice %arg8[%add3A_104, %dma_start3A_105] : memref<125x80xi32, #tpu.memory_space<vmem>> -> memref<1x80xi32, #tpu.memory_space<vmem>>
        %dma_start3A_107 = tpu.memref_squeeze %dma_start3A_106 : memref<1x80xi32, #tpu.memory_space<vmem>> -> memref<80xi32, #tpu.memory_space<vmem>>
        %dma_start3A_108 = arith.constant 0 : i32
        %dma_start3A_109 = arith.constant 0 : i32
        %dma_start3A_110 = tpu.memref_slice %arg2[%dma_start3A_108, %dma_start3A_109] : memref<10000x128xf32, #tpu.memory_space<hbm>> -> memref<10000x128xf32, #tpu.memory_space<hbm>>
        tpu.enqueue_indirect_dma source(%dma_start3A_110 : memref<10000x128xf32, #tpu.memory_space<hbm>>) target(%arg12 : memref<80x128xf32, #tpu.memory_space<vmem>>) offsets(%dma_start3A_107 : memref<80xi32, #tpu.memory_space<vmem>>) semaphore(%arg14 : memref<!tpu.dma_semaphore, #tpu.memory_space<semaphore_mem>>)
      } else {
      }
      %scan3A_94 = arith.constant 0 : i32
      scf.yield %scan3A_94 : i32
    }
    %scan3A_21 = arith.constant 62 : i32
    %dma_wait3A = arith.constant 0 : i32
    %dma_wait3A_22 = arith.constant 0 : i32
    %dma_wait3A_23 = tpu.memref_slice %arg7[%dma_wait3A, %dma_wait3A_22] : memref<10112x128xf32, #tpu.memory_space<vmem_shared>> -> memref<10112x128xf32, #tpu.memory_space<vmem_shared>>
    tpu.wait_indirect_dma semaphore(%arg15 : memref<!tpu.dma_semaphore, #tpu.memory_space<semaphore_mem>>) src(%arg11 : memref<80x128xf32, #tpu.memory_space<vmem>>) dst(%dma_wait3A_23 : memref<10112x128xf32, #tpu.memory_space<vmem_shared>>)
    %barrier3A = arith.constant 0 : index
    tpu.barrier barrier_id(%barrier3A)
    %mul3A_24 = arith.constant 632 : i32
    %mul3A_25 = arith.muli %arg1, %mul3A_24 : i32
    %mul3A_26 = arith.constant 632 : i32
    %mul3A_27 = arith.muli %arg1, %mul3A_26 : i32
    "tpu.region"() ({
      %run_scoped3A = tpu.sem_alloc : memref<!tpu.dma_semaphore, #tpu.memory_space<semaphore_mem>>
      %dma_start3A_28 = arith.constant 0 : i32
      %dma_start3A_29 = tpu.memref_slice %arg6[%arg0, %mul3A_27, %dma_start3A_28] : memref<2x10112x128xf32, #tpu.memory_space<hbm>> -> memref<1x632x128xf32, #tpu.memory_space<hbm>>
      %dma_start3A_30 = tpu.memref_squeeze %dma_start3A_29 : memref<1x632x128xf32, #tpu.memory_space<hbm>> -> memref<632x128xf32, #tpu.memory_space<hbm>>
      %dma_start3A_31 = arith.constant 0 : i32
      %dma_start3A_32 = tpu.memref_slice %arg7[%mul3A_25, %dma_start3A_31] : memref<10112x128xf32, #tpu.memory_space<vmem_shared>> -> memref<632x128xf32, #tpu.memory_space<vmem_shared>>
      tpu.enqueue_dma source(%dma_start3A_32 : memref<632x128xf32, #tpu.memory_space<vmem_shared>>) target(%dma_start3A_30 : memref<632x128xf32, #tpu.memory_space<hbm>>) target_semaphore(%run_scoped3A : memref<!tpu.dma_semaphore, #tpu.memory_space<semaphore_mem>>)
      %dma_wait3A_33 = arith.constant 0 : i32
      %dma_wait3A_34 = tpu.memref_slice %arg6[%arg0, %mul3A_27, %dma_wait3A_33] : memref<2x10112x128xf32, #tpu.memory_space<hbm>> -> memref<1x632x128xf32, #tpu.memory_space<hbm>>
      %dma_wait3A_35 = tpu.memref_squeeze %dma_wait3A_34 : memref<1x632x128xf32, #tpu.memory_space<hbm>> -> memref<632x128xf32, #tpu.memory_space<hbm>>
      %dma_wait3A_36 = arith.constant 0 : i32
      %dma_wait3A_37 = tpu.memref_slice %arg7[%mul3A_25, %dma_wait3A_36] : memref<10112x128xf32, #tpu.memory_space<vmem_shared>> -> memref<632x128xf32, #tpu.memory_space<vmem_shared>>
      tpu.wait_dma2 semaphore(%run_scoped3A : memref<!tpu.dma_semaphore, #tpu.memory_space<semaphore_mem>>) src(%dma_wait3A_37 : memref<632x128xf32, #tpu.memory_space<vmem_shared>>) dst(%dma_wait3A_35 : memref<632x128xf32, #tpu.memory_space<hbm>>)
      tpu.yield
    }) : () -> ()
    return
  }
}

#map = affine_map<(d0, d1) -> (0, 0)>
#map1 = affine_map<(d0, d1) -> (0, 0, 0)>
module attributes {stable_mosaic.version = 14 : i64} {
  func.func @_sc_agg_body(%arg0: i32, %arg1: i32, %arg2: memref<10000x128xf32, #tpu.memory_space<hbm>>, %arg3: memref<32x125x80xi32, #tpu.memory_space<hbm>>, %arg4: memref<32x125x80xi32, #tpu.memory_space<hbm>>, %arg5: memref<632x128xf32, #tpu.memory_space<hbm>>, %arg6: memref<2x10112x128xf32, #tpu.memory_space<hbm>>, %arg7: memref<10112x128xf32, #tpu.memory_space<vmem_shared>>, %arg8: memref<125x80xi32, #tpu.memory_space<vmem>>, %arg9: memref<80xi32, #tpu.memory_space<vmem>>, %arg10: memref<80xi32, #tpu.memory_space<vmem>>, %arg11: memref<80x128xf32, #tpu.memory_space<vmem>>, %arg12: memref<80x128xf32, #tpu.memory_space<vmem>>, %arg13: memref<!tpu.dma_semaphore, #tpu.memory_space<semaphore_mem>>, %arg14: memref<!tpu.dma_semaphore, #tpu.memory_space<semaphore_mem>>, %arg15: memref<!tpu.dma_semaphore, #tpu.memory_space<semaphore_mem>>, %arg16: memref<!tpu.dma_semaphore, #tpu.memory_space<semaphore_mem>>, %arg17: memref<!tpu.dma_semaphore, #tpu.memory_space<semaphore_mem>>, %arg18: memref<!tpu.dma_semaphore, #tpu.memory_space<semaphore_mem>>, %arg19: memref<!tpu.dma_semaphore, #tpu.memory_space<semaphore_mem>>) attributes {dimension_semantics = [#tpu.dimension_semantics<core_parallel>, #tpu.dimension_semantics<subcore_parallel>], iteration_bounds = array<i64: 2, 16>, scalar_prefetch = 0 : i64, scratch_operands = 13 : i64, tpu.core_type = #tpu.core_type<sc_vector_subcore>, window_params = [{transform_indices = #map}, {transform_indices = #map1}, {transform_indices = #map1}, {transform_indices = #map}, {transform_indices = #map1}]} {
    %mul3A = arith.constant 2 : i32
    %mul3A_0 = arith.muli %arg1, %mul3A : i32
    %add3A = arith.addi %mul3A_0, %arg0 : i32
    %mul3A_1 = arith.constant 632 : i32
    %mul3A_2 = arith.muli %arg1, %mul3A_1 : i32
    %dma_start3A = arith.constant 0 : i32
    %dma_start3A_3 = tpu.memref_slice %arg7[%mul3A_2, %dma_start3A] : memref<10112x128xf32, #tpu.memory_space<vmem_shared>> -> memref<632x128xf32, #tpu.memory_space<vmem_shared>>
    tpu.enqueue_dma source(%arg5 : memref<632x128xf32, #tpu.memory_space<hbm>>) target(%dma_start3A_3 : memref<632x128xf32, #tpu.memory_space<vmem_shared>>) target_semaphore(%arg19 : memref<!tpu.dma_semaphore, #tpu.memory_space<semaphore_mem>>)
    "tpu.region"() ({
      %run_scoped3A = tpu.sem_alloc : memref<!tpu.dma_semaphore, #tpu.memory_space<semaphore_mem>>
      %dma_start3A_28 = arith.constant 0 : i32
      %dma_start3A_29 = arith.constant 0 : i32
      %dma_start3A_30 = tpu.memref_slice %arg3[%add3A, %dma_start3A_28, %dma_start3A_29] : memref<32x125x80xi32, #tpu.memory_space<hbm>> -> memref<1x125x80xi32, #tpu.memory_space<hbm>>
      %dma_start3A_31 = tpu.memref_squeeze %dma_start3A_30 : memref<1x125x80xi32, #tpu.memory_space<hbm>> -> memref<125x80xi32, #tpu.memory_space<hbm>>
      %dma_start3A_32 = arith.constant 0 : i32
      %dma_start3A_33 = arith.constant 0 : i32
      %dma_start3A_34 = tpu.memref_slice %arg3[%add3A, %dma_start3A_32, %dma_start3A_33] : memref<32x125x80xi32, #tpu.memory_space<hbm>> -> memref<1x125x80xi32, #tpu.memory_space<hbm>>
      %dma_start3A_35 = tpu.memref_squeeze %dma_start3A_34 : memref<1x125x80xi32, #tpu.memory_space<hbm>> -> memref<125x80xi32, #tpu.memory_space<hbm>>
      tpu.enqueue_dma source(%dma_start3A_35 : memref<125x80xi32, #tpu.memory_space<hbm>>) target(%arg8 : memref<125x80xi32, #tpu.memory_space<vmem>>) target_semaphore(%run_scoped3A : memref<!tpu.dma_semaphore, #tpu.memory_space<semaphore_mem>>)
      %dma_wait3A_36 = arith.constant 0 : i32
      %dma_wait3A_37 = arith.constant 0 : i32
      %dma_wait3A_38 = tpu.memref_slice %arg3[%add3A, %dma_wait3A_36, %dma_wait3A_37] : memref<32x125x80xi32, #tpu.memory_space<hbm>> -> memref<1x125x80xi32, #tpu.memory_space<hbm>>
      %dma_wait3A_39 = tpu.memref_squeeze %dma_wait3A_38 : memref<1x125x80xi32, #tpu.memory_space<hbm>> -> memref<125x80xi32, #tpu.memory_space<hbm>>
      %dma_wait3A_40 = arith.constant 0 : i32
      %dma_wait3A_41 = arith.constant 0 : i32
      %dma_wait3A_42 = tpu.memref_slice %arg3[%add3A, %dma_wait3A_40, %dma_wait3A_41] : memref<32x125x80xi32, #tpu.memory_space<hbm>> -> memref<1x125x80xi32, #tpu.memory_space<hbm>>
      %dma_wait3A_43 = tpu.memref_squeeze %dma_wait3A_42 : memref<1x125x80xi32, #tpu.memory_space<hbm>> -> memref<125x80xi32, #tpu.memory_space<hbm>>
      tpu.wait_dma2 semaphore(%run_scoped3A : memref<!tpu.dma_semaphore, #tpu.memory_space<semaphore_mem>>) src(%dma_wait3A_43 : memref<125x80xi32, #tpu.memory_space<hbm>>) dst(%arg8 : memref<125x80xi32, #tpu.memory_space<vmem>>)
      tpu.yield
    }) : () -> ()
    %while3A = arith.constant 0 : i32
    %while3A_4 = arith.constant 1 : i32
    %while3A_5 = arith.constant 0 : i32
    %while3A_6 = arith.subi %while3A_4, %while3A : i32
    %while3A_7 = arith.addi %while3A, %while3A_6 : i32
    %while3A_8 = arith.constant 1 : i32
    %while3A_9 = arith.divsi %while3A_6, %while3A_8 : i32
    %while3A_10 = arith.muli %while3A_9, %while3A_8 : i32
    %while3A_11 = arith.addi %while3A, %while3A_10 : i32
    %while3A_12 = arith.constant 1 : i32
    %while3A_13 = scf.for %while3A_28 = %while3A to %while3A_11 step %while3A_12 iter_args(%while3A_29 = %while3A_5) -> (i32)  : i32 {
      %dma_start3A_30 = arith.constant 0 : i32
      %dma_start3A_31 = tpu.memref_slice %arg4[%add3A, %while3A_28, %dma_start3A_30] : memref<32x125x80xi32, #tpu.memory_space<hbm>> -> memref<1x1x80xi32, #tpu.memory_space<hbm>>
      %dma_start3A_32 = tpu.memref_squeeze %dma_start3A_31 : memref<1x1x80xi32, #tpu.memory_space<hbm>> -> memref<80xi32, #tpu.memory_space<hbm>>
      %dma_start3A_33 = arith.constant 0 : i32
      %dma_start3A_34 = tpu.memref_slice %arg4[%add3A, %while3A_28, %dma_start3A_33] : memref<32x125x80xi32, #tpu.memory_space<hbm>> -> memref<1x1x80xi32, #tpu.memory_space<hbm>>
      %dma_start3A_35 = tpu.memref_squeeze %dma_start3A_34 : memref<1x1x80xi32, #tpu.memory_space<hbm>> -> memref<80xi32, #tpu.memory_space<hbm>>
      tpu.enqueue_dma source(%dma_start3A_35 : memref<80xi32, #tpu.memory_space<hbm>>) target(%arg9 : memref<80xi32, #tpu.memory_space<vmem>>) target_semaphore(%arg17 : memref<!tpu.dma_semaphore, #tpu.memory_space<semaphore_mem>>)
      %dma_start3A_36 = arith.constant 0 : i32
      %dma_start3A_37 = tpu.memref_slice %arg8[%while3A_28, %dma_start3A_36] : memref<125x80xi32, #tpu.memory_space<vmem>> -> memref<1x80xi32, #tpu.memory_space<vmem>>
      %dma_start3A_38 = tpu.memref_squeeze %dma_start3A_37 : memref<1x80xi32, #tpu.memory_space<vmem>> -> memref<80xi32, #tpu.memory_space<vmem>>
      %dma_start3A_39 = arith.constant 0 : i32
      %dma_start3A_40 = arith.constant 0 : i32
      %dma_start3A_41 = tpu.memref_slice %arg2[%dma_start3A_39, %dma_start3A_40] : memref<10000x128xf32, #tpu.memory_space<hbm>> -> memref<10000x128xf32, #tpu.memory_space<hbm>>
      tpu.enqueue_indirect_dma source(%dma_start3A_41 : memref<10000x128xf32, #tpu.memory_space<hbm>>) target(%arg11 : memref<80x128xf32, #tpu.memory_space<vmem>>) offsets(%dma_start3A_38 : memref<80xi32, #tpu.memory_space<vmem>>) semaphore(%arg13 : memref<!tpu.dma_semaphore, #tpu.memory_space<semaphore_mem>>)
      %add3A_42 = arith.constant 1 : i32
      %add3A_43 = arith.addi %while3A_28, %add3A_42 : i32
      %dma_start3A_44 = arith.constant 0 : i32
      %dma_start3A_45 = tpu.memref_slice %arg4[%add3A, %add3A_43, %dma_start3A_44] : memref<32x125x80xi32, #tpu.memory_space<hbm>> -> memref<1x1x80xi32, #tpu.memory_space<hbm>>
      %dma_start3A_46 = tpu.memref_squeeze %dma_start3A_45 : memref<1x1x80xi32, #tpu.memory_space<hbm>> -> memref<80xi32, #tpu.memory_space<hbm>>
      %dma_start3A_47 = arith.constant 0 : i32
      %dma_start3A_48 = tpu.memref_slice %arg4[%add3A, %add3A_43, %dma_start3A_47] : memref<32x125x80xi32, #tpu.memory_space<hbm>> -> memref<1x1x80xi32, #tpu.memory_space<hbm>>
      %dma_start3A_49 = tpu.memref_squeeze %dma_start3A_48 : memref<1x1x80xi32, #tpu.memory_space<hbm>> -> memref<80xi32, #tpu.memory_space<hbm>>
      tpu.enqueue_dma source(%dma_start3A_49 : memref<80xi32, #tpu.memory_space<hbm>>) target(%arg10 : memref<80xi32, #tpu.memory_space<vmem>>) target_semaphore(%arg18 : memref<!tpu.dma_semaphore, #tpu.memory_space<semaphore_mem>>)
      %add3A_50 = arith.constant 1 : i32
      %add3A_51 = arith.addi %while3A_28, %add3A_50 : i32
      %dma_start3A_52 = arith.constant 0 : i32
      %dma_start3A_53 = tpu.memref_slice %arg8[%add3A_51, %dma_start3A_52] : memref<125x80xi32, #tpu.memory_space<vmem>> -> memref<1x80xi32, #tpu.memory_space<vmem>>
      %dma_start3A_54 = tpu.memref_squeeze %dma_start3A_53 : memref<1x80xi32, #tpu.memory_space<vmem>> -> memref<80xi32, #tpu.memory_space<vmem>>
      %dma_start3A_55 = arith.constant 0 : i32
      %dma_start3A_56 = arith.constant 0 : i32
      %dma_start3A_57 = tpu.memref_slice %arg2[%dma_start3A_55, %dma_start3A_56] : memref<10000x128xf32, #tpu.memory_space<hbm>> -> memref<10000x128xf32, #tpu.memory_space<hbm>>
      tpu.enqueue_indirect_dma source(%dma_start3A_57 : memref<10000x128xf32, #tpu.memory_space<hbm>>) target(%arg12 : memref<80x128xf32, #tpu.memory_space<vmem>>) offsets(%dma_start3A_54 : memref<80xi32, #tpu.memory_space<vmem>>) semaphore(%arg14 : memref<!tpu.dma_semaphore, #tpu.memory_space<semaphore_mem>>)
      %mul3A_58 = arith.constant 632 : i32
      %mul3A_59 = arith.muli %arg1, %mul3A_58 : i32
      %dma_wait3A_60 = arith.constant 0 : i32
      %dma_wait3A_61 = tpu.memref_slice %arg7[%mul3A_59, %dma_wait3A_60] : memref<10112x128xf32, #tpu.memory_space<vmem_shared>> -> memref<632x128xf32, #tpu.memory_space<vmem_shared>>
      tpu.wait_dma2 semaphore(%arg19 : memref<!tpu.dma_semaphore, #tpu.memory_space<semaphore_mem>>) src(%arg5 : memref<632x128xf32, #tpu.memory_space<hbm>>) dst(%dma_wait3A_61 : memref<632x128xf32, #tpu.memory_space<vmem_shared>>)
      %barrier3A_62 = arith.constant 0 : index
      tpu.barrier barrier_id(%barrier3A_62)
      %dma_wait3A_63 = arith.constant 0 : i32
      %dma_wait3A_64 = tpu.memref_slice %arg4[%add3A, %while3A_28, %dma_wait3A_63] : memref<32x125x80xi32, #tpu.memory_space<hbm>> -> memref<1x1x80xi32, #tpu.memory_space<hbm>>
      %dma_wait3A_65 = tpu.memref_squeeze %dma_wait3A_64 : memref<1x1x80xi32, #tpu.memory_space<hbm>> -> memref<80xi32, #tpu.memory_space<hbm>>
      %dma_wait3A_66 = arith.constant 0 : i32
      %dma_wait3A_67 = tpu.memref_slice %arg4[%add3A, %while3A_28, %dma_wait3A_66] : memref<32x125x80xi32, #tpu.memory_space<hbm>> -> memref<1x1x80xi32, #tpu.memory_space<hbm>>
      %dma_wait3A_68 = tpu.memref_squeeze %dma_wait3A_67 : memref<1x1x80xi32, #tpu.memory_space<hbm>> -> memref<80xi32, #tpu.memory_space<hbm>>
      tpu.wait_dma2 semaphore(%arg17 : memref<!tpu.dma_semaphore, #tpu.memory_space<semaphore_mem>>) src(%dma_wait3A_68 : memref<80xi32, #tpu.memory_space<hbm>>) dst(%arg9 : memref<80xi32, #tpu.memory_space<vmem>>)
      %dma_wait3A_69 = arith.constant 0 : i32
      %dma_wait3A_70 = tpu.memref_slice %arg8[%while3A_28, %dma_wait3A_69] : memref<125x80xi32, #tpu.memory_space<vmem>> -> memref<1x80xi32, #tpu.memory_space<vmem>>
      %dma_wait3A_71 = tpu.memref_squeeze %dma_wait3A_70 : memref<1x80xi32, #tpu.memory_space<vmem>> -> memref<80xi32, #tpu.memory_space<vmem>>
      %dma_wait3A_72 = arith.constant 0 : i32
      %dma_wait3A_73 = arith.constant 0 : i32
      %dma_wait3A_74 = tpu.memref_slice %arg2[%dma_wait3A_72, %dma_wait3A_73] : memref<10000x128xf32, #tpu.memory_space<hbm>> -> memref<10000x128xf32, #tpu.memory_space<hbm>>
      tpu.wait_indirect_dma semaphore(%arg13 : memref<!tpu.dma_semaphore, #tpu.memory_space<semaphore_mem>>) src(%dma_wait3A_74 : memref<10000x128xf32, #tpu.memory_space<hbm>>) dst(%arg11 : memref<80x128xf32, #tpu.memory_space<vmem>>)
      %dma_start3A_75 = arith.constant 0 : i32
      %dma_start3A_76 = arith.constant 0 : i32
      %dma_start3A_77 = tpu.memref_slice %arg7[%dma_start3A_75, %dma_start3A_76] : memref<10112x128xf32, #tpu.memory_space<vmem_shared>> -> memref<10112x128xf32, #tpu.memory_space<vmem_shared>>
      tpu.enqueue_indirect_dma source(%arg11 : memref<80x128xf32, #tpu.memory_space<vmem>>) target(%dma_start3A_77 : memref<10112x128xf32, #tpu.memory_space<vmem_shared>>) offsets(%arg9 : memref<80xi32, #tpu.memory_space<vmem>>) semaphore(%arg15 : memref<!tpu.dma_semaphore, #tpu.memory_space<semaphore_mem>>) {add = true}
      %while3A_78 = arith.constant 0 : i32
      scf.yield %while3A_78 : i32
    }
    %while3A_14 = arith.constant 1 : i32
    %while3A_15 = scf.for %while3A_28 = %while3A_11 to %while3A_7 step %while3A_14 iter_args(%while3A_29 = %while3A_13) -> (i32)  : i32 {
      %dma_start3A_30 = arith.constant 0 : i32
      %dma_start3A_31 = tpu.memref_slice %arg4[%add3A, %while3A_28, %dma_start3A_30] : memref<32x125x80xi32, #tpu.memory_space<hbm>> -> memref<1x1x80xi32, #tpu.memory_space<hbm>>
      %dma_start3A_32 = tpu.memref_squeeze %dma_start3A_31 : memref<1x1x80xi32, #tpu.memory_space<hbm>> -> memref<80xi32, #tpu.memory_space<hbm>>
      %dma_start3A_33 = arith.constant 0 : i32
      %dma_start3A_34 = tpu.memref_slice %arg4[%add3A, %while3A_28, %dma_start3A_33] : memref<32x125x80xi32, #tpu.memory_space<hbm>> -> memref<1x1x80xi32, #tpu.memory_space<hbm>>
      %dma_start3A_35 = tpu.memref_squeeze %dma_start3A_34 : memref<1x1x80xi32, #tpu.memory_space<hbm>> -> memref<80xi32, #tpu.memory_space<hbm>>
      tpu.enqueue_dma source(%dma_start3A_35 : memref<80xi32, #tpu.memory_space<hbm>>) target(%arg9 : memref<80xi32, #tpu.memory_space<vmem>>) target_semaphore(%arg17 : memref<!tpu.dma_semaphore, #tpu.memory_space<semaphore_mem>>)
      %dma_start3A_36 = arith.constant 0 : i32
      %dma_start3A_37 = tpu.memref_slice %arg8[%while3A_28, %dma_start3A_36] : memref<125x80xi32, #tpu.memory_space<vmem>> -> memref<1x80xi32, #tpu.memory_space<vmem>>
      %dma_start3A_38 = tpu.memref_squeeze %dma_start3A_37 : memref<1x80xi32, #tpu.memory_space<vmem>> -> memref<80xi32, #tpu.memory_space<vmem>>
      %dma_start3A_39 = arith.constant 0 : i32
      %dma_start3A_40 = arith.constant 0 : i32
      %dma_start3A_41 = tpu.memref_slice %arg2[%dma_start3A_39, %dma_start3A_40] : memref<10000x128xf32, #tpu.memory_space<hbm>> -> memref<10000x128xf32, #tpu.memory_space<hbm>>
      tpu.enqueue_indirect_dma source(%dma_start3A_41 : memref<10000x128xf32, #tpu.memory_space<hbm>>) target(%arg11 : memref<80x128xf32, #tpu.memory_space<vmem>>) offsets(%dma_start3A_38 : memref<80xi32, #tpu.memory_space<vmem>>) semaphore(%arg13 : memref<!tpu.dma_semaphore, #tpu.memory_space<semaphore_mem>>)
      %add3A_42 = arith.constant 1 : i32
      %add3A_43 = arith.addi %while3A_28, %add3A_42 : i32
      %dma_start3A_44 = arith.constant 0 : i32
      %dma_start3A_45 = tpu.memref_slice %arg4[%add3A, %add3A_43, %dma_start3A_44] : memref<32x125x80xi32, #tpu.memory_space<hbm>> -> memref<1x1x80xi32, #tpu.memory_space<hbm>>
      %dma_start3A_46 = tpu.memref_squeeze %dma_start3A_45 : memref<1x1x80xi32, #tpu.memory_space<hbm>> -> memref<80xi32, #tpu.memory_space<hbm>>
      %dma_start3A_47 = arith.constant 0 : i32
      %dma_start3A_48 = tpu.memref_slice %arg4[%add3A, %add3A_43, %dma_start3A_47] : memref<32x125x80xi32, #tpu.memory_space<hbm>> -> memref<1x1x80xi32, #tpu.memory_space<hbm>>
      %dma_start3A_49 = tpu.memref_squeeze %dma_start3A_48 : memref<1x1x80xi32, #tpu.memory_space<hbm>> -> memref<80xi32, #tpu.memory_space<hbm>>
      tpu.enqueue_dma source(%dma_start3A_49 : memref<80xi32, #tpu.memory_space<hbm>>) target(%arg10 : memref<80xi32, #tpu.memory_space<vmem>>) target_semaphore(%arg18 : memref<!tpu.dma_semaphore, #tpu.memory_space<semaphore_mem>>)
      %add3A_50 = arith.constant 1 : i32
      %add3A_51 = arith.addi %while3A_28, %add3A_50 : i32
      %dma_start3A_52 = arith.constant 0 : i32
      %dma_start3A_53 = tpu.memref_slice %arg8[%add3A_51, %dma_start3A_52] : memref<125x80xi32, #tpu.memory_space<vmem>> -> memref<1x80xi32, #tpu.memory_space<vmem>>
      %dma_start3A_54 = tpu.memref_squeeze %dma_start3A_53 : memref<1x80xi32, #tpu.memory_space<vmem>> -> memref<80xi32, #tpu.memory_space<vmem>>
      %dma_start3A_55 = arith.constant 0 : i32
      %dma_start3A_56 = arith.constant 0 : i32
      %dma_start3A_57 = tpu.memref_slice %arg2[%dma_start3A_55, %dma_start3A_56] : memref<10000x128xf32, #tpu.memory_space<hbm>> -> memref<10000x128xf32, #tpu.memory_space<hbm>>
      tpu.enqueue_indirect_dma source(%dma_start3A_57 : memref<10000x128xf32, #tpu.memory_space<hbm>>) target(%arg12 : memref<80x128xf32, #tpu.memory_space<vmem>>) offsets(%dma_start3A_54 : memref<80xi32, #tpu.memory_space<vmem>>) semaphore(%arg14 : memref<!tpu.dma_semaphore, #tpu.memory_space<semaphore_mem>>)
      %mul3A_58 = arith.constant 632 : i32
      %mul3A_59 = arith.muli %arg1, %mul3A_58 : i32
      %dma_wait3A_60 = arith.constant 0 : i32
      %dma_wait3A_61 = tpu.memref_slice %arg7[%mul3A_59, %dma_wait3A_60] : memref<10112x128xf32, #tpu.memory_space<vmem_shared>> -> memref<632x128xf32, #tpu.memory_space<vmem_shared>>
      tpu.wait_dma2 semaphore(%arg19 : memref<!tpu.dma_semaphore, #tpu.memory_space<semaphore_mem>>) src(%arg5 : memref<632x128xf32, #tpu.memory_space<hbm>>) dst(%dma_wait3A_61 : memref<632x128xf32, #tpu.memory_space<vmem_shared>>)
      %barrier3A_62 = arith.constant 0 : index
      tpu.barrier barrier_id(%barrier3A_62)
      %dma_wait3A_63 = arith.constant 0 : i32
      %dma_wait3A_64 = tpu.memref_slice %arg4[%add3A, %while3A_28, %dma_wait3A_63] : memref<32x125x80xi32, #tpu.memory_space<hbm>> -> memref<1x1x80xi32, #tpu.memory_space<hbm>>
      %dma_wait3A_65 = tpu.memref_squeeze %dma_wait3A_64 : memref<1x1x80xi32, #tpu.memory_space<hbm>> -> memref<80xi32, #tpu.memory_space<hbm>>
      %dma_wait3A_66 = arith.constant 0 : i32
      %dma_wait3A_67 = tpu.memref_slice %arg4[%add3A, %while3A_28, %dma_wait3A_66] : memref<32x125x80xi32, #tpu.memory_space<hbm>> -> memref<1x1x80xi32, #tpu.memory_space<hbm>>
      %dma_wait3A_68 = tpu.memref_squeeze %dma_wait3A_67 : memref<1x1x80xi32, #tpu.memory_space<hbm>> -> memref<80xi32, #tpu.memory_space<hbm>>
      tpu.wait_dma2 semaphore(%arg17 : memref<!tpu.dma_semaphore, #tpu.memory_space<semaphore_mem>>) src(%dma_wait3A_68 : memref<80xi32, #tpu.memory_space<hbm>>) dst(%arg9 : memref<80xi32, #tpu.memory_space<vmem>>)
      %dma_wait3A_69 = arith.constant 0 : i32
      %dma_wait3A_70 = tpu.memref_slice %arg8[%while3A_28, %dma_wait3A_69] : memref<125x80xi32, #tpu.memory_space<vmem>> -> memref<1x80xi32, #tpu.memory_space<vmem>>
      %dma_wait3A_71 = tpu.memref_squeeze %dma_wait3A_70 : memref<1x80xi32, #tpu.memory_space<vmem>> -> memref<80xi32, #tpu.memory_space<vmem>>
      %dma_wait3A_72 = arith.constant 0 : i32
      %dma_wait3A_73 = arith.constant 0 : i32
      %dma_wait3A_74 = tpu.memref_slice %arg2[%dma_wait3A_72, %dma_wait3A_73] : memref<10000x128xf32, #tpu.memory_space<hbm>> -> memref<10000x128xf32, #tpu.memory_space<hbm>>
      tpu.wait_indirect_dma semaphore(%arg13 : memref<!tpu.dma_semaphore, #tpu.memory_space<semaphore_mem>>) src(%dma_wait3A_74 : memref<10000x128xf32, #tpu.memory_space<hbm>>) dst(%arg11 : memref<80x128xf32, #tpu.memory_space<vmem>>)
      %dma_start3A_75 = arith.constant 0 : i32
      %dma_start3A_76 = arith.constant 0 : i32
      %dma_start3A_77 = tpu.memref_slice %arg7[%dma_start3A_75, %dma_start3A_76] : memref<10112x128xf32, #tpu.memory_space<vmem_shared>> -> memref<10112x128xf32, #tpu.memory_space<vmem_shared>>
      tpu.enqueue_indirect_dma source(%arg11 : memref<80x128xf32, #tpu.memory_space<vmem>>) target(%dma_start3A_77 : memref<10112x128xf32, #tpu.memory_space<vmem_shared>>) offsets(%arg9 : memref<80xi32, #tpu.memory_space<vmem>>) semaphore(%arg15 : memref<!tpu.dma_semaphore, #tpu.memory_space<semaphore_mem>>) {add = true}
      %while3A_78 = arith.constant 0 : i32
      scf.yield %while3A_78 : i32
    }
    %scan3A = arith.constant 0 : i32
    %scan3A_16 = arith.constant 0 : i32
    %scan3A_17 = arith.constant 62 : i32
    %scan3A_18 = arith.addi %scan3A_16, %scan3A_17 : i32
    %scan3A_19 = arith.constant 1 : i32
    %scan3A_20 = scf.for %scan3A_28 = %scan3A_16 to %scan3A_18 step %scan3A_19 iter_args(%scan3A_29 = %scan3A) -> (i32)  : i32 {
      %mul3A_30 = arith.constant 2 : i32
      %mul3A_31 = arith.muli %mul3A_30, %scan3A_28 : i32
      %add3A_32 = arith.constant 1 : i32
      %add3A_33 = arith.addi %mul3A_31, %add3A_32 : i32
      %dma_wait3A_34 = arith.constant 0 : i32
      %dma_wait3A_35 = tpu.memref_slice %arg8[%add3A_33, %dma_wait3A_34] : memref<125x80xi32, #tpu.memory_space<vmem>> -> memref<1x80xi32, #tpu.memory_space<vmem>>
      %dma_wait3A_36 = tpu.memref_squeeze %dma_wait3A_35 : memref<1x80xi32, #tpu.memory_space<vmem>> -> memref<80xi32, #tpu.memory_space<vmem>>
      %dma_wait3A_37 = arith.constant 0 : i32
      %dma_wait3A_38 = arith.constant 0 : i32
      %dma_wait3A_39 = tpu.memref_slice %arg2[%dma_wait3A_37, %dma_wait3A_38] : memref<10000x128xf32, #tpu.memory_space<hbm>> -> memref<10000x128xf32, #tpu.memory_space<hbm>>
      tpu.wait_indirect_dma semaphore(%arg14 : memref<!tpu.dma_semaphore, #tpu.memory_space<semaphore_mem>>) src(%dma_wait3A_39 : memref<10000x128xf32, #tpu.memory_space<hbm>>) dst(%arg12 : memref<80x128xf32, #tpu.memory_space<vmem>>)
      %dma_wait3A_40 = arith.constant 0 : i32
      %dma_wait3A_41 = tpu.memref_slice %arg4[%add3A, %add3A_33, %dma_wait3A_40] : memref<32x125x80xi32, #tpu.memory_space<hbm>> -> memref<1x1x80xi32, #tpu.memory_space<hbm>>
      %dma_wait3A_42 = tpu.memref_squeeze %dma_wait3A_41 : memref<1x1x80xi32, #tpu.memory_space<hbm>> -> memref<80xi32, #tpu.memory_space<hbm>>
      %dma_wait3A_43 = arith.constant 0 : i32
      %dma_wait3A_44 = tpu.memref_slice %arg4[%add3A, %add3A_33, %dma_wait3A_43] : memref<32x125x80xi32, #tpu.memory_space<hbm>> -> memref<1x1x80xi32, #tpu.memory_space<hbm>>
      %dma_wait3A_45 = tpu.memref_squeeze %dma_wait3A_44 : memref<1x1x80xi32, #tpu.memory_space<hbm>> -> memref<80xi32, #tpu.memory_space<hbm>>
      tpu.wait_dma2 semaphore(%arg18 : memref<!tpu.dma_semaphore, #tpu.memory_space<semaphore_mem>>) src(%dma_wait3A_45 : memref<80xi32, #tpu.memory_space<hbm>>) dst(%arg10 : memref<80xi32, #tpu.memory_space<vmem>>)
      %dma_start3A_46 = arith.constant 0 : i32
      %dma_start3A_47 = arith.constant 0 : i32
      %dma_start3A_48 = tpu.memref_slice %arg7[%dma_start3A_46, %dma_start3A_47] : memref<10112x128xf32, #tpu.memory_space<vmem_shared>> -> memref<10112x128xf32, #tpu.memory_space<vmem_shared>>
      tpu.enqueue_indirect_dma source(%arg12 : memref<80x128xf32, #tpu.memory_space<vmem>>) target(%dma_start3A_48 : memref<10112x128xf32, #tpu.memory_space<vmem_shared>>) offsets(%arg10 : memref<80xi32, #tpu.memory_space<vmem>>) semaphore(%arg16 : memref<!tpu.dma_semaphore, #tpu.memory_space<semaphore_mem>>) {add = true}
      %dma_wait3A_49 = arith.constant 0 : i32
      %dma_wait3A_50 = arith.constant 0 : i32
      %dma_wait3A_51 = tpu.memref_slice %arg7[%dma_wait3A_49, %dma_wait3A_50] : memref<10112x128xf32, #tpu.memory_space<vmem_shared>> -> memref<10112x128xf32, #tpu.memory_space<vmem_shared>>
      tpu.wait_indirect_dma semaphore(%arg15 : memref<!tpu.dma_semaphore, #tpu.memory_space<semaphore_mem>>) src(%arg11 : memref<80x128xf32, #tpu.memory_space<vmem>>) dst(%dma_wait3A_51 : memref<10112x128xf32, #tpu.memory_space<vmem_shared>>)
      %add3A_52 = arith.constant 1 : i32
      %add3A_53 = arith.addi %add3A_33, %add3A_52 : i32
      %dma_start3A_54 = arith.constant 0 : i32
      %dma_start3A_55 = tpu.memref_slice %arg4[%add3A, %add3A_53, %dma_start3A_54] : memref<32x125x80xi32, #tpu.memory_space<hbm>> -> memref<1x1x80xi32, #tpu.memory_space<hbm>>
      %dma_start3A_56 = tpu.memref_squeeze %dma_start3A_55 : memref<1x1x80xi32, #tpu.memory_space<hbm>> -> memref<80xi32, #tpu.memory_space<hbm>>
      %dma_start3A_57 = arith.constant 0 : i32
      %dma_start3A_58 = tpu.memref_slice %arg4[%add3A, %add3A_53, %dma_start3A_57] : memref<32x125x80xi32, #tpu.memory_space<hbm>> -> memref<1x1x80xi32, #tpu.memory_space<hbm>>
      %dma_start3A_59 = tpu.memref_squeeze %dma_start3A_58 : memref<1x1x80xi32, #tpu.memory_space<hbm>> -> memref<80xi32, #tpu.memory_space<hbm>>
      tpu.enqueue_dma source(%dma_start3A_59 : memref<80xi32, #tpu.memory_space<hbm>>) target(%arg9 : memref<80xi32, #tpu.memory_space<vmem>>) target_semaphore(%arg17 : memref<!tpu.dma_semaphore, #tpu.memory_space<semaphore_mem>>)
      %add3A_60 = arith.constant 1 : i32
      %add3A_61 = arith.addi %add3A_33, %add3A_60 : i32
      %dma_start3A_62 = arith.constant 0 : i32
      %dma_start3A_63 = tpu.memref_slice %arg8[%add3A_61, %dma_start3A_62] : memref<125x80xi32, #tpu.memory_space<vmem>> -> memref<1x80xi32, #tpu.memory_space<vmem>>
      %dma_start3A_64 = tpu.memref_squeeze %dma_start3A_63 : memref<1x80xi32, #tpu.memory_space<vmem>> -> memref<80xi32, #tpu.memory_space<vmem>>
      %dma_start3A_65 = arith.constant 0 : i32
      %dma_start3A_66 = arith.constant 0 : i32
      %dma_start3A_67 = tpu.memref_slice %arg2[%dma_start3A_65, %dma_start3A_66] : memref<10000x128xf32, #tpu.memory_space<hbm>> -> memref<10000x128xf32, #tpu.memory_space<hbm>>
      tpu.enqueue_indirect_dma source(%dma_start3A_67 : memref<10000x128xf32, #tpu.memory_space<hbm>>) target(%arg11 : memref<80x128xf32, #tpu.memory_space<vmem>>) offsets(%dma_start3A_64 : memref<80xi32, #tpu.memory_space<vmem>>) semaphore(%arg13 : memref<!tpu.dma_semaphore, #tpu.memory_space<semaphore_mem>>)
      %add3A_68 = arith.constant 1 : i32
      %add3A_69 = arith.addi %add3A_33, %add3A_68 : i32
      %dma_wait3A_70 = arith.constant 0 : i32
      %dma_wait3A_71 = tpu.memref_slice %arg8[%add3A_69, %dma_wait3A_70] : memref<125x80xi32, #tpu.memory_space<vmem>> -> memref<1x80xi32, #tpu.memory_space<vmem>>
      %dma_wait3A_72 = tpu.memref_squeeze %dma_wait3A_71 : memref<1x80xi32, #tpu.memory_space<vmem>> -> memref<80xi32, #tpu.memory_space<vmem>>
      %dma_wait3A_73 = arith.constant 0 : i32
      %dma_wait3A_74 = arith.constant 0 : i32
      %dma_wait3A_75 = tpu.memref_slice %arg2[%dma_wait3A_73, %dma_wait3A_74] : memref<10000x128xf32, #tpu.memory_space<hbm>> -> memref<10000x128xf32, #tpu.memory_space<hbm>>
      tpu.wait_indirect_dma semaphore(%arg13 : memref<!tpu.dma_semaphore, #tpu.memory_space<semaphore_mem>>) src(%dma_wait3A_75 : memref<10000x128xf32, #tpu.memory_space<hbm>>) dst(%arg11 : memref<80x128xf32, #tpu.memory_space<vmem>>)
      %add3A_76 = arith.constant 1 : i32
      %add3A_77 = arith.addi %add3A_33, %add3A_76 : i32
      %dma_wait3A_78 = arith.constant 0 : i32
      %dma_wait3A_79 = tpu.memref_slice %arg4[%add3A, %add3A_77, %dma_wait3A_78] : memref<32x125x80xi32, #tpu.memory_space<hbm>> -> memref<1x1x80xi32, #tpu.memory_space<hbm>>
      %dma_wait3A_80 = tpu.memref_squeeze %dma_wait3A_79 : memref<1x1x80xi32, #tpu.memory_space<hbm>> -> memref<80xi32, #tpu.memory_space<hbm>>
      %dma_wait3A_81 = arith.constant 0 : i32
      %dma_wait3A_82 = tpu.memref_slice %arg4[%add3A, %add3A_77, %dma_wait3A_81] : memref<32x125x80xi32, #tpu.memory_space<hbm>> -> memref<1x1x80xi32, #tpu.memory_space<hbm>>
      %dma_wait3A_83 = tpu.memref_squeeze %dma_wait3A_82 : memref<1x1x80xi32, #tpu.memory_space<hbm>> -> memref<80xi32, #tpu.memory_space<hbm>>
      tpu.wait_dma2 semaphore(%arg17 : memref<!tpu.dma_semaphore, #tpu.memory_space<semaphore_mem>>) src(%dma_wait3A_83 : memref<80xi32, #tpu.memory_space<hbm>>) dst(%arg9 : memref<80xi32, #tpu.memory_space<vmem>>)
      %dma_start3A_84 = arith.constant 0 : i32
      %dma_start3A_85 = arith.constant 0 : i32
      %dma_start3A_86 = tpu.memref_slice %arg7[%dma_start3A_84, %dma_start3A_85] : memref<10112x128xf32, #tpu.memory_space<vmem_shared>> -> memref<10112x128xf32, #tpu.memory_space<vmem_shared>>
      tpu.enqueue_indirect_dma source(%arg11 : memref<80x128xf32, #tpu.memory_space<vmem>>) target(%dma_start3A_86 : memref<10112x128xf32, #tpu.memory_space<vmem_shared>>) offsets(%arg9 : memref<80xi32, #tpu.memory_space<vmem>>) semaphore(%arg15 : memref<!tpu.dma_semaphore, #tpu.memory_space<semaphore_mem>>) {add = true}
      %dma_wait3A_87 = arith.constant 0 : i32
      %dma_wait3A_88 = arith.constant 0 : i32
      %dma_wait3A_89 = tpu.memref_slice %arg7[%dma_wait3A_87, %dma_wait3A_88] : memref<10112x128xf32, #tpu.memory_space<vmem_shared>> -> memref<10112x128xf32, #tpu.memory_space<vmem_shared>>
      tpu.wait_indirect_dma semaphore(%arg16 : memref<!tpu.dma_semaphore, #tpu.memory_space<semaphore_mem>>) src(%arg12 : memref<80x128xf32, #tpu.memory_space<vmem>>) dst(%dma_wait3A_89 : memref<10112x128xf32, #tpu.memory_space<vmem_shared>>)
      %add3A_90 = arith.constant 2 : i32
      %add3A_91 = arith.addi %add3A_33, %add3A_90 : i32
      %lt3A = arith.constant 125 : i32
      %lt3A_92 = arith.cmpi slt, %add3A_91, %lt3A : i32
      %convert_element_type3A = arith.extui %lt3A_92 : i1 to i32
      %cond3A = arith.constant 0 : i32
      %cond3A_93 = arith.cmpi ne, %convert_element_type3A, %cond3A : i32
      scf.if %cond3A_93 {
        %add3A_95 = arith.constant 2 : i32
        %add3A_96 = arith.addi %add3A_33, %add3A_95 : i32
        %dma_start3A_97 = arith.constant 0 : i32
        %dma_start3A_98 = tpu.memref_slice %arg4[%add3A, %add3A_96, %dma_start3A_97] : memref<32x125x80xi32, #tpu.memory_space<hbm>> -> memref<1x1x80xi32, #tpu.memory_space<hbm>>
        %dma_start3A_99 = tpu.memref_squeeze %dma_start3A_98 : memref<1x1x80xi32, #tpu.memory_space<hbm>> -> memref<80xi32, #tpu.memory_space<hbm>>
        %dma_start3A_100 = arith.constant 0 : i32
        %dma_start3A_101 = tpu.memref_slice %arg4[%add3A, %add3A_96, %dma_start3A_100] : memref<32x125x80xi32, #tpu.memory_space<hbm>> -> memref<1x1x80xi32, #tpu.memory_space<hbm>>
        %dma_start3A_102 = tpu.memref_squeeze %dma_start3A_101 : memref<1x1x80xi32, #tpu.memory_space<hbm>> -> memref<80xi32, #tpu.memory_space<hbm>>
        tpu.enqueue_dma source(%dma_start3A_102 : memref<80xi32, #tpu.memory_space<hbm>>) target(%arg10 : memref<80xi32, #tpu.memory_space<vmem>>) target_semaphore(%arg18 : memref<!tpu.dma_semaphore, #tpu.memory_space<semaphore_mem>>)
        %add3A_103 = arith.constant 2 : i32
        %add3A_104 = arith.addi %add3A_33, %add3A_103 : i32
        %dma_start3A_105 = arith.constant 0 : i32
        %dma_start3A_106 = tpu.memref_slice %arg8[%add3A_104, %dma_start3A_105] : memref<125x80xi32, #tpu.memory_space<vmem>> -> memref<1x80xi32, #tpu.memory_space<vmem>>
        %dma_start3A_107 = tpu.memref_squeeze %dma_start3A_106 : memref<1x80xi32, #tpu.memory_space<vmem>> -> memref<80xi32, #tpu.memory_space<vmem>>
        %dma_start3A_108 = arith.constant 0 : i32
        %dma_start3A_109 = arith.constant 0 : i32
        %dma_start3A_110 = tpu.memref_slice %arg2[%dma_start3A_108, %dma_start3A_109] : memref<10000x128xf32, #tpu.memory_space<hbm>> -> memref<10000x128xf32, #tpu.memory_space<hbm>>
        tpu.enqueue_indirect_dma source(%dma_start3A_110 : memref<10000x128xf32, #tpu.memory_space<hbm>>) target(%arg12 : memref<80x128xf32, #tpu.memory_space<vmem>>) offsets(%dma_start3A_107 : memref<80xi32, #tpu.memory_space<vmem>>) semaphore(%arg14 : memref<!tpu.dma_semaphore, #tpu.memory_space<semaphore_mem>>)
      } else {
      }
      %scan3A_94 = arith.constant 0 : i32
      scf.yield %scan3A_94 : i32
    }
    %scan3A_21 = arith.constant 62 : i32
    %dma_wait3A = arith.constant 0 : i32
    %dma_wait3A_22 = arith.constant 0 : i32
    %dma_wait3A_23 = tpu.memref_slice %arg7[%dma_wait3A, %dma_wait3A_22] : memref<10112x128xf32, #tpu.memory_space<vmem_shared>> -> memref<10112x128xf32, #tpu.memory_space<vmem_shared>>
    tpu.wait_indirect_dma semaphore(%arg15 : memref<!tpu.dma_semaphore, #tpu.memory_space<semaphore_mem>>) src(%arg11 : memref<80x128xf32, #tpu.memory_space<vmem>>) dst(%dma_wait3A_23 : memref<10112x128xf32, #tpu.memory_space<vmem_shared>>)
    %barrier3A = arith.constant 0 : index
    tpu.barrier barrier_id(%barrier3A)
    %mul3A_24 = arith.constant 632 : i32
    %mul3A_25 = arith.muli %arg1, %mul3A_24 : i32
    %mul3A_26 = arith.constant 632 : i32
    %mul3A_27 = arith.muli %arg1, %mul3A_26 : i32
    "tpu.region"() ({
      %run_scoped3A = tpu.sem_alloc : memref<!tpu.dma_semaphore, #tpu.memory_space<semaphore_mem>>
      %dma_start3A_28 = arith.constant 0 : i32
      %dma_start3A_29 = tpu.memref_slice %arg6[%arg0, %mul3A_27, %dma_start3A_28] : memref<2x10112x128xf32, #tpu.memory_space<hbm>> -> memref<1x632x128xf32, #tpu.memory_space<hbm>>
      %dma_start3A_30 = tpu.memref_squeeze %dma_start3A_29 : memref<1x632x128xf32, #tpu.memory_space<hbm>> -> memref<632x128xf32, #tpu.memory_space<hbm>>
      %dma_start3A_31 = arith.constant 0 : i32
      %dma_start3A_32 = tpu.memref_slice %arg7[%mul3A_25, %dma_start3A_31] : memref<10112x128xf32, #tpu.memory_space<vmem_shared>> -> memref<632x128xf32, #tpu.memory_space<vmem_shared>>
      tpu.enqueue_dma source(%dma_start3A_32 : memref<632x128xf32, #tpu.memory_space<vmem_shared>>) target(%dma_start3A_30 : memref<632x128xf32, #tpu.memory_space<hbm>>) target_semaphore(%run_scoped3A : memref<!tpu.dma_semaphore, #tpu.memory_space<semaphore_mem>>)
      %dma_wait3A_33 = arith.constant 0 : i32
      %dma_wait3A_34 = tpu.memref_slice %arg6[%arg0, %mul3A_27, %dma_wait3A_33] : memref<2x10112x128xf32, #tpu.memory_space<hbm>> -> memref<1x632x128xf32, #tpu.memory_space<hbm>>
      %dma_wait3A_35 = tpu.memref_squeeze %dma_wait3A_34 : memref<1x632x128xf32, #tpu.memory_space<hbm>> -> memref<632x128xf32, #tpu.memory_space<hbm>>
      %dma_wait3A_36 = arith.constant 0 : i32
      %dma_wait3A_37 = tpu.memref_slice %arg7[%mul3A_25, %dma_wait3A_36] : memref<10112x128xf32, #tpu.memory_space<vmem_shared>> -> memref<632x128xf32, #tpu.memory_space<vmem_shared>>
      tpu.wait_dma2 semaphore(%run_scoped3A : memref<!tpu.dma_semaphore, #tpu.memory_space<semaphore_mem>>) src(%dma_wait3A_37 : memref<632x128xf32, #tpu.memory_space<vmem_shared>>) dst(%dma_wait3A_35 : memref<632x128xf32, #tpu.memory_space<hbm>>)
      tpu.yield
    }) : () -> ()
    return
  }
}

module attributes {stable_mosaic.version = 14 : i64} {
  func.func @_layer_body(%arg0: i32, %arg1: i32, %arg2: memref<2000x128xf32, #tpu.memory_space<vmem>>, %arg3: memref<1x2000x128xf32, #tpu.memory_space<vmem>>, %arg4: memref<1x2000x128xf32, #tpu.memory_space<vmem>>, %arg5: memref<128x128xf32, #tpu.memory_space<vmem>>, %arg6: memref<1x128xf32, #tpu.memory_space<vmem>>, %arg7: memref<1x128xf32, #tpu.memory_space<vmem>>, %arg8: memref<1x128xf32, #tpu.memory_space<vmem>>, %arg9: memref<128x128xf32, #tpu.memory_space<vmem>>, %arg10: memref<1x128xf32, #tpu.memory_space<vmem>>, %arg11: memref<1x128xf32, #tpu.memory_space<vmem>>, %arg12: memref<1x128xf32, #tpu.memory_space<vmem>>, %arg13: memref<2000x128xf32, #tpu.memory_space<vmem>>, %arg14: memref<10000x128xf32, #tpu.memory_space<vmem>>, %arg15: memref<10000x128xf32, #tpu.memory_space<vmem>>, %arg16: memref<8x128xf32, #tpu.memory_space<vmem>>, %arg17: memref<8x128xf32, #tpu.memory_space<vmem>>) attributes {dimension_semantics = [#tpu.dimension_semantics<arbitrary>, #tpu.dimension_semantics<arbitrary>], iteration_bounds = array<i64: 3, 5>, scalar_prefetch = 0 : i64, scratch_operands = 4 : i64, tpu.core_type = #tpu.core_type<tc>, window_params = [{transform_indices = @transform_0, window_bounds = array<i64: 2000, 128>}, {transform_indices = @transform_1, window_bounds = array<i64: 1, 2000, 128>}, {transform_indices = @transform_2, window_bounds = array<i64: 1, 2000, 128>}, {pipeline_mode = #tpu.pipeline_mode<synchronous>, transform_indices = @transform_3, window_bounds = array<i64: 128, 128>}, {pipeline_mode = #tpu.pipeline_mode<synchronous>, transform_indices = @transform_4, window_bounds = array<i64: 1, 128>}, {pipeline_mode = #tpu.pipeline_mode<synchronous>, transform_indices = @transform_5, window_bounds = array<i64: 1, 128>}, {pipeline_mode = #tpu.pipeline_mode<synchronous>, transform_indices = @transform_6, window_bounds = array<i64: 1, 128>}, {pipeline_mode = #tpu.pipeline_mode<synchronous>, transform_indices = @transform_7, window_bounds = array<i64: 128, 128>}, {pipeline_mode = #tpu.pipeline_mode<synchronous>, transform_indices = @transform_8, window_bounds = array<i64: 1, 128>}, {pipeline_mode = #tpu.pipeline_mode<synchronous>, transform_indices = @transform_9, window_bounds = array<i64: 1, 128>}, {pipeline_mode = #tpu.pipeline_mode<synchronous>, transform_indices = @transform_10, window_bounds = array<i64: 1, 128>}, {transform_indices = @transform_11, window_bounds = array<i64: 2000, 128>}]} {
    %eq3A = arith.constant 0 : i32
    %eq3A_0 = arith.cmpi eq, %arg0, %eq3A : i32
    %convert_element_type3A = arith.extui %eq3A_0 : i1 to i32
    %cond3A = arith.constant 0 : i32
    %cond3A_1 = arith.cmpi ne, %convert_element_type3A, %cond3A : i32
    scf.if %cond3A_1 {
      %get3A = arith.constant 0 : index
      %get3A_12 = arith.constant 0 : index
      %get3A_13 = vector.load %arg2[%get3A, %get3A_12] : memref<2000x128xf32, #tpu.memory_space<vmem>>, vector<2000x128xf32>
      %get3A_14 = arith.constant 0 : index
      %get3A_15 = arith.constant 0 : index
      %get3A_16 = arith.constant 0 : index
      %get3A_17 = vector.load %arg3[%get3A_14, %get3A_15, %get3A_16] : memref<1x2000x128xf32, #tpu.memory_space<vmem>>, vector<1x2000x128xf32>
      %get3A_18 = vector.shape_cast %get3A_17 : vector<1x2000x128xf32> to vector<2000x128xf32>
      %add3A = arith.addf %get3A_13, %get3A_18 : vector<2000x128xf32>
      %get3A_19 = arith.constant 0 : index
      %get3A_20 = arith.constant 0 : index
      %get3A_21 = arith.constant 0 : index
      %get3A_22 = vector.load %arg4[%get3A_19, %get3A_20, %get3A_21] : memref<1x2000x128xf32, #tpu.memory_space<vmem>>, vector<1x2000x128xf32>
      %get3A_23 = vector.shape_cast %get3A_22 : vector<1x2000x128xf32> to vector<2000x128xf32>
      %add3A_24 = arith.addf %add3A, %get3A_23 : vector<2000x128xf32>
      %get3A_25 = arith.constant 0 : index
      %get3A_26 = arith.constant 0 : index
      %get3A_27 = vector.load %arg5[%get3A_25, %get3A_26] : memref<128x128xf32, #tpu.memory_space<vmem>>, vector<128x128xf32>
      %dot_general3A = arith.constant dense<0.000000e+00> : vector<2000x128xf32>
      %dot_general3A_28 = tpu.matmul %add3A_24, %get3A_27, %dot_general3A {dimension_numbers = #tpu.dot_dimension_numbers<[1], [0], [0], [1], [0, 0, 1, 1], [], []>, transpose_lhs_hint = false} : vector<2000x128xf32>, vector<128x128xf32>, vector<2000x128xf32> -> vector<2000x128xf32>
      %get3A_29 = arith.constant 0 : index
      %get3A_30 = arith.constant 0 : index
      %get3A_31 = vector.load %arg6[%get3A_29, %get3A_30] : memref<1x128xf32, #tpu.memory_space<vmem>>, vector<1x128xf32>
      %add3A_32 = vector.broadcast %get3A_31 : vector<1x128xf32> to vector<2000x128xf32>
      %add3A_33 = arith.addf %dot_general3A_28, %add3A_32 : vector<2000x128xf32>
      %mul3A = arith.constant 2000 : i32
      %mul3A_34 = arith.muli %arg1, %mul3A : i32
      %swap3A = arith.index_cast %mul3A_34 : i32 to index
      %swap3A_35 = arith.constant 0 : index
      %swap3A_36 = vector.load %arg14[%swap3A, %swap3A_35] : memref<10000x128xf32, #tpu.memory_space<vmem>>, vector<2000x128xf32>
      tpu.vector_store %arg14[%swap3A, %swap3A_35], %add3A_33 {strides = array<i32>} : memref<10000x128xf32, #tpu.memory_space<vmem>>, vector<2000x128xf32>,
      %reduce_sum3A = arith.constant dense<0.000000e+00> : vector<128xf32>
      %reduce_sum3A_37 = vector.multi_reduction <add>, %add3A_33, %reduce_sum3A [0] : vector<2000x128xf32> to vector<128xf32>
      %broadcast_in_dim3A = vector.shape_cast %reduce_sum3A_37 : vector<128xf32> to vector<1x128xf32>
      %mul3A_38 = arith.mulf %add3A_33, %add3A_33 : vector<2000x128xf32>
      %reduce_sum3A_39 = arith.constant dense<0.000000e+00> : vector<128xf32>
      %reduce_sum3A_40 = vector.multi_reduction <add>, %mul3A_38, %reduce_sum3A_39 [0] : vector<2000x128xf32> to vector<128xf32>
      %broadcast_in_dim3A_41 = vector.shape_cast %reduce_sum3A_40 : vector<128xf32> to vector<1x128xf32>
      %broadcast_in_dim3A_42 = arith.constant 0.000000e+00 : f32
      %broadcast_in_dim3A_43 = vector.broadcast %broadcast_in_dim3A_42 : f32 to vector<6x128xf32>
      %concatenate3A = tpu.concatenate %broadcast_in_dim3A, %broadcast_in_dim3A_41, %broadcast_in_dim3A_43 in 0 : vector<1x128xf32>, vector<1x128xf32>, vector<6x128xf32> -> vector<8x128xf32>
      %eq3A_44 = arith.constant 0 : i32
      %eq3A_45 = arith.cmpi eq, %arg1, %eq3A_44 : i32
      %convert_element_type3A_46 = arith.extui %eq3A_45 : i1 to i32
      %cond3A_47 = arith.constant 0 : i32
      %cond3A_48 = arith.cmpi ne, %convert_element_type3A_46, %cond3A_47 : i32
      scf.if %cond3A_48 {
        %swap3A_53 = arith.constant 0 : index
        %swap3A_54 = arith.constant 0 : index
        %swap3A_55 = vector.load %arg16[%swap3A_53, %swap3A_54] : memref<8x128xf32, #tpu.memory_space<vmem>>, vector<8x128xf32>
        tpu.vector_store %arg16[%swap3A_53, %swap3A_54], %concatenate3A {strides = array<i32>} : memref<8x128xf32, #tpu.memory_space<vmem>>, vector<8x128xf32>,
      } else {
      }
      %gt3A = arith.constant 0 : i32
      %gt3A_49 = arith.cmpi sgt, %arg1, %gt3A : i32
      %convert_element_type3A_50 = arith.extui %gt3A_49 : i1 to i32
      %cond3A_51 = arith.constant 0 : i32
      %cond3A_52 = arith.cmpi ne, %convert_element_type3A_50, %cond3A_51 : i32
      scf.if %cond3A_52 {
        %get3A_53 = arith.constant 0 : index
        %get3A_54 = arith.constant 0 : index
        %get3A_55 = vector.load %arg16[%get3A_53, %get3A_54] : memref<8x128xf32, #tpu.memory_space<vmem>>, vector<8x128xf32>
        %add3A_56 = arith.addf %get3A_55, %concatenate3A : vector<8x128xf32>
        %swap3A_57 = arith.constant 0 : index
        %swap3A_58 = arith.constant 0 : index
        %swap3A_59 = vector.load %arg16[%swap3A_57, %swap3A_58] : memref<8x128xf32, #tpu.memory_space<vmem>>, vector<8x128xf32>
        tpu.vector_store %arg16[%swap3A_57, %swap3A_58], %add3A_56 {strides = array<i32>} : memref<8x128xf32, #tpu.memory_space<vmem>>, vector<8x128xf32>,
      } else {
      }
    } else {
    }
    %eq3A_2 = arith.constant 1 : i32
    %eq3A_3 = arith.cmpi eq, %arg0, %eq3A_2 : i32
    %convert_element_type3A_4 = arith.extui %eq3A_3 : i1 to i32
    %cond3A_5 = arith.constant 0 : i32
    %cond3A_6 = arith.cmpi ne, %convert_element_type3A_4, %cond3A_5 : i32
    scf.if %cond3A_6 {
      %get3A = arith.constant 0 : index
      %get3A_12 = arith.constant 0 : index
      %get3A_13 = vector.load %arg16[%get3A, %get3A_12] : memref<8x128xf32, #tpu.memory_space<vmem>>, vector<8x128xf32>
      %get3A_14 = arith.constant 0 : index
      %get3A_15 = arith.constant 0 : index
      %get3A_16 = vector.load %arg7[%get3A_14, %get3A_15] : memref<1x128xf32, #tpu.memory_space<vmem>>, vector<1x128xf32>
      %get3A_17 = arith.constant 0 : index
      %get3A_18 = arith.constant 0 : index
      %get3A_19 = vector.load %arg8[%get3A_17, %get3A_18] : memref<1x128xf32, #tpu.memory_space<vmem>>, vector<1x128xf32>
      %slice3A = vector.extract_strided_slice %get3A_13 {offsets = [0, 0], sizes = [1, 128], strides = [1, 1]} : vector<8x128xf32> to vector<1x128xf32>
      %mul3A = arith.constant 9.99999974E-5 : f32
      %mul3A_20 = vector.broadcast %mul3A : f32 to vector<1x128xf32>
      %mul3A_21 = arith.mulf %slice3A, %mul3A_20 : vector<1x128xf32>
      %slice3A_22 = vector.extract_strided_slice %get3A_13 {offsets = [1, 0], sizes = [1, 128], strides = [1, 1]} : vector<8x128xf32> to vector<1x128xf32>
      %mul3A_23 = arith.constant 9.99999974E-5 : f32
      %mul3A_24 = vector.broadcast %mul3A_23 : f32 to vector<1x128xf32>
      %mul3A_25 = arith.mulf %slice3A_22, %mul3A_24 : vector<1x128xf32>
      %mul3A_26 = arith.mulf %mul3A_21, %mul3A_21 : vector<1x128xf32>
      %sub3A = arith.subf %mul3A_25, %mul3A_26 : vector<1x128xf32>
      %add3A = arith.constant 9.99999974E-6 : f32
      %add3A_27 = vector.broadcast %add3A : f32 to vector<1x128xf32>
      %add3A_28 = arith.addf %sub3A, %add3A_27 : vector<1x128xf32>
      %rsqrt3A = math.rsqrt %add3A_28 : vector<1x128xf32>
      %mul3A_29 = arith.mulf %rsqrt3A, %get3A_16 : vector<1x128xf32>
      %mul3A_30 = arith.mulf %mul3A_21, %mul3A_29 : vector<1x128xf32>
      %sub3A_31 = arith.subf %get3A_19, %mul3A_30 : vector<1x128xf32>
      %mul3A_32 = arith.constant 2000 : i32
      %mul3A_33 = arith.muli %arg1, %mul3A_32 : i32
      %get3A_34 = arith.index_cast %mul3A_33 : i32 to index
      %get3A_35 = arith.constant 0 : index
      %get3A_36 = vector.load %arg14[%get3A_34, %get3A_35] : memref<10000x128xf32, #tpu.memory_space<vmem>>, vector<2000x128xf32>
      %mul3A_37 = vector.broadcast %mul3A_29 : vector<1x128xf32> to vector<2000x128xf32>
      %mul3A_38 = arith.mulf %get3A_36, %mul3A_37 : vector<2000x128xf32>
      %add3A_39 = vector.broadcast %sub3A_31 : vector<1x128xf32> to vector<2000x128xf32>
      %add3A_40 = arith.addf %mul3A_38, %add3A_39 : vector<2000x128xf32>
      %max3A = arith.constant 0.000000e+00 : f32
      %max3A_41 = vector.broadcast %max3A : f32 to vector<2000x128xf32>
      %max3A_42 = arith.maximumf %add3A_40, %max3A_41 : vector<2000x128xf32>
      %get3A_43 = arith.constant 0 : index
      %get3A_44 = arith.constant 0 : index
      %get3A_45 = vector.load %arg9[%get3A_43, %get3A_44] : memref<128x128xf32, #tpu.memory_space<vmem>>, vector<128x128xf32>
      %dot_general3A = arith.constant dense<0.000000e+00> : vector<2000x128xf32>
      %dot_general3A_46 = tpu.matmul %max3A_42, %get3A_45, %dot_general3A {dimension_numbers = #tpu.dot_dimension_numbers<[1], [0], [0], [1], [0, 0, 1, 1], [], []>, transpose_lhs_hint = false} : vector<2000x128xf32>, vector<128x128xf32>, vector<2000x128xf32> -> vector<2000x128xf32>
      %get3A_47 = arith.constant 0 : index
      %get3A_48 = arith.constant 0 : index
      %get3A_49 = vector.load %arg10[%get3A_47, %get3A_48] : memref<1x128xf32, #tpu.memory_space<vmem>>, vector<1x128xf32>
      %add3A_50 = vector.broadcast %get3A_49 : vector<1x128xf32> to vector<2000x128xf32>
      %add3A_51 = arith.addf %dot_general3A_46, %add3A_50 : vector<2000x128xf32>
      %mul3A_52 = arith.constant 2000 : i32
      %mul3A_53 = arith.muli %arg1, %mul3A_52 : i32
      %swap3A = arith.index_cast %mul3A_53 : i32 to index
      %swap3A_54 = arith.constant 0 : index
      %swap3A_55 = vector.load %arg15[%swap3A, %swap3A_54] : memref<10000x128xf32, #tpu.memory_space<vmem>>, vector<2000x128xf32>
      tpu.vector_store %arg15[%swap3A, %swap3A_54], %add3A_51 {strides = array<i32>} : memref<10000x128xf32, #tpu.memory_space<vmem>>, vector<2000x128xf32>,
      %reduce_sum3A = arith.constant dense<0.000000e+00> : vector<128xf32>
      %reduce_sum3A_56 = vector.multi_reduction <add>, %add3A_51, %reduce_sum3A [0] : vector<2000x128xf32> to vector<128xf32>
      %broadcast_in_dim3A = vector.shape_cast %reduce_sum3A_56 : vector<128xf32> to vector<1x128xf32>
      %mul3A_57 = arith.mulf %add3A_51, %add3A_51 : vector<2000x128xf32>
      %reduce_sum3A_58 = arith.constant dense<0.000000e+00> : vector<128xf32>
      %reduce_sum3A_59 = vector.multi_reduction <add>, %mul3A_57, %reduce_sum3A_58 [0] : vector<2000x128xf32> to vector<128xf32>
      %broadcast_in_dim3A_60 = vector.shape_cast %reduce_sum3A_59 : vector<128xf32> to vector<1x128xf32>
      %broadcast_in_dim3A_61 = arith.constant 0.000000e+00 : f32
      %broadcast_in_dim3A_62 = vector.broadcast %broadcast_in_dim3A_61 : f32 to vector<6x128xf32>
      %concatenate3A = tpu.concatenate %broadcast_in_dim3A, %broadcast_in_dim3A_60, %broadcast_in_dim3A_62 in 0 : vector<1x128xf32>, vector<1x128xf32>, vector<6x128xf32> -> vector<8x128xf32>
      %eq3A_63 = arith.constant 0 : i32
      %eq3A_64 = arith.cmpi eq, %arg1, %eq3A_63 : i32
      %convert_element_type3A_65 = arith.extui %eq3A_64 : i1 to i32
      %cond3A_66 = arith.constant 0 : i32
      %cond3A_67 = arith.cmpi ne, %convert_element_type3A_65, %cond3A_66 : i32
      scf.if %cond3A_67 {
        %swap3A_72 = arith.constant 0 : index
        %swap3A_73 = arith.constant 0 : index
        %swap3A_74 = vector.load %arg17[%swap3A_72, %swap3A_73] : memref<8x128xf32, #tpu.memory_space<vmem>>, vector<8x128xf32>
        tpu.vector_store %arg17[%swap3A_72, %swap3A_73], %concatenate3A {strides = array<i32>} : memref<8x128xf32, #tpu.memory_space<vmem>>, vector<8x128xf32>,
      } else {
      }
      %gt3A = arith.constant 0 : i32
      %gt3A_68 = arith.cmpi sgt, %arg1, %gt3A : i32
      %convert_element_type3A_69 = arith.extui %gt3A_68 : i1 to i32
      %cond3A_70 = arith.constant 0 : i32
      %cond3A_71 = arith.cmpi ne, %convert_element_type3A_69, %cond3A_70 : i32
      scf.if %cond3A_71 {
        %get3A_72 = arith.constant 0 : index
        %get3A_73 = arith.constant 0 : index
        %get3A_74 = vector.load %arg17[%get3A_72, %get3A_73] : memref<8x128xf32, #tpu.memory_space<vmem>>, vector<8x128xf32>
        %add3A_75 = arith.addf %get3A_74, %concatenate3A : vector<8x128xf32>
        %swap3A_76 = arith.constant 0 : index
        %swap3A_77 = arith.constant 0 : index
        %swap3A_78 = vector.load %arg17[%swap3A_76, %swap3A_77] : memref<8x128xf32, #tpu.memory_space<vmem>>, vector<8x128xf32>
        tpu.vector_store %arg17[%swap3A_76, %swap3A_77], %add3A_75 {strides = array<i32>} : memref<8x128xf32, #tpu.memory_space<vmem>>, vector<8x128xf32>,
      } else {
      }
    } else {
    }
    %eq3A_7 = arith.constant 2 : i32
    %eq3A_8 = arith.cmpi eq, %arg0, %eq3A_7 : i32
    %convert_element_type3A_9 = arith.extui %eq3A_8 : i1 to i32
    %cond3A_10 = arith.constant 0 : i32
    %cond3A_11 = arith.cmpi ne, %convert_element_type3A_9, %cond3A_10 : i32
    scf.if %cond3A_11 {
      %get3A = arith.constant 0 : index
      %get3A_12 = arith.constant 0 : index
      %get3A_13 = vector.load %arg17[%get3A, %get3A_12] : memref<8x128xf32, #tpu.memory_space<vmem>>, vector<8x128xf32>
      %get3A_14 = arith.constant 0 : index
      %get3A_15 = arith.constant 0 : index
      %get3A_16 = vector.load %arg11[%get3A_14, %get3A_15] : memref<1x128xf32, #tpu.memory_space<vmem>>, vector<1x128xf32>
      %get3A_17 = arith.constant 0 : index
      %get3A_18 = arith.constant 0 : index
      %get3A_19 = vector.load %arg12[%get3A_17, %get3A_18] : memref<1x128xf32, #tpu.memory_space<vmem>>, vector<1x128xf32>
      %slice3A = vector.extract_strided_slice %get3A_13 {offsets = [0, 0], sizes = [1, 128], strides = [1, 1]} : vector<8x128xf32> to vector<1x128xf32>
      %mul3A = arith.constant 9.99999974E-5 : f32
      %mul3A_20 = vector.broadcast %mul3A : f32 to vector<1x128xf32>
      %mul3A_21 = arith.mulf %slice3A, %mul3A_20 : vector<1x128xf32>
      %slice3A_22 = vector.extract_strided_slice %get3A_13 {offsets = [1, 0], sizes = [1, 128], strides = [1, 1]} : vector<8x128xf32> to vector<1x128xf32>
      %mul3A_23 = arith.constant 9.99999974E-5 : f32
      %mul3A_24 = vector.broadcast %mul3A_23 : f32 to vector<1x128xf32>
      %mul3A_25 = arith.mulf %slice3A_22, %mul3A_24 : vector<1x128xf32>
      %mul3A_26 = arith.mulf %mul3A_21, %mul3A_21 : vector<1x128xf32>
      %sub3A = arith.subf %mul3A_25, %mul3A_26 : vector<1x128xf32>
      %add3A = arith.constant 9.99999974E-6 : f32
      %add3A_27 = vector.broadcast %add3A : f32 to vector<1x128xf32>
      %add3A_28 = arith.addf %sub3A, %add3A_27 : vector<1x128xf32>
      %rsqrt3A = math.rsqrt %add3A_28 : vector<1x128xf32>
      %mul3A_29 = arith.mulf %rsqrt3A, %get3A_16 : vector<1x128xf32>
      %mul3A_30 = arith.mulf %mul3A_21, %mul3A_29 : vector<1x128xf32>
      %sub3A_31 = arith.subf %get3A_19, %mul3A_30 : vector<1x128xf32>
      %mul3A_32 = arith.constant 2000 : i32
      %mul3A_33 = arith.muli %arg1, %mul3A_32 : i32
      %get3A_34 = arith.index_cast %mul3A_33 : i32 to index
      %get3A_35 = arith.constant 0 : index
      %get3A_36 = vector.load %arg15[%get3A_34, %get3A_35] : memref<10000x128xf32, #tpu.memory_space<vmem>>, vector<2000x128xf32>
      %mul3A_37 = vector.broadcast %mul3A_29 : vector<1x128xf32> to vector<2000x128xf32>
      %mul3A_38 = arith.mulf %get3A_36, %mul3A_37 : vector<2000x128xf32>
      %add3A_39 = vector.broadcast %sub3A_31 : vector<1x128xf32> to vector<2000x128xf32>
      %add3A_40 = arith.addf %mul3A_38, %add3A_39 : vector<2000x128xf32>
      %max3A = arith.constant 0.000000e+00 : f32
      %max3A_41 = vector.broadcast %max3A : f32 to vector<2000x128xf32>
      %max3A_42 = arith.maximumf %add3A_40, %max3A_41 : vector<2000x128xf32>
      %swap3A = arith.constant 0 : index
      %swap3A_43 = arith.constant 0 : index
      %swap3A_44 = vector.load %arg13[%swap3A, %swap3A_43] : memref<2000x128xf32, #tpu.memory_space<vmem>>, vector<2000x128xf32>
      tpu.vector_store %arg13[%swap3A, %swap3A_43], %max3A_42 {strides = array<i32>} : memref<2000x128xf32, #tpu.memory_space<vmem>>, vector<2000x128xf32>,
    } else {
    }
    return
  }
  func.func @transform_0(%arg0: i32, %arg1: i32) -> (i32, i32) {
    %eq3A = arith.constant 0 : i32
    %eq3A_0 = arith.cmpi eq, %arg0, %eq3A : i32
    %jit3A = arith.constant 4 : i32
    %select_n3A = arith.select %eq3A_0, %arg1, %jit3A : i32
    %c0_i32 = arith.constant 0 : i32
    %c0_i32_1 = arith.constant 0 : i32
    return %select_n3A, %c0_i32 : i32, i32
  }
  func.func @transform_1(%arg0: i32, %arg1: i32) -> (i32, i32, i32) {
    %eq3A = arith.constant 0 : i32
    %eq3A_0 = arith.cmpi eq, %arg0, %eq3A : i32
    %jit3A = arith.constant 4 : i32
    %select_n3A = arith.select %eq3A_0, %arg1, %jit3A : i32
    %c0_i32 = arith.constant 0 : i32
    %c0_i32_1 = arith.constant 0 : i32
    %c0_i32_2 = arith.constant 0 : i32
    return %c0_i32, %select_n3A, %c0_i32_1 : i32, i32, i32
  }
  func.func @transform_2(%arg0: i32, %arg1: i32) -> (i32, i32, i32) {
    %eq3A = arith.constant 0 : i32
    %eq3A_0 = arith.cmpi eq, %arg0, %eq3A : i32
    %jit3A = arith.constant 4 : i32
    %select_n3A = arith.select %eq3A_0, %arg1, %jit3A : i32
    %c1_i32 = arith.constant 1 : i32
    %c0_i32 = arith.constant 0 : i32
    %c0_i32_1 = arith.constant 0 : i32
    return %c1_i32, %select_n3A, %c0_i32 : i32, i32, i32
  }
  func.func @transform_3(%arg0: i32, %arg1: i32) -> (i32, i32) {
    %c0_i32 = arith.constant 0 : i32
    %c0_i32_0 = arith.constant 0 : i32
    %c0_i32_1 = arith.constant 0 : i32
    return %c0_i32, %c0_i32_0 : i32, i32
  }
  func.func @transform_4(%arg0: i32, %arg1: i32) -> (i32, i32) {
    %c0_i32 = arith.constant 0 : i32
    %c0_i32_0 = arith.constant 0 : i32
    %c0_i32_1 = arith.constant 0 : i32
    return %c0_i32, %c0_i32_0 : i32, i32
  }
  func.func @transform_5(%arg0: i32, %arg1: i32) -> (i32, i32) {
    %c0_i32 = arith.constant 0 : i32
    %c0_i32_0 = arith.constant 0 : i32
    %c0_i32_1 = arith.constant 0 : i32
    return %c0_i32, %c0_i32_0 : i32, i32
  }
  func.func @transform_6(%arg0: i32, %arg1: i32) -> (i32, i32) {
    %c0_i32 = arith.constant 0 : i32
    %c0_i32_0 = arith.constant 0 : i32
    %c0_i32_1 = arith.constant 0 : i32
    return %c0_i32, %c0_i32_0 : i32, i32
  }
  func.func @transform_7(%arg0: i32, %arg1: i32) -> (i32, i32) {
    %c0_i32 = arith.constant 0 : i32
    %c0_i32_0 = arith.constant 0 : i32
    %c0_i32_1 = arith.constant 0 : i32
    return %c0_i32, %c0_i32_0 : i32, i32
  }
  func.func @transform_8(%arg0: i32, %arg1: i32) -> (i32, i32) {
    %c0_i32 = arith.constant 0 : i32
    %c0_i32_0 = arith.constant 0 : i32
    %c0_i32_1 = arith.constant 0 : i32
    return %c0_i32, %c0_i32_0 : i32, i32
  }
  func.func @transform_9(%arg0: i32, %arg1: i32) -> (i32, i32) {
    %c0_i32 = arith.constant 0 : i32
    %c0_i32_0 = arith.constant 0 : i32
    %c0_i32_1 = arith.constant 0 : i32
    return %c0_i32, %c0_i32_0 : i32, i32
  }
  func.func @transform_10(%arg0: i32, %arg1: i32) -> (i32, i32) {
    %c0_i32 = arith.constant 0 : i32
    %c0_i32_0 = arith.constant 0 : i32
    %c0_i32_1 = arith.constant 0 : i32
    return %c0_i32, %c0_i32_0 : i32, i32
  }
  func.func @transform_11(%arg0: i32, %arg1: i32) -> (i32, i32) {
    %eq3A = arith.constant 2 : i32
    %eq3A_0 = arith.cmpi eq, %arg0, %eq3A : i32
    %jit3A = arith.constant 0 : i32
    %select_n3A = arith.select %eq3A_0, %arg1, %jit3A : i32
    %c0_i32 = arith.constant 0 : i32
    %c0_i32_1 = arith.constant 0 : i32
    return %select_n3A, %c0_i32 : i32, i32
  }
}

module attributes {stable_mosaic.version = 14 : i64} {
  func.func @_layer_last_body(%arg0: i32, %arg1: i32, %arg2: memref<2000x128xf32, #tpu.memory_space<vmem>>, %arg3: memref<1x2000x128xf32, #tpu.memory_space<vmem>>, %arg4: memref<1x2000x128xf32, #tpu.memory_space<vmem>>, %arg5: memref<128x128xf32, #tpu.memory_space<vmem>>, %arg6: memref<1x128xf32, #tpu.memory_space<vmem>>, %arg7: memref<1x128xf32, #tpu.memory_space<vmem>>, %arg8: memref<1x128xf32, #tpu.memory_space<vmem>>, %arg9: memref<128x128xf32, #tpu.memory_space<vmem>>, %arg10: memref<1x128xf32, #tpu.memory_space<vmem>>, %arg11: memref<1x128xf32, #tpu.memory_space<vmem>>, %arg12: memref<1x128xf32, #tpu.memory_space<vmem>>, %arg13: memref<1x1x2000xi32, #tpu.memory_space<vmem>>, %arg14: memref<128x256xf32, #tpu.memory_space<vmem>>, %arg15: memref<1x256xf32, #tpu.memory_space<vmem>>, %arg16: memref<128x256xf32, #tpu.memory_space<vmem>>, %arg17: memref<10000x128xf32, #tpu.memory_space<vmem>>, %arg18: memref<10000x128xf32, #tpu.memory_space<vmem>>, %arg19: memref<8x128xf32, #tpu.memory_space<vmem>>, %arg20: memref<8x128xf32, #tpu.memory_space<vmem>>, %arg21: memref<128x128xf32, #tpu.memory_space<vmem>>) attributes {dimension_semantics = [#tpu.dimension_semantics<arbitrary>, #tpu.dimension_semantics<arbitrary>], iteration_bounds = array<i64: 3, 5>, scalar_prefetch = 0 : i64, scratch_operands = 5 : i64, tpu.core_type = #tpu.core_type<tc>, window_params = [{transform_indices = @transform_0, window_bounds = array<i64: 2000, 128>}, {transform_indices = @transform_1, window_bounds = array<i64: 1, 2000, 128>}, {transform_indices = @transform_2, window_bounds = array<i64: 1, 2000, 128>}, {pipeline_mode = #tpu.pipeline_mode<synchronous>, transform_indices = @transform_3, window_bounds = array<i64: 128, 128>}, {pipeline_mode = #tpu.pipeline_mode<synchronous>, transform_indices = @transform_4, window_bounds = array<i64: 1, 128>}, {pipeline_mode = #tpu.pipeline_mode<synchronous>, transform_indices = @transform_5, window_bounds = array<i64: 1, 128>}, {pipeline_mode = #tpu.pipeline_mode<synchronous>, transform_indices = @transform_6, window_bounds = array<i64: 1, 128>}, {pipeline_mode = #tpu.pipeline_mode<synchronous>, transform_indices = @transform_7, window_bounds = array<i64: 128, 128>}, {pipeline_mode = #tpu.pipeline_mode<synchronous>, transform_indices = @transform_8, window_bounds = array<i64: 1, 128>}, {pipeline_mode = #tpu.pipeline_mode<synchronous>, transform_indices = @transform_9, window_bounds = array<i64: 1, 128>}, {pipeline_mode = #tpu.pipeline_mode<synchronous>, transform_indices = @transform_10, window_bounds = array<i64: 1, 128>}, {transform_indices = @transform_11, window_bounds = array<i64: 1, 1, 2000>}, {pipeline_mode = #tpu.pipeline_mode<synchronous>, transform_indices = @transform_12, window_bounds = array<i64: 128, 256>}, {pipeline_mode = #tpu.pipeline_mode<synchronous>, transform_indices = @transform_13, window_bounds = array<i64: 1, 256>}, {pipeline_mode = #tpu.pipeline_mode<synchronous>, transform_indices = @transform_14, window_bounds = array<i64: 128, 256>}]} {
    %eq3A = arith.constant 0 : i32
    %eq3A_0 = arith.cmpi eq, %arg0, %eq3A : i32
    %convert_element_type3A = arith.extui %eq3A_0 : i1 to i32
    %cond3A = arith.constant 0 : i32
    %cond3A_1 = arith.cmpi ne, %convert_element_type3A, %cond3A : i32
    scf.if %cond3A_1 {
      %get3A = arith.constant 0 : index
      %get3A_12 = arith.constant 0 : index
      %get3A_13 = vector.load %arg2[%get3A, %get3A_12] : memref<2000x128xf32, #tpu.memory_space<vmem>>, vector<2000x128xf32>
      %get3A_14 = arith.constant 0 : index
      %get3A_15 = arith.constant 0 : index
      %get3A_16 = arith.constant 0 : index
      %get3A_17 = vector.load %arg3[%get3A_14, %get3A_15, %get3A_16] : memref<1x2000x128xf32, #tpu.memory_space<vmem>>, vector<1x2000x128xf32>
      %get3A_18 = vector.shape_cast %get3A_17 : vector<1x2000x128xf32> to vector<2000x128xf32>
      %add3A = arith.addf %get3A_13, %get3A_18 : vector<2000x128xf32>
      %get3A_19 = arith.constant 0 : index
      %get3A_20 = arith.constant 0 : index
      %get3A_21 = arith.constant 0 : index
      %get3A_22 = vector.load %arg4[%get3A_19, %get3A_20, %get3A_21] : memref<1x2000x128xf32, #tpu.memory_space<vmem>>, vector<1x2000x128xf32>
      %get3A_23 = vector.shape_cast %get3A_22 : vector<1x2000x128xf32> to vector<2000x128xf32>
      %add3A_24 = arith.addf %add3A, %get3A_23 : vector<2000x128xf32>
      %get3A_25 = arith.constant 0 : index
      %get3A_26 = arith.constant 0 : index
      %get3A_27 = vector.load %arg5[%get3A_25, %get3A_26] : memref<128x128xf32, #tpu.memory_space<vmem>>, vector<128x128xf32>
      %dot_general3A = arith.constant dense<0.000000e+00> : vector<2000x128xf32>
      %dot_general3A_28 = tpu.matmul %add3A_24, %get3A_27, %dot_general3A {dimension_numbers = #tpu.dot_dimension_numbers<[1], [0], [0], [1], [0, 0, 1, 1], [], []>, transpose_lhs_hint = false} : vector<2000x128xf32>, vector<128x128xf32>, vector<2000x128xf32> -> vector<2000x128xf32>
      %get3A_29 = arith.constant 0 : index
      %get3A_30 = arith.constant 0 : index
      %get3A_31 = vector.load %arg6[%get3A_29, %get3A_30] : memref<1x128xf32, #tpu.memory_space<vmem>>, vector<1x128xf32>
      %add3A_32 = vector.broadcast %get3A_31 : vector<1x128xf32> to vector<2000x128xf32>
      %add3A_33 = arith.addf %dot_general3A_28, %add3A_32 : vector<2000x128xf32>
      %mul3A = arith.constant 2000 : i32
      %mul3A_34 = arith.muli %arg1, %mul3A : i32
      %swap3A = arith.index_cast %mul3A_34 : i32 to index
      %swap3A_35 = arith.constant 0 : index
      %swap3A_36 = vector.load %arg17[%swap3A, %swap3A_35] : memref<10000x128xf32, #tpu.memory_space<vmem>>, vector<2000x128xf32>
      tpu.vector_store %arg17[%swap3A, %swap3A_35], %add3A_33 {strides = array<i32>} : memref<10000x128xf32, #tpu.memory_space<vmem>>, vector<2000x128xf32>,
      %reduce_sum3A = arith.constant dense<0.000000e+00> : vector<128xf32>
      %reduce_sum3A_37 = vector.multi_reduction <add>, %add3A_33, %reduce_sum3A [0] : vector<2000x128xf32> to vector<128xf32>
      %broadcast_in_dim3A = vector.shape_cast %reduce_sum3A_37 : vector<128xf32> to vector<1x128xf32>
      %mul3A_38 = arith.mulf %add3A_33, %add3A_33 : vector<2000x128xf32>
      %reduce_sum3A_39 = arith.constant dense<0.000000e+00> : vector<128xf32>
      %reduce_sum3A_40 = vector.multi_reduction <add>, %mul3A_38, %reduce_sum3A_39 [0] : vector<2000x128xf32> to vector<128xf32>
      %broadcast_in_dim3A_41 = vector.shape_cast %reduce_sum3A_40 : vector<128xf32> to vector<1x128xf32>
      %broadcast_in_dim3A_42 = arith.constant 0.000000e+00 : f32
      %broadcast_in_dim3A_43 = vector.broadcast %broadcast_in_dim3A_42 : f32 to vector<6x128xf32>
      %concatenate3A = tpu.concatenate %broadcast_in_dim3A, %broadcast_in_dim3A_41, %broadcast_in_dim3A_43 in 0 : vector<1x128xf32>, vector<1x128xf32>, vector<6x128xf32> -> vector<8x128xf32>
      %eq3A_44 = arith.constant 0 : i32
      %eq3A_45 = arith.cmpi eq, %arg1, %eq3A_44 : i32
      %convert_element_type3A_46 = arith.extui %eq3A_45 : i1 to i32
      %cond3A_47 = arith.constant 0 : i32
      %cond3A_48 = arith.cmpi ne, %convert_element_type3A_46, %cond3A_47 : i32
      scf.if %cond3A_48 {
        %swap3A_53 = arith.constant 0 : index
        %swap3A_54 = arith.constant 0 : index
        %swap3A_55 = vector.load %arg19[%swap3A_53, %swap3A_54] : memref<8x128xf32, #tpu.memory_space<vmem>>, vector<8x128xf32>
        tpu.vector_store %arg19[%swap3A_53, %swap3A_54], %concatenate3A {strides = array<i32>} : memref<8x128xf32, #tpu.memory_space<vmem>>, vector<8x128xf32>,
      } else {
      }
      %gt3A = arith.constant 0 : i32
      %gt3A_49 = arith.cmpi sgt, %arg1, %gt3A : i32
      %convert_element_type3A_50 = arith.extui %gt3A_49 : i1 to i32
      %cond3A_51 = arith.constant 0 : i32
      %cond3A_52 = arith.cmpi ne, %convert_element_type3A_50, %cond3A_51 : i32
      scf.if %cond3A_52 {
        %get3A_53 = arith.constant 0 : index
        %get3A_54 = arith.constant 0 : index
        %get3A_55 = vector.load %arg19[%get3A_53, %get3A_54] : memref<8x128xf32, #tpu.memory_space<vmem>>, vector<8x128xf32>
        %add3A_56 = arith.addf %get3A_55, %concatenate3A : vector<8x128xf32>
        %swap3A_57 = arith.constant 0 : index
        %swap3A_58 = arith.constant 0 : index
        %swap3A_59 = vector.load %arg19[%swap3A_57, %swap3A_58] : memref<8x128xf32, #tpu.memory_space<vmem>>, vector<8x128xf32>
        tpu.vector_store %arg19[%swap3A_57, %swap3A_58], %add3A_56 {strides = array<i32>} : memref<8x128xf32, #tpu.memory_space<vmem>>, vector<8x128xf32>,
      } else {
      }
    } else {
    }
    %eq3A_2 = arith.constant 1 : i32
    %eq3A_3 = arith.cmpi eq, %arg0, %eq3A_2 : i32
    %convert_element_type3A_4 = arith.extui %eq3A_3 : i1 to i32
    %cond3A_5 = arith.constant 0 : i32
    %cond3A_6 = arith.cmpi ne, %convert_element_type3A_4, %cond3A_5 : i32
    scf.if %cond3A_6 {
      %get3A = arith.constant 0 : index
      %get3A_12 = arith.constant 0 : index
      %get3A_13 = vector.load %arg19[%get3A, %get3A_12] : memref<8x128xf32, #tpu.memory_space<vmem>>, vector<8x128xf32>
      %get3A_14 = arith.constant 0 : index
      %get3A_15 = arith.constant 0 : index
      %get3A_16 = vector.load %arg7[%get3A_14, %get3A_15] : memref<1x128xf32, #tpu.memory_space<vmem>>, vector<1x128xf32>
      %get3A_17 = arith.constant 0 : index
      %get3A_18 = arith.constant 0 : index
      %get3A_19 = vector.load %arg8[%get3A_17, %get3A_18] : memref<1x128xf32, #tpu.memory_space<vmem>>, vector<1x128xf32>
      %slice3A = vector.extract_strided_slice %get3A_13 {offsets = [0, 0], sizes = [1, 128], strides = [1, 1]} : vector<8x128xf32> to vector<1x128xf32>
      %mul3A = arith.constant 9.99999974E-5 : f32
      %mul3A_20 = vector.broadcast %mul3A : f32 to vector<1x128xf32>
      %mul3A_21 = arith.mulf %slice3A, %mul3A_20 : vector<1x128xf32>
      %slice3A_22 = vector.extract_strided_slice %get3A_13 {offsets = [1, 0], sizes = [1, 128], strides = [1, 1]} : vector<8x128xf32> to vector<1x128xf32>
      %mul3A_23 = arith.constant 9.99999974E-5 : f32
      %mul3A_24 = vector.broadcast %mul3A_23 : f32 to vector<1x128xf32>
      %mul3A_25 = arith.mulf %slice3A_22, %mul3A_24 : vector<1x128xf32>
      %mul3A_26 = arith.mulf %mul3A_21, %mul3A_21 : vector<1x128xf32>
      %sub3A = arith.subf %mul3A_25, %mul3A_26 : vector<1x128xf32>
      %add3A = arith.constant 9.99999974E-6 : f32
      %add3A_27 = vector.broadcast %add3A : f32 to vector<1x128xf32>
      %add3A_28 = arith.addf %sub3A, %add3A_27 : vector<1x128xf32>
      %rsqrt3A = math.rsqrt %add3A_28 : vector<1x128xf32>
      %mul3A_29 = arith.mulf %rsqrt3A, %get3A_16 : vector<1x128xf32>
      %mul3A_30 = arith.mulf %mul3A_21, %mul3A_29 : vector<1x128xf32>
      %sub3A_31 = arith.subf %get3A_19, %mul3A_30 : vector<1x128xf32>
      %mul3A_32 = arith.constant 2000 : i32
      %mul3A_33 = arith.muli %arg1, %mul3A_32 : i32
      %get3A_34 = arith.index_cast %mul3A_33 : i32 to index
      %get3A_35 = arith.constant 0 : index
      %get3A_36 = vector.load %arg17[%get3A_34, %get3A_35] : memref<10000x128xf32, #tpu.memory_space<vmem>>, vector<2000x128xf32>
      %mul3A_37 = vector.broadcast %mul3A_29 : vector<1x128xf32> to vector<2000x128xf32>
      %mul3A_38 = arith.mulf %get3A_36, %mul3A_37 : vector<2000x128xf32>
      %add3A_39 = vector.broadcast %sub3A_31 : vector<1x128xf32> to vector<2000x128xf32>
      %add3A_40 = arith.addf %mul3A_38, %add3A_39 : vector<2000x128xf32>
      %max3A = arith.constant 0.000000e+00 : f32
      %max3A_41 = vector.broadcast %max3A : f32 to vector<2000x128xf32>
      %max3A_42 = arith.maximumf %add3A_40, %max3A_41 : vector<2000x128xf32>
      %get3A_43 = arith.constant 0 : index
      %get3A_44 = arith.constant 0 : index
      %get3A_45 = vector.load %arg9[%get3A_43, %get3A_44] : memref<128x128xf32, #tpu.memory_space<vmem>>, vector<128x128xf32>
      %dot_general3A = arith.constant dense<0.000000e+00> : vector<2000x128xf32>
      %dot_general3A_46 = tpu.matmul %max3A_42, %get3A_45, %dot_general3A {dimension_numbers = #tpu.dot_dimension_numbers<[1], [0], [0], [1], [0, 0, 1, 1], [], []>, transpose_lhs_hint = false} : vector<2000x128xf32>, vector<128x128xf32>, vector<2000x128xf32> -> vector<2000x128xf32>
      %get3A_47 = arith.constant 0 : index
      %get3A_48 = arith.constant 0 : index
      %get3A_49 = vector.load %arg10[%get3A_47, %get3A_48] : memref<1x128xf32, #tpu.memory_space<vmem>>, vector<1x128xf32>
      %add3A_50 = vector.broadcast %get3A_49 : vector<1x128xf32> to vector<2000x128xf32>
      %add3A_51 = arith.addf %dot_general3A_46, %add3A_50 : vector<2000x128xf32>
      %mul3A_52 = arith.constant 2000 : i32
      %mul3A_53 = arith.muli %arg1, %mul3A_52 : i32
      %swap3A = arith.index_cast %mul3A_53 : i32 to index
      %swap3A_54 = arith.constant 0 : index
      %swap3A_55 = vector.load %arg18[%swap3A, %swap3A_54] : memref<10000x128xf32, #tpu.memory_space<vmem>>, vector<2000x128xf32>
      tpu.vector_store %arg18[%swap3A, %swap3A_54], %add3A_51 {strides = array<i32>} : memref<10000x128xf32, #tpu.memory_space<vmem>>, vector<2000x128xf32>,
      %reduce_sum3A = arith.constant dense<0.000000e+00> : vector<128xf32>
      %reduce_sum3A_56 = vector.multi_reduction <add>, %add3A_51, %reduce_sum3A [0] : vector<2000x128xf32> to vector<128xf32>
      %broadcast_in_dim3A = vector.shape_cast %reduce_sum3A_56 : vector<128xf32> to vector<1x128xf32>
      %mul3A_57 = arith.mulf %add3A_51, %add3A_51 : vector<2000x128xf32>
      %reduce_sum3A_58 = arith.constant dense<0.000000e+00> : vector<128xf32>
      %reduce_sum3A_59 = vector.multi_reduction <add>, %mul3A_57, %reduce_sum3A_58 [0] : vector<2000x128xf32> to vector<128xf32>
      %broadcast_in_dim3A_60 = vector.shape_cast %reduce_sum3A_59 : vector<128xf32> to vector<1x128xf32>
      %broadcast_in_dim3A_61 = arith.constant 0.000000e+00 : f32
      %broadcast_in_dim3A_62 = vector.broadcast %broadcast_in_dim3A_61 : f32 to vector<6x128xf32>
      %concatenate3A = tpu.concatenate %broadcast_in_dim3A, %broadcast_in_dim3A_60, %broadcast_in_dim3A_62 in 0 : vector<1x128xf32>, vector<1x128xf32>, vector<6x128xf32> -> vector<8x128xf32>
      %eq3A_63 = arith.constant 0 : i32
      %eq3A_64 = arith.cmpi eq, %arg1, %eq3A_63 : i32
      %convert_element_type3A_65 = arith.extui %eq3A_64 : i1 to i32
      %cond3A_66 = arith.constant 0 : i32
      %cond3A_67 = arith.cmpi ne, %convert_element_type3A_65, %cond3A_66 : i32
      scf.if %cond3A_67 {
        %swap3A_72 = arith.constant 0 : index
        %swap3A_73 = arith.constant 0 : index
        %swap3A_74 = vector.load %arg20[%swap3A_72, %swap3A_73] : memref<8x128xf32, #tpu.memory_space<vmem>>, vector<8x128xf32>
        tpu.vector_store %arg20[%swap3A_72, %swap3A_73], %concatenate3A {strides = array<i32>} : memref<8x128xf32, #tpu.memory_space<vmem>>, vector<8x128xf32>,
      } else {
      }
      %gt3A = arith.constant 0 : i32
      %gt3A_68 = arith.cmpi sgt, %arg1, %gt3A : i32
      %convert_element_type3A_69 = arith.extui %gt3A_68 : i1 to i32
      %cond3A_70 = arith.constant 0 : i32
      %cond3A_71 = arith.cmpi ne, %convert_element_type3A_69, %cond3A_70 : i32
      scf.if %cond3A_71 {
        %get3A_72 = arith.constant 0 : index
        %get3A_73 = arith.constant 0 : index
        %get3A_74 = vector.load %arg20[%get3A_72, %get3A_73] : memref<8x128xf32, #tpu.memory_space<vmem>>, vector<8x128xf32>
        %add3A_75 = arith.addf %get3A_74, %concatenate3A : vector<8x128xf32>
        %swap3A_76 = arith.constant 0 : index
        %swap3A_77 = arith.constant 0 : index
        %swap3A_78 = vector.load %arg20[%swap3A_76, %swap3A_77] : memref<8x128xf32, #tpu.memory_space<vmem>>, vector<8x128xf32>
        tpu.vector_store %arg20[%swap3A_76, %swap3A_77], %add3A_75 {strides = array<i32>} : memref<8x128xf32, #tpu.memory_space<vmem>>, vector<8x128xf32>,
      } else {
      }
    } else {
    }
    %eq3A_7 = arith.constant 2 : i32
    %eq3A_8 = arith.cmpi eq, %arg0, %eq3A_7 : i32
    %convert_element_type3A_9 = arith.extui %eq3A_8 : i1 to i32
    %cond3A_10 = arith.constant 0 : i32
    %cond3A_11 = arith.cmpi ne, %convert_element_type3A_9, %cond3A_10 : i32
    scf.if %cond3A_11 {
      %get3A = arith.constant 0 : index
      %get3A_12 = arith.constant 0 : index
      %get3A_13 = vector.load %arg20[%get3A, %get3A_12] : memref<8x128xf32, #tpu.memory_space<vmem>>, vector<8x128xf32>
      %get3A_14 = arith.constant 0 : index
      %get3A_15 = arith.constant 0 : index
      %get3A_16 = vector.load %arg11[%get3A_14, %get3A_15] : memref<1x128xf32, #tpu.memory_space<vmem>>, vector<1x128xf32>
      %get3A_17 = arith.constant 0 : index
      %get3A_18 = arith.constant 0 : index
      %get3A_19 = vector.load %arg12[%get3A_17, %get3A_18] : memref<1x128xf32, #tpu.memory_space<vmem>>, vector<1x128xf32>
      %slice3A = vector.extract_strided_slice %get3A_13 {offsets = [0, 0], sizes = [1, 128], strides = [1, 1]} : vector<8x128xf32> to vector<1x128xf32>
      %mul3A = arith.constant 9.99999974E-5 : f32
      %mul3A_20 = vector.broadcast %mul3A : f32 to vector<1x128xf32>
      %mul3A_21 = arith.mulf %slice3A, %mul3A_20 : vector<1x128xf32>
      %slice3A_22 = vector.extract_strided_slice %get3A_13 {offsets = [1, 0], sizes = [1, 128], strides = [1, 1]} : vector<8x128xf32> to vector<1x128xf32>
      %mul3A_23 = arith.constant 9.99999974E-5 : f32
      %mul3A_24 = vector.broadcast %mul3A_23 : f32 to vector<1x128xf32>
      %mul3A_25 = arith.mulf %slice3A_22, %mul3A_24 : vector<1x128xf32>
      %mul3A_26 = arith.mulf %mul3A_21, %mul3A_21 : vector<1x128xf32>
      %sub3A = arith.subf %mul3A_25, %mul3A_26 : vector<1x128xf32>
      %add3A = arith.constant 9.99999974E-6 : f32
      %add3A_27 = vector.broadcast %add3A : f32 to vector<1x128xf32>
      %add3A_28 = arith.addf %sub3A, %add3A_27 : vector<1x128xf32>
      %rsqrt3A = math.rsqrt %add3A_28 : vector<1x128xf32>
      %mul3A_29 = arith.mulf %rsqrt3A, %get3A_16 : vector<1x128xf32>
      %mul3A_30 = arith.mulf %mul3A_21, %mul3A_29 : vector<1x128xf32>
      %sub3A_31 = arith.subf %get3A_19, %mul3A_30 : vector<1x128xf32>
      %mul3A_32 = arith.constant 2000 : i32
      %mul3A_33 = arith.muli %arg1, %mul3A_32 : i32
      %get3A_34 = arith.index_cast %mul3A_33 : i32 to index
      %get3A_35 = arith.constant 0 : index
      %get3A_36 = vector.load %arg18[%get3A_34, %get3A_35] : memref<10000x128xf32, #tpu.memory_space<vmem>>, vector<2000x128xf32>
      %mul3A_37 = vector.broadcast %mul3A_29 : vector<1x128xf32> to vector<2000x128xf32>
      %mul3A_38 = arith.mulf %get3A_36, %mul3A_37 : vector<2000x128xf32>
      %add3A_39 = vector.broadcast %sub3A_31 : vector<1x128xf32> to vector<2000x128xf32>
      %add3A_40 = arith.addf %mul3A_38, %add3A_39 : vector<2000x128xf32>
      %max3A = arith.constant 0.000000e+00 : f32
      %max3A_41 = vector.broadcast %max3A : f32 to vector<2000x128xf32>
      %max3A_42 = arith.maximumf %add3A_40, %max3A_41 : vector<2000x128xf32>
      %get3A_43 = arith.constant 0 : index
      %get3A_44 = arith.constant 0 : index
      %get3A_45 = arith.constant 0 : index
      %get3A_46 = vector.load %arg13[%get3A_43, %get3A_44, %get3A_45] : memref<1x1x2000xi32, #tpu.memory_space<vmem>>, vector<1x1x2000xi32>
      %get3A_47 = vector.shape_cast %get3A_46 : vector<1x1x2000xi32> to vector<2000xi32>
      %broadcast_in_dim3A = vector.shape_cast %get3A_47 : vector<2000xi32> to vector<2000x1xi32>
      %iota3A = tpu.iota {dimensions = array<i32: 1>} : vector<2000x128xi32>
      %eq3A_48 = vector.broadcast %broadcast_in_dim3A : vector<2000x1xi32> to vector<2000x128xi32>
      %eq3A_49 = arith.cmpi eq, %eq3A_48, %iota3A : vector<2000x128xi32>
      %convert_element_type3A_50 = arith.extui %eq3A_49 : vector<2000x128xi1> to vector<2000x128xi32>
      %convert_element_type3A_51 = arith.sitofp %convert_element_type3A_50 : vector<2000x128xi32> to vector<2000x128xf32>
      %dot_general3A = arith.constant dense<0.000000e+00> : vector<128x128xf32>
      %dot_general3A_52 = tpu.matmul %convert_element_type3A_51, %max3A_42, %dot_general3A {dimension_numbers = #tpu.dot_dimension_numbers<[0], [0], [1], [1], [0, 1, 1, 1], [], []>, transpose_lhs_hint = false} : vector<2000x128xf32>, vector<2000x128xf32>, vector<128x128xf32> -> vector<128x128xf32>
      %eq3A_53 = arith.constant 0 : i32
      %eq3A_54 = arith.cmpi eq, %arg1, %eq3A_53 : i32
      %convert_element_type3A_55 = arith.extui %eq3A_54 : i1 to i32
      %cond3A_56 = arith.constant 0 : i32
      %cond3A_57 = arith.cmpi ne, %convert_element_type3A_55, %cond3A_56 : i32
      scf.if %cond3A_57 {
        %swap3A = arith.constant 0 : index
        %swap3A_67 = arith.constant 0 : index
        %swap3A_68 = vector.load %arg21[%swap3A, %swap3A_67] : memref<128x128xf32, #tpu.memory_space<vmem>>, vector<128x128xf32>
        tpu.vector_store %arg21[%swap3A, %swap3A_67], %dot_general3A_52 {strides = array<i32>} : memref<128x128xf32, #tpu.memory_space<vmem>>, vector<128x128xf32>,
      } else {
      }
      %gt3A = arith.constant 0 : i32
      %gt3A_58 = arith.cmpi sgt, %arg1, %gt3A : i32
      %convert_element_type3A_59 = arith.extui %gt3A_58 : i1 to i32
      %cond3A_60 = arith.constant 0 : i32
      %cond3A_61 = arith.cmpi ne, %convert_element_type3A_59, %cond3A_60 : i32
      scf.if %cond3A_61 {
        %get3A_67 = arith.constant 0 : index
        %get3A_68 = arith.constant 0 : index
        %get3A_69 = vector.load %arg21[%get3A_67, %get3A_68] : memref<128x128xf32, #tpu.memory_space<vmem>>, vector<128x128xf32>
        %add3A_70 = arith.addf %get3A_69, %dot_general3A_52 : vector<128x128xf32>
        %swap3A = arith.constant 0 : index
        %swap3A_71 = arith.constant 0 : index
        %swap3A_72 = vector.load %arg21[%swap3A, %swap3A_71] : memref<128x128xf32, #tpu.memory_space<vmem>>, vector<128x128xf32>
        tpu.vector_store %arg21[%swap3A, %swap3A_71], %add3A_70 {strides = array<i32>} : memref<128x128xf32, #tpu.memory_space<vmem>>, vector<128x128xf32>,
      } else {
      }
      %eq3A_62 = arith.constant 4 : i32
      %eq3A_63 = arith.cmpi eq, %arg1, %eq3A_62 : i32
      %convert_element_type3A_64 = arith.extui %eq3A_63 : i1 to i32
      %cond3A_65 = arith.constant 0 : i32
      %cond3A_66 = arith.cmpi ne, %convert_element_type3A_64, %cond3A_65 : i32
      scf.if %cond3A_66 {
        %get3A_67 = arith.constant 0 : index
        %get3A_68 = arith.constant 0 : index
        %get3A_69 = vector.load %arg21[%get3A_67, %get3A_68] : memref<128x128xf32, #tpu.memory_space<vmem>>, vector<128x128xf32>
        %get3A_70 = arith.constant 0 : index
        %get3A_71 = arith.constant 0 : index
        %get3A_72 = vector.load %arg14[%get3A_70, %get3A_71] : memref<128x256xf32, #tpu.memory_space<vmem>>, vector<128x256xf32>
        %dot_general3A_73 = arith.constant dense<0.000000e+00> : vector<128x256xf32>
        %dot_general3A_74 = tpu.matmul %get3A_69, %get3A_72, %dot_general3A_73 {dimension_numbers = #tpu.dot_dimension_numbers<[1], [0], [0], [1], [0, 0, 1, 1], [], []>, transpose_lhs_hint = false} : vector<128x128xf32>, vector<128x256xf32>, vector<128x256xf32> -> vector<128x256xf32>
        %get3A_75 = arith.constant 0 : index
        %get3A_76 = arith.constant 0 : index
        %get3A_77 = vector.load %arg15[%get3A_75, %get3A_76] : memref<1x256xf32, #tpu.memory_space<vmem>>, vector<1x256xf32>
        %add3A_78 = vector.broadcast %get3A_77 : vector<1x256xf32> to vector<128x256xf32>
        %add3A_79 = arith.addf %dot_general3A_74, %add3A_78 : vector<128x256xf32>
        %swap3A = arith.constant 0 : index
        %swap3A_80 = arith.constant 0 : index
        %swap3A_81 = vector.load %arg16[%swap3A, %swap3A_80] : memref<128x256xf32, #tpu.memory_space<vmem>>, vector<128x256xf32>
        tpu.vector_store %arg16[%swap3A, %swap3A_80], %add3A_79 {strides = array<i32>} : memref<128x256xf32, #tpu.memory_space<vmem>>, vector<128x256xf32>,
      } else {
      }
    } else {
    }
    return
  }
  func.func @transform_0(%arg0: i32, %arg1: i32) -> (i32, i32) {
    %eq3A = arith.constant 0 : i32
    %eq3A_0 = arith.cmpi eq, %arg0, %eq3A : i32
    %jit3A = arith.constant 4 : i32
    %select_n3A = arith.select %eq3A_0, %arg1, %jit3A : i32
    %c0_i32 = arith.constant 0 : i32
    %c0_i32_1 = arith.constant 0 : i32
    return %select_n3A, %c0_i32 : i32, i32
  }
  func.func @transform_1(%arg0: i32, %arg1: i32) -> (i32, i32, i32) {
    %eq3A = arith.constant 0 : i32
    %eq3A_0 = arith.cmpi eq, %arg0, %eq3A : i32
    %jit3A = arith.constant 4 : i32
    %select_n3A = arith.select %eq3A_0, %arg1, %jit3A : i32
    %c0_i32 = arith.constant 0 : i32
    %c0_i32_1 = arith.constant 0 : i32
    %c0_i32_2 = arith.constant 0 : i32
    return %c0_i32, %select_n3A, %c0_i32_1 : i32, i32, i32
  }
  func.func @transform_2(%arg0: i32, %arg1: i32) -> (i32, i32, i32) {
    %eq3A = arith.constant 0 : i32
    %eq3A_0 = arith.cmpi eq, %arg0, %eq3A : i32
    %jit3A = arith.constant 4 : i32
    %select_n3A = arith.select %eq3A_0, %arg1, %jit3A : i32
    %c1_i32 = arith.constant 1 : i32
    %c0_i32 = arith.constant 0 : i32
    %c0_i32_1 = arith.constant 0 : i32
    return %c1_i32, %select_n3A, %c0_i32 : i32, i32, i32
  }
  func.func @transform_3(%arg0: i32, %arg1: i32) -> (i32, i32) {
    %c0_i32 = arith.constant 0 : i32
    %c0_i32_0 = arith.constant 0 : i32
    %c0_i32_1 = arith.constant 0 : i32
    return %c0_i32, %c0_i32_0 : i32, i32
  }
  func.func @transform_4(%arg0: i32, %arg1: i32) -> (i32, i32) {
    %c0_i32 = arith.constant 0 : i32
    %c0_i32_0 = arith.constant 0 : i32
    %c0_i32_1 = arith.constant 0 : i32
    return %c0_i32, %c0_i32_0 : i32, i32
  }
  func.func @transform_5(%arg0: i32, %arg1: i32) -> (i32, i32) {
    %c0_i32 = arith.constant 0 : i32
    %c0_i32_0 = arith.constant 0 : i32
    %c0_i32_1 = arith.constant 0 : i32
    return %c0_i32, %c0_i32_0 : i32, i32
  }
  func.func @transform_6(%arg0: i32, %arg1: i32) -> (i32, i32) {
    %c0_i32 = arith.constant 0 : i32
    %c0_i32_0 = arith.constant 0 : i32
    %c0_i32_1 = arith.constant 0 : i32
    return %c0_i32, %c0_i32_0 : i32, i32
  }
  func.func @transform_7(%arg0: i32, %arg1: i32) -> (i32, i32) {
    %c0_i32 = arith.constant 0 : i32
    %c0_i32_0 = arith.constant 0 : i32
    %c0_i32_1 = arith.constant 0 : i32
    return %c0_i32, %c0_i32_0 : i32, i32
  }
  func.func @transform_8(%arg0: i32, %arg1: i32) -> (i32, i32) {
    %c0_i32 = arith.constant 0 : i32
    %c0_i32_0 = arith.constant 0 : i32
    %c0_i32_1 = arith.constant 0 : i32
    return %c0_i32, %c0_i32_0 : i32, i32
  }
  func.func @transform_9(%arg0: i32, %arg1: i32) -> (i32, i32) {
    %c0_i32 = arith.constant 0 : i32
    %c0_i32_0 = arith.constant 0 : i32
    %c0_i32_1 = arith.constant 0 : i32
    return %c0_i32, %c0_i32_0 : i32, i32
  }
  func.func @transform_10(%arg0: i32, %arg1: i32) -> (i32, i32) {
    %c0_i32 = arith.constant 0 : i32
    %c0_i32_0 = arith.constant 0 : i32
    %c0_i32_1 = arith.constant 0 : i32
    return %c0_i32, %c0_i32_0 : i32, i32
  }
  func.func @transform_11(%arg0: i32, %arg1: i32) -> (i32, i32, i32) {
    %eq3A = arith.constant 2 : i32
    %eq3A_0 = arith.cmpi eq, %arg0, %eq3A : i32
    %jit3A = arith.constant 4 : i32
    %select_n3A = arith.select %eq3A_0, %arg1, %jit3A : i32
    %c0_i32 = arith.constant 0 : i32
    %c0_i32_1 = arith.constant 0 : i32
    %c0_i32_2 = arith.constant 0 : i32
    return %select_n3A, %c0_i32, %c0_i32_1 : i32, i32, i32
  }
  func.func @transform_12(%arg0: i32, %arg1: i32) -> (i32, i32) {
    %c0_i32 = arith.constant 0 : i32
    %c0_i32_0 = arith.constant 0 : i32
    %c0_i32_1 = arith.constant 0 : i32
    return %c0_i32, %c0_i32_0 : i32, i32
  }
  func.func @transform_13(%arg0: i32, %arg1: i32) -> (i32, i32) {
    %c0_i32 = arith.constant 0 : i32
    %c0_i32_0 = arith.constant 0 : i32
    %c0_i32_1 = arith.constant 0 : i32
    return %c0_i32, %c0_i32_0 : i32, i32
  }
  func.func @transform_14(%arg0: i32, %arg1: i32) -> (i32, i32) {
    %c0_i32 = arith.constant 0 : i32
    %c0_i32_0 = arith.constant 0 : i32
    %c0_i32_1 = arith.constant 0 : i32
    return %c0_i32, %c0_i32_0 : i32, i32
  }
}

</mosaic_0001>

<sc_bundles>
// kernel: kernel.11.cloned.1.call-start
scs
__scs_entry_jumppad:
0x0: {  	(pc) =	sbr.rel $0x88, $3  }
0x1: {  	(tag) =	ssettag $0x0;
	lr =	simm.s32 $0x1  }
0x2: {  	[smem:$0x3F84] =	sst lr;
	_ =	strace $0xD0000000  }
0x3: {  	_ = 	snop  }
0x4: {  	_ = 	snop  }
0x5: {  	_ = 	snop  }
0x6: {  	_ = 	snop  }
0x7: {  	_ = 	snop  }
__scs_overlays_trampoline_lowered:
0x8: {  	[smem:$0x3F93] =	sst s0  }
0x9: {  	[smem:$0x3F94] =	sst s1  }
0xa: {  	[smem:$0x3F95] =	sst s2  }
0xb: {  	[smem:$0x3F96] =	sst s3  }
0xc: {  	[smem:$0x3F97] =	sst s4  }
0xd: {  	[smem:$0x3F98] =	sst s5  }
0xe: {  	[smem:$0x3F99] =	sst s6  }
0xf: {  	[smem:$0x3F9A] =	sst s7  }
0x10: {  	[smem:$0x3F9B] =	sst s8  }
0x11: {  	[smem:$0x3F9C] =	sst s9;
	s0 =	simm.s32 @!p0 $0x0  }
0x12: {  	s1 =	sld [smem:$0x3F82];
	s0 =	simm.s32 @p0 $0x1  }
0x13: {  	[smem:$0x3F9D] =	sst s0;
	s0 =	simm.s32 @!p1 $0x0  }
0x14: {  	s2 =	sld [smem:$0x3F81];
	s0 =	simm.s32 @p1 $0x1  }
0x15: {  	[smem:$0x3F9E] =	sst s0;
	s0 =	simm.s32 @!p2 $0x0  }
0x16: {  	s3 =	sld [smem:$0x3FDB];
	s0 =	simm.s32 @p2 $0x1  }
0x17: {  	s4 =	simm.s32 $0x1BF5;
	[smem:$0x3FA0] =	sst s0  }
0x18: {  	s0 =	sld [smem:$0x3F83];
	_ =	swait.ge [sflag:s4], $0x0  }
0x19: {  	s7 =	sld [smem:$0x3F84]  }
0x1a: {  	s8 =	sadd.s32 $0xFFFFE003, lr  }
0x1b: {  	s9 =	sadd.s32 $0xFFFFFEF7, lr;
	s5 =	simm.s32 $0xFFFFFFFF;
	p2 =	slt.u32 s8, $0xFFFFF086  }
0x1c: {  	p1 =	slt.u32 s9, $0xF7A;
	s5 =	simm.s32 @!p2 $0x0  }
0x1d: {  	s5 =	simm.s32 @p1 $0x1;
	p0 =	seq.s32 s7, s2  }
0x1e: {  	s7 =	smul.u32 @!p0 $0xF7A, s2;
	p2 =	seq.s32 @!p0 s5, $0x0  }
0x1f: {  	s9 =	smul.u32 $0xF7A, s1;
	s8 =	simm.s32 @!p0 $0x1BF5;
	p2 =	por !p2, p0  }
0x20: {  	[sflag:s8] =	ssyncset.s32 @!p0 $0xFFFFF086;
	s6 =	sadd.s32 @!p0 s3, s7;
	s7 =	simm.s32 @!p0 $0x108  }
0x21: {  	s3 =	sadd.s32 s3, s9;
	s6 =	sadd.s32 @!p0 $0x88, s6;
	s7 =	simm.s32 @p2 $0x1082  }
0x22: {  	[simem:s7], [sflag:s8] =	dma.local @!p0 [hbm:s6], $0xF7A  }
0x23: {  	s9 =	sor.u32 $0xD0000000, s2;
	s6 =	simm.s32 $0x108;
	_ =	swait.ge @!p0 [sflag:s8], $0x0  }
0x24: {  	s3 =	sadd.s32 $0x88, s3;
	s6 =	simm.s32 @!p1 $0x1082;
	[sflag:s4] =	ssyncset.s32 $0xFFFFF086  }
0x25: {  	[simem:s6], [sflag:s4] =	dma.local [hbm:s3], $0xF7A  }
0x26: {  	[smem:$0x3F84] =	sst s1;
	(tag) =	ssettag s2;
	_ =	strace s9  }
0x27: {  	s1 =	sld [smem:$0x3F94]  }
0x28: {  	s2 =	sld [smem:$0x3F95]  }
0x29: {  	s4 =	sld [smem:$0x3F97]  }
0x2a: {  	p0 =	seq.s32 s5, $0x0;
	s5 =	sld [smem:$0x3F98]  }
0x2b: {  	s6 =	sld [smem:$0x3F99]  }
0x2c: {  	s7 =	sld [smem:$0x3F9A]  }
0x2d: {  	s3 =	simm.s32 $0x108;
	s8 =	sld [smem:$0x3F9B]  }
0x2e: {  	s3 =	simm.s32 @!p0 $0x1082;
	s9 =	sld [smem:$0x3F9C]  }
0x2f: {  	lr =	sadd.s32 s0, s3;
	s0 =	sld [smem:$0x3F93]  }
0x30: {  	s3 =	sld [smem:$0x3F96]  }
0x31: {  	[smem:$0x3F9F] =	sst s10  }
0x32: {  	s10 =	sld [smem:$0x3F9D];
	_ =	sdelay $0x3  }
0x33: {  	p0 =	seq.s32 s10, $0x1;
	s10 =	sld [smem:$0x3F9F];
	_ =	sdelay $0x3  }
0x34: {  	[smem:$0x3F9F] =	sst s10  }
0x35: {  	s10 =	sld [smem:$0x3F9E];
	_ =	sdelay $0x3  }
0x36: {  	p1 =	seq.s32 s10, $0x1;
	s10 =	sld [smem:$0x3F9F];
	_ =	sdelay $0x3  }
0x37: {  	[smem:$0x3F9F] =	sst s10  }
0x38: {  	s10 =	sld [smem:$0x3FA0]  }
0x39: {  	_ = 	snop;
	(pc) =	sbr.ind lr, $3  }
0x3a: {  	_ = 	snop  }
0x3b: {  	_ = 	snop  }
0x3c: {  	p2 =	seq.s32 s10, $0x1;
	s10 =	sld [smem:$0x3F9F]  }
0x3d: {  	_ =	shalt  }
0x3e: {  	_ =	shalt  }
0x3f: {  	_ =	shalt  }
0x40: {  	_ =	shalt  }
0x41: {  	_ =	shalt  }
0x42: {  	_ =	shalt  }
0x43: {  	_ =	shalt  }
0x44: {  	_ =	shalt  }
0x45: {  	_ =	shalt  }
0x46: {  	_ =	shalt  }
0x47: {  	_ =	shalt  }
0x48: {  	_ =	shalt  }
0x49: {  	_ =	shalt  }
0x4a: {  	_ =	shalt  }
0x4b: {  	_ =	shalt  }
0x4c: {  	_ =	shalt  }
0x4d: {  	_ =	shalt  }
0x4e: {  	_ =	shalt  }
0x4f: {  	_ =	shalt  }
0x50: {  	_ =	shalt  }
0x51: {  	_ =	shalt  }
0x52: {  	_ =	shalt  }
0x53: {  	_ =	shalt  }
0x54: {  	_ =	shalt  }
0x55: {  	_ =	shalt  }
0x56: {  	_ =	shalt  }
0x57: {  	_ =	shalt  }
0x58: {  	_ =	shalt  }
0x59: {  	_ =	shalt  }
0x5a: {  	_ =	shalt  }
0x5b: {  	_ =	shalt  }
0x5c: {  	_ =	shalt  }
0x5d: {  	_ =	shalt  }
0x5e: {  	_ =	shalt  }
0x5f: {  	_ =	shalt  }
0x60: {  	_ =	shalt  }
0x61: {  	_ =	shalt  }
0x62: {  	_ =	shalt  }
0x63: {  	_ =	shalt  }
0x64: {  	_ =	shalt  }
0x65: {  	_ =	shalt  }
0x66: {  	_ =	shalt  }
0x67: {  	_ =	shalt  }
0x68: {  	_ =	shalt  }
0x69: {  	_ =	shalt  }
0x6a: {  	_ =	shalt  }
0x6b: {  	_ =	shalt  }
0x6c: {  	_ =	shalt  }
0x6d: {  	_ =	shalt  }
0x6e: {  	_ =	shalt  }
0x6f: {  	_ =	shalt  }
0x70: {  	_ =	shalt  }
0x71: {  	_ =	shalt  }
0x72: {  	_ =	shalt  }
0x73: {  	_ =	shalt  }
0x74: {  	_ =	shalt  }
0x75: {  	_ =	shalt  }
0x76: {  	_ =	shalt  }
0x77: {  	_ =	shalt  }
0x78: {  	_ =	shalt  }
0x79: {  	_ =	shalt  }
0x7a: {  	_ =	shalt  }
0x7b: {  	_ =	shalt  }
0x7c: {  	_ =	shalt  }
0x7d: {  	_ =	shalt  }
0x7e: {  	_ =	shalt  }
0x7f: {  	_ =	shalt  }
0x80: {  	_ =	shalt  }
0x81: {  	_ =	shalt  }
0x82: {  	_ =	shalt  }
0x83: {  	_ =	shalt  }
0x84: {  	_ =	shalt  }
0x85: {  	_ =	shalt  }
0x86: {  	_ =	shalt  }
0x87: {  	_ =	shalt  }
.Lfunc_end0:
.L_simem_size_0:
called_computation.1_lowered:
.L_overlay_start_0:
0x88: {  	s2 =	sld [smem:$0x3FD9]  }
0x89: {  	s3 =	sld [smem:$0x3FFE];
	_ =	sdelay $0x1  }
0x8a: {  	s1 =	srdreg.scid  }
0x8b: {  	s0 =	sand.u32 $0x1, s1  }
0x8c: {  	s16 =	sshll.u32 s0, $0xA;
	s2 =	sadd.s32 s3, s2  }
0x8d: {  	s2 =	sadd.s32 s2, s16  }
0x8e: {  	[smem:$0x3FAB] =	sst s2  }
0x8f: {  	_ = 	snop  }
0x90: {  	(tm) =	ssettm $0x1  }
0x91: {  	s17 =	sld [smem:$0x3FFB];
	_ =	sdelay $0x3  }
0x92: {  	_ =	strace s17  }
0x93: {  	s2 =	sld [smem:$0x3FFC];
	_ =	sdelay $0x3  }
0x94: {  	_ =	strace s2  }
0x95: {  	s2 =	sld [smem:$0x3FFD];
	_ =	sdelay $0x3  }
0x96: {  	_ =	strace s2  }
0x97: {  	_ =	strace $0x8FFFFFFF  }
0x98: {  	s18 =	sld [smem:$0x3FDB];
	_ =	sdelay $0x1  }
0x99: {  	s19 =	simm.s32 $_scs_section_size  }
0x9a: {  	s4 =	simm.s32 $_size__tile_overlayer_lowered;
	s5 =	simm.s32 $_tile_overlayer_lowered  }
0x9b: {  	s22 =	simm.s32 $0x1BFF;
	s21 =	sshll.u32 s5, $0x1;
	s2 =	sadd.s32 s19, s18  }
0x9c: {  	s6 =	simm.s32 $0x0;
	s20 =	sshll.u32 s4, $0x1;
	s4 =	sadd.s32 s21, s2  }
0x9d: {  	[timem:s6], [sflag:s22] =	dma.local [hbm:s4], s20  }
0x9e: {  	_ =	swait.ge [sflag:s22], s20  }
0x9f: {  	s3 =	ssub.s32 $0x0, s20;
	[sflag:s22] =	ssyncset.done $0x0  }
0xa0: {  	[sflag:s22] =	ssyncadd.s32 s3;
	_ =	sdelay $0x1  }
0xa1: {  	s23 =	simm.s32 $0x1B8B  }
0xa2: {  	_ =	swait.ge [sflag:s23], $0x1  }
0xa3: {  	[sflag:s23] =	ssyncset.done $0x0  }
0xa4: {  	s25 =	simm.s32 $0x1B8E;
	s24 =	sld [smem:$0x3FFE];
	[sflag:s23] =	ssyncadd.s32 $0xFFFFFFFF  }
0xa5: {  	s26 =	simm.s32 $execute0_lowered;
	[smem:$0x3FD2] =	sst s25  }
0xa6: {  	s4 =	sshll.u32 s26, $0x1;
	_ =	strace $0x80000049;
	[dreg:$0x1] =	wrdreg $0xFFFFFFFF  }
0xa7: {  	s28 =	simm.s32 $_size_execute0_lowered;
	s2 =	sadd.s32 s2, s4;
	[dreg:$0x0] =	wrdreg $0x0  }
0xa8: {  	s4 =	sshll.u32 s28, $0x1;
	[dreg:$0x2] =	wrdreg s2  }
0xa9: {  	[dreg:$0x3] =	wrdreg s4  }
0xaa: {  	[dreg:$0x4] =	wrdreg $0xC0  }
0xab: {  	_ =	task [dreg:s6], $0x5FFFF  }
0xac: {  	[dreg:$0x1] =	wrdreg $0xFFFFFFFF  }
0xad: {  	[dreg:$0x0] =	wrdreg $0x60  }
0xae: {  	[dreg:$0x2] =	wrdreg s24  }
0xaf: {  	[dreg:$0x3] =	wrdreg $0x0  }
0xb0: {  	[dreg:$0x4] =	wrdreg $0x9  }
0xb1: {  	_ =	task.clear_ibuf [dreg:s6], $0x5FFFF;
	_ =	strace $0x90000049  }
0xb2: {  	s29 =	simm.s32 $0x9;
	_ =	strace $0x8000004B  }
0xb3: {  	_ =	swait.ge [sflag:s29], $0x1  }
0xb4: {  	[sflag:s29] =	ssyncadd.s32 $0xFFFFFFFF  }
0xb5: {  	_ =	strace $0x9000004B  }
0xb6: {  	_ =	sfence  }
0xb7: {  	s30 =	sld [smem:$0x0];
	_ =	sdelay $0x2  }
0xb8: {  	s31 =	sshll.u32 s1, $0xD;
	s1 =	sshrl.u32 s1, $0x2  }
0xb9: {  	s3 =	sand.u32 $0x4000, s31;
	s1 =	sadd.s32 s1, s30  }
0xba: {  	s0 =	sor.u32 s3, s0;
	s1 =	sshll.u32 s1, $0x11  }
0xbb: {  	s0 =	sor.u32 s1, s0  }
0xbc: {  	s0 =	sadd.s32 $0x8F2B, s0  }
0xbd: {  	[sflag:s0] =	ssyncadd.remote.s32 $0x1  }
0xbe: {  	_ =	sfence.sel $0xFFFF  }
0xbf: {  	[dreg:$0x0] =	wrdreg $0xFFFFFFFF;
	(pc) =	sbr.abs _section_cstart, $3  }
0xc0: {  	[dreg:$0x1] =	wrdreg $0xFFFFFFFF  }
0xc1: {  	_ =	task.clear_ibuf [dreg:s6], $0x2FFFF;
	_ =	strace $0x9FFFFFFF  }
0xc2: {  	(tm) =	ssettm $0x7FFFFFFF  }
0xc3: {  	_ =	shalt  }
tec
execute0_lowered:
.L_overlay_start_1:
0x0: {  	(tag) =	ssettag $0x1  }
0x1: {  	s0 =	rddreg [dreg:$0x0]  }
0x2: {  	s2 =	rddreg [dreg:$0x1]  }
0x3: {  	s1 =	srdreg.scid;
	s12 =	stileid.u32;
	s3 =	simm.s32 $0x0  }
0x4: {  	s17 =	simm.s32 $0x13C00;
	s18 =	simm.s32 $0x8;
	s19 =	simm.s32 $0x17C00  }
0x5: {  	s20 =	simm.s32 $0x50;
	s21 =	simm.s32 $0x17D00;
	s28 =	simm.s32 $0x1  }
0x6: {  	s29 =	simm.s32 $0x2;
	s30 =	simm.s32 $0x6;
	s31 =	simm.s32 $0x3  }
0x7: {  	s1 =	sand.u32 $0x1, s1;
	s4 =	sshll.u32 s12, $0xF;
	s8 =	smul.u32 $0x13C00, s12  }
0x8: {  	[smem:$0x7FF] =	sst s3;
	s6 =	sadd.s32 $0x15000, s0;
	s22 =	smul.u32 $0x4F000, s12  }
0x9: {  	s11 =	sadd.s32 $0x25000, s0;
	s5 =	sshll.u32 s1, $0xE;
	s7 =	smul.u32 $0x13C000, s1  }
0xa: {  	_ =	strace $0x8000004A;
	s1 =	ssub.s32 $0x2, s1;
	[dreg:$0x3] =	wrdreg s11  }
0xb: {  	s4 =	sor.u32 s5, s4;
	s5 =	sadd.s32 $0x27800, s0;
	s23 =	sshrl.u32 s1, $0x1  }
0xc: {  	s24 =	sshrl.u32 s22, $0x2;
	s22 =	simm.s32 $0x17C80;
	s9 =	sshrl.u32 s4, $0x3  }
0xd: {  	s7 =	sadd.s32 s8, s7;
	s1 =	ssub.s32 s1, s23;
	s8 =	sshll.u32 s12, $0x6  }
0xe: {  	s23 =	simm.s32 $0x0;
	s10 =	sadd.s32 s9, s0;
	s7 =	sshrl.u32 s7, $0x3  }
0xf: {  	s9 =	sadd.s32 s6, s9;
	s25 =	sor.u32 $0x1C07, s8;
	s14 =	smax.u32 s1, $0x1  }
0x10: {  	s0 =	sadd.s32 s7, s0;
	s7 =	sadd.s32 s24, s2;
	[dreg:$0x4] =	wrdreg s25  }
0x11: {  	s10 =	sadd.s32 $0x5000, s10;
	s26 =	sadd.s32 $0x10, s9;
	s15 =	sadd.s32 $0x7C0, s9  }
0x12: {  	s24 =	simm.s32 $0x1A500;
	s25 =	simm.s32 $0x7;
	[dreg:$0x5] =	wrdreg s10  }
0x13: {  	[dreg:$0x6] =	wrdreg s26;
	s0 =	sadd.s32 $0x4EA00, s0;
	s16 =	sshrl.u32 s7, $0x3  }
0x14: {  	s26 =	simm.s32 $0x5;
	[dreg:$0x7] =	wrdreg s0;
	s0 =	simm.s32 $0x4  }
.LBB2_1:
0x15: {  	s1 =	rddreg [dreg:$0x3]  }
0x16: {  	s7 =	rddreg [dreg:$0x4]  }
0x17: {  	[spmem:s16], [sflag:s7] =	dma.local [hbm:s1], $0x2780  }
0x18: {  	s1 =	rddreg [dreg:$0x5]  }
0x19: {  	[tilespmem:s17], [sflag:$0x8] =	stream.linear.gather [hbm4b:s1+s3], $0x3E80, $0x38;
	[tilespmem:$0x1CD00] =	vst v63  }
0x1a: {  	_ =	swait.ge [sflag:s18], $0x3E80  }
0x1b: {  	[sflag:s18] =	ssyncset.done $0x0  }
0x1c: {  	[sflag:s18] =	ssyncadd.s32 $0xFFFFC180  }
0x1d: {  	[tilespmem:s19], [sflag:$0x5] =	stream.linear.gather [hbm4b:s9+s3], $0x80, $0x38;
	[tilespmem:$0x1CD00] =	vst v63  }
0x1e: {  	_ = 	snop  }
0x1f: {  	[tilespmem:s21], [sflag:$0x1] =	stream.indirect.gather [hbm4b:s5+s20], $0x80, s17, s20, $0xb8;
	[tilespmem:$0x1CD00] =	vst v63  }
0x20: {  	s12 =	rddreg [dreg:$0x6]  }
0x21: {  	[tilespmem:s22], [sflag:$0x6] =	stream.linear.gather [hbm4b:s12+s3], $0x80, $0x38;
	[tilespmem:$0x1CD00] =	vst v63  }
0x22: {  	s13 =	simm.s32 $0x13C80  }
0x23: {  	[tilespmem:s24], [sflag:$0x2] =	stream.indirect.gather [hbm4b:s5+s20], $0x80, s13, s20, $0xb8;
	[tilespmem:$0x1CD00] =	vst v63  }
0x24: {  	_ =	swait.ge [sflag:s25], $0x2780  }
0x25: {  	[sflag:s25] =	ssyncset.done $0x0  }
0x26: {  	[sflag:s25] =	ssyncadd.s32 $0xFFFFD880  }
0x27: {  	[bflag:$0x0] =	sbarrier.arrive $0xFFFF  }
0x28: {  	_ =	swait.ge [sflag:s26], $0x80  }
0x29: {  	[sflag:s26] =	ssyncset.done $0x0  }
0x2a: {  	[sflag:s26] =	ssyncadd.s32 $0xFFFFFF80  }
0x2b: {  	_ =	swait.ge [sflag:s28], $0x2800  }
0x2c: {  	[sflag:s28] =	ssyncset.done $0x0  }
0x2d: {  	[sflag:s28] =	ssyncadd.s32 $0xFFFFD800  }
0x2e: {  	[spmem:s2] =	stream.indirect.scatter.add.f32 [tilespmem:s21], [sflag:$0x3], $0x80, s19, s20, $0xb8;
	[tilespmem:$0x1CD00] =	vst v63  }
0x2f: {  	_ =	swait.ge [sflag:s29], $0x2800  }
0x30: {  	[sflag:s29] =	ssyncset.done $0x0  }
0x31: {  	[sflag:s29] =	ssyncadd.s32 $0xFFFFD800  }
0x32: {  	s7 =	simm.s32 $0x100;
	_ =	swait.ge [sflag:s30], $0x80  }
0x33: {  	s10 =	sand.u32 $0x7C00, s7;
	[sflag:s30] =	ssyncset.done $0x0  }
0x34: {  	s1 =	sand.u32 $0x300, s7;
	s7 =	sadd.s32 s4, s10;
	[sflag:s30] =	ssyncadd.s32 $0xFFFFFF80  }
0x35: {  	[spmem:s2] =	stream.indirect.scatter.add.f32 [tilespmem:s24], [sflag:$0x4], $0x80, s22, s20, $0xb8;
	[tilespmem:$0x1CD00] =	vst v63  }
0x36: {  	s1 =	sor.u32 s1, s7;
	_ =	swait.ge [sflag:s31], $0x2800  }
0x37: {  	s1 =	sshrl.u32 s1, $0x3;
	[sflag:s31] =	ssyncset.done $0x0  }
0x38: {  	s1 =	sadd.s32 s6, s1;
	[sflag:s31] =	ssyncadd.s32 $0xFFFFD800  }
0x39: {  	[tilespmem:s19], [sflag:$0x5] =	stream.linear.gather [hbm4b:s1+s3], $0x80, $0x38;
	[tilespmem:$0x1CD00] =	vst v63  }
0x3a: {  	s11 =	simm.s32 $0x13D00  }
0x3b: {  	[tilespmem:s21], [sflag:$0x1] =	stream.indirect.gather [hbm4b:s5+s20], $0x80, s11, s20, $0xb8;
	[tilespmem:$0x1CD00] =	vst v63  }
0x3c: {  	_ =	swait.ge [sflag:s28], $0x2800  }
0x3d: {  	[sflag:s28] =	ssyncset.done $0x0  }
0x3e: {  	[sflag:s28] =	ssyncadd.s32 $0xFFFFD800  }
0x3f: {  	s12 =	simm.s32 $0x180;
	_ =	swait.ge [sflag:s26], $0x80  }
0x40: {  	s13 =	sand.u32 $0x7C00, s12;
	[sflag:s26] =	ssyncset.done $0x0  }
0x41: {  	s7 =	sadd.s32 s4, s13;
	s1 =	sand.u32 $0x380, s12;
	[sflag:s26] =	ssyncadd.s32 $0xFFFFFF80  }
0x42: {  	[spmem:s2] =	stream.indirect.scatter.add.f32 [tilespmem:s21], [sflag:$0x3], $0x80, s19, s20, $0xb8;
	[tilespmem:$0x1CD00] =	vst v63  }
0x43: {  	s1 =	sor.u32 s1, s7;
	_ =	swait.ge [sflag:s0], $0x2800  }
0x44: {  	s1 =	sshrl.u32 s1, $0x3;
	[sflag:s0] =	ssyncset.done $0x0  }
0x45: {  	s1 =	sadd.s32 s6, s1;
	[sflag:s0] =	ssyncadd.s32 $0xFFFFD800  }
0x46: {  	[tilespmem:s22], [sflag:$0x6] =	stream.linear.gather [hbm4b:s1+s3], $0x80, $0x38;
	[tilespmem:$0x1CD00] =	vst v63  }
0x47: {  	s10 =	simm.s32 $0x13E00;
	s7 =	simm.s32 $0x13D80;
	s1 =	simm.s32 $0x280  }
.LBB2_2:
0x48: {  	s11 =	sadd.s32 $0x80, s10  }
0x49: {  	p0 =	sne.s32 s1, $0x3D80;
	s12 =	smov.u32 s1;
	s1 =	sadd.s32 $0x100, s1  }
0x4a: {  	[tilespmem:s24], [sflag:$0x2] =	stream.indirect.gather [hbm4b:s5+s20], $0x80, s7, s20, $0xb8;
	[tilespmem:$0x1CD00] =	vst v63  }
0x4b: {  	s7 =	smov.u32 s11;
	_ =	swait.ge [sflag:s29], $0x2800  }
0x4c: {  	[sflag:s29] =	ssyncset.done $0x0  }
0x4d: {  	[sflag:s29] =	ssyncadd.s32 $0xFFFFD800  }
0x4e: {  	_ =	swait.ge [sflag:s30], $0x80  }
0x4f: {  	s11 =	sadd.s32 $0xFFFFFF80, s12;
	[sflag:s30] =	ssyncset.done $0x0  }
0x50: {  	s13 =	sand.u32 $0x7C00, s11;
	s11 =	sand.u32 $0x300, s11;
	[sflag:s30] =	ssyncadd.s32 $0xFFFFFF80  }
0x51: {  	[spmem:s2] =	stream.indirect.scatter.add.f32 [tilespmem:s24], [sflag:$0x4], $0x80, s22, s20, $0xb8;
	[tilespmem:$0x1CD00] =	vst v63  }
0x52: {  	s13 =	sadd.s32 s4, s13;
	_ =	swait.ge [sflag:s31], $0x2800  }
0x53: {  	s11 =	sor.u32 s11, s13;
	[sflag:s31] =	ssyncset.done $0x0  }
0x54: {  	s11 =	sshrl.u32 s11, $0x3;
	[sflag:s31] =	ssyncadd.s32 $0xFFFFD800  }
0x55: {  	s11 =	sadd.s32 s6, s11  }
0x56: {  	[tilespmem:s19], [sflag:$0x5] =	stream.linear.gather [hbm4b:s11+s3], $0x80, $0x38;
	[tilespmem:$0x1CD00] =	vst v63  }
0x57: {  	_ = 	snop  }
0x58: {  	[tilespmem:s21], [sflag:$0x1] =	stream.indirect.gather [hbm4b:s5+s20], $0x80, s10, s20, $0xb8;
	[tilespmem:$0x1CD00] =	vst v63  }
0x59: {  	_ =	swait.ge [sflag:s28], $0x2800  }
0x5a: {  	[sflag:s28] =	ssyncset.done $0x0  }
0x5b: {  	[sflag:s28] =	ssyncadd.s32 $0xFFFFD800  }
0x5c: {  	_ =	swait.ge [sflag:s26], $0x80  }
0x5d: {  	s11 =	sand.u32 $0x7C00, s12;
	[sflag:s26] =	ssyncset.done $0x0  }
0x5e: {  	s12 =	sand.u32 $0x380, s12;
	s11 =	sadd.s32 s4, s11;
	[sflag:s26] =	ssyncadd.s32 $0xFFFFFF80  }
0x5f: {  	[spmem:s2] =	stream.indirect.scatter.add.f32 [tilespmem:s21], [sflag:$0x3], $0x80, s19, s20, $0xb8;
	[tilespmem:$0x1CD00] =	vst v63  }
.Ltmp0:
0x60: {  	_ = 	snop;
	(pc) =	sbr.rel @p0 .LBB2_2-.Ltmp0, $4  }
0x61: {  	s11 =	sor.u32 s12, s11;
	_ =	swait.ge [sflag:s0], $0x2800  }
0x62: {  	s11 =	sshrl.u32 s11, $0x3;
	[sflag:s0] =	ssyncset.done $0x0  }
0x63: {  	s10 =	sadd.s32 $0x100, s10;
	s11 =	sadd.s32 s6, s11;
	[sflag:s0] =	ssyncadd.s32 $0xFFFFD800  }
0x64: {  	[tilespmem:s22], [sflag:$0x6] =	stream.linear.gather [hbm4b:s11+s3], $0x80, $0x38;
	[tilespmem:$0x1CD00] =	vst v63  }
0x65: {  	[tilespmem:s24], [sflag:$0x2] =	stream.indirect.gather [hbm4b:s5+s20], $0x80, s7, s20, $0xb8;
	[tilespmem:$0x1CD00] =	vst v63  }
0x66: {  	_ =	swait.ge [sflag:s29], $0x2800  }
0x67: {  	[sflag:s29] =	ssyncset.done $0x0  }
0x68: {  	[sflag:s29] =	ssyncadd.s32 $0xFFFFD800  }
0x69: {  	_ =	swait.ge [sflag:s30], $0x80  }
0x6a: {  	[sflag:s30] =	ssyncset.done $0x0  }
0x6b: {  	[sflag:s30] =	ssyncadd.s32 $0xFFFFFF80  }
0x6c: {  	[spmem:s2] =	stream.indirect.scatter.add.f32 [tilespmem:s24], [sflag:$0x4], $0x80, s22, s20, $0xb8;
	[tilespmem:$0x1CD00] =	vst v63  }
0x6d: {  	_ =	swait.ge [sflag:s31], $0x2800  }
0x6e: {  	[sflag:s31] =	ssyncset.done $0x0  }
0x6f: {  	[sflag:s31] =	ssyncadd.s32 $0xFFFFD800  }
0x70: {  	[tilespmem:s19], [sflag:$0x5] =	stream.linear.gather [hbm4b:s15+s3], $0x80, $0x38;
	[tilespmem:$0x1CD00] =	vst v63  }
0x71: {  	s1 =	simm.s32 $0x17A00  }
0x72: {  	[tilespmem:s21], [sflag:$0x1] =	stream.indirect.gather [hbm4b:s5+s20], $0x80, s1, s20, $0xb8;
	[tilespmem:$0x1CD00] =	vst v63  }
0x73: {  	_ =	swait.ge [sflag:s28], $0x2800  }
0x74: {  	[sflag:s28] =	ssyncset.done $0x0  }
0x75: {  	[sflag:s28] =	ssyncadd.s32 $0xFFFFD800  }
0x76: {  	_ =	swait.ge [sflag:s26], $0x80  }
0x77: {  	[sflag:s26] =	ssyncset.done $0x0  }
0x78: {  	[sflag:s26] =	ssyncadd.s32 $0xFFFFFF80  }
0x79: {  	[spmem:s2] =	stream.indirect.scatter.add.f32 [tilespmem:s21], [sflag:$0x3], $0x80, s19, s20, $0xb8;
	[tilespmem:$0x1CD00] =	vst v63  }
0x7a: {  	_ =	swait.ge [sflag:s0], $0x2800  }
0x7b: {  	[sflag:s0] =	ssyncset.done $0x0  }
0x7c: {  	[sflag:s0] =	ssyncadd.s32 $0xFFFFD800  }
0x7d: {  	_ =	swait.ge [sflag:s31], $0x2800  }
0x7e: {  	[sflag:s31] =	ssyncset.done $0x0  }
0x7f: {  	s23 =	sadd.s32 $0x1, s23;
	[sflag:s31] =	ssyncadd.s32 $0xFFFFD800  }
0x80: {  	p0 =	sne.s32 s23, s14;
	[bflag:$0x0] =	sbarrier.arrive $0xFFFF  }
.Ltmp1:
0x81: {  	s12 =	sor.u32 $0x1C08, s8;
	s13 =	rddreg [dreg:$0x7];
	(pc) =	sbr.rel @p0 .LBB2_1-.Ltmp1, $4  }
0x82: {  	[hbm:s13], [sflag:s12] =	dma.local [spmem:s16], $0x2780  }
0x83: {  	_ =	swait.ge [sflag:s18], $0x2780  }
0x84: {  	[sflag:s18] =	ssyncset.done $0x0  }
0x85: {  	[sflag:s18] =	ssyncadd.s32 $0xFFFFD880  }
0x86: {  	_ =	sfence.sel $0x180000  }
0x87: {  	[bflag:$0x0] =	sbarrier.arrive $0xFFFF  }
0x88: {  	_ =	strace $0x9000004A  }
0x89: {  	s0 =	stileid.u32;
	[bflag:$0x2] =	sbarrier.arrive $0xFFFF  }
0x8a: {  	p0 =	sne.s32 s0, $0x0;
	s0 =	rddreg [dreg:$0x2]  }
0x8b: {  	s0 =	sadd.s32 @!p0 $0x100000, s0  }
0x8c: {  	[sflag:s0] =	ssyncadd.tile.s32 @!p0 $0x1;
	_ =	shalt  }
.Lfunc_end2:
_tile_overlayer_lowered:
.L_overlay_start_2:
0x8d: {  	(tag) =	ssettag $0x2  }
0x8e: {  	s0 =	rddreg [dreg:$0x0];
	s2 =	stileid.u32  }
0x8f: {  	s1 =	rddreg [dreg:$0x1];
	p0 =	sne.s32 s2, $0x0  }
0x90: {  	s3 =	rddreg [dreg:$0x2];
	[bflag:$0x3] =	sbarrier.arrive $0xFFFF;
	s2 =	simm.s32 @!p0 $0x1C08  }
0x91: {  	[timem:s3], [sflag:s2] =	dma.local @!p0 [hbm:s0], s1  }
0x92: {  	s0 =	simm.s32 @!p0 $0x8  }
0x93: {  	_ =	swait.ge @!p0 [sflag:s0], s1  }
0x94: {  	s1 =	ssub.s32 @!p0 $0x0, s1;
	[sflag:s0] =	ssyncset.done @!p0 $0x0  }
0x95: {  	[sflag:s0] =	ssyncadd.s32 @!p0 s1  }
0x96: {  	[bflag:$0x3] =	sbarrier.arrive $0xFFFF  }
0x97: {  	_ =	shalt  }

// kernel: kernel.14.cloned.1.call-start
scs
__scs_entry_jumppad:
0x0: {  	(pc) =	sbr.rel $0x88, $3  }
0x1: {  	(tag) =	ssettag $0x0;
	lr =	simm.s32 $0x1  }
0x2: {  	[smem:$0x3F84] =	sst lr;
	_ =	strace $0xD0000000  }
0x3: {  	_ = 	snop  }
0x4: {  	_ = 	snop  }
0x5: {  	_ = 	snop  }
0x6: {  	_ = 	snop  }
0x7: {  	_ = 	snop  }
__scs_overlays_trampoline_lowered:
0x8: {  	[smem:$0x3F93] =	sst s0  }
0x9: {  	[smem:$0x3F94] =	sst s1  }
0xa: {  	[smem:$0x3F95] =	sst s2  }
0xb: {  	[smem:$0x3F96] =	sst s3  }
0xc: {  	[smem:$0x3F97] =	sst s4  }
0xd: {  	[smem:$0x3F98] =	sst s5  }
0xe: {  	[smem:$0x3F99] =	sst s6  }
0xf: {  	[smem:$0x3F9A] =	sst s7  }
0x10: {  	[smem:$0x3F9B] =	sst s8  }
0x11: {  	[smem:$0x3F9C] =	sst s9;
	s0 =	simm.s32 @!p0 $0x0  }
0x12: {  	s1 =	sld [smem:$0x3F82];
	s0 =	simm.s32 @p0 $0x1  }
0x13: {  	[smem:$0x3F9D] =	sst s0;
	s0 =	simm.s32 @!p1 $0x0  }
0x14: {  	s2 =	sld [smem:$0x3F81];
	s0 =	simm.s32 @p1 $0x1  }
0x15: {  	[smem:$0x3F9E] =	sst s0;
	s0 =	simm.s32 @!p2 $0x0  }
0x16: {  	s3 =	sld [smem:$0x3FDB];
	s0 =	simm.s32 @p2 $0x1  }
0x17: {  	s4 =	simm.s32 $0x1BF5;
	[smem:$0x3FA0] =	sst s0  }
0x18: {  	s0 =	sld [smem:$0x3F83];
	_ =	swait.ge [sflag:s4], $0x0  }
0x19: {  	s7 =	sld [smem:$0x3F84]  }
0x1a: {  	s8 =	sadd.s32 $0xFFFFE003, lr  }
0x1b: {  	s9 =	sadd.s32 $0xFFFFFEF7, lr;
	s5 =	simm.s32 $0xFFFFFFFF;
	p2 =	slt.u32 s8, $0xFFFFF086  }
0x1c: {  	p1 =	slt.u32 s9, $0xF7A;
	s5 =	simm.s32 @!p2 $0x0  }
0x1d: {  	s5 =	simm.s32 @p1 $0x1;
	p0 =	seq.s32 s7, s2  }
0x1e: {  	s7 =	smul.u32 @!p0 $0xF7A, s2;
	p2 =	seq.s32 @!p0 s5, $0x0  }
0x1f: {  	s9 =	smul.u32 $0xF7A, s1;
	s8 =	simm.s32 @!p0 $0x1BF5;
	p2 =	por !p2, p0  }
0x20: {  	[sflag:s8] =	ssyncset.s32 @!p0 $0xFFFFF086;
	s6 =	sadd.s32 @!p0 s3, s7;
	s7 =	simm.s32 @!p0 $0x108  }
0x21: {  	s3 =	sadd.s32 s3, s9;
	s6 =	sadd.s32 @!p0 $0x88, s6;
	s7 =	simm.s32 @p2 $0x1082  }
0x22: {  	[simem:s7], [sflag:s8] =	dma.local @!p0 [hbm:s6], $0xF7A  }
0x23: {  	s9 =	sor.u32 $0xD0000000, s2;
	s6 =	simm.s32 $0x108;
	_ =	swait.ge @!p0 [sflag:s8], $0x0  }
0x24: {  	s3 =	sadd.s32 $0x88, s3;
	s6 =	simm.s32 @!p1 $0x1082;
	[sflag:s4] =	ssyncset.s32 $0xFFFFF086  }
0x25: {  	[simem:s6], [sflag:s4] =	dma.local [hbm:s3], $0xF7A  }
0x26: {  	[smem:$0x3F84] =	sst s1;
	(tag) =	ssettag s2;
	_ =	strace s9  }
0x27: {  	s1 =	sld [smem:$0x3F94]  }
0x28: {  	s2 =	sld [smem:$0x3F95]  }
0x29: {  	s4 =	sld [smem:$0x3F97]  }
0x2a: {  	p0 =	seq.s32 s5, $0x0;
	s5 =	sld [smem:$0x3F98]  }
0x2b: {  	s6 =	sld [smem:$0x3F99]  }
0x2c: {  	s7 =	sld [smem:$0x3F9A]  }
0x2d: {  	s3 =	simm.s32 $0x108;
	s8 =	sld [smem:$0x3F9B]  }
0x2e: {  	s3 =	simm.s32 @!p0 $0x1082;
	s9 =	sld [smem:$0x3F9C]  }
0x2f: {  	lr =	sadd.s32 s0, s3;
	s0 =	sld [smem:$0x3F93]  }
0x30: {  	s3 =	sld [smem:$0x3F96]  }
0x31: {  	[smem:$0x3F9F] =	sst s10  }
0x32: {  	s10 =	sld [smem:$0x3F9D];
	_ =	sdelay $0x3  }
0x33: {  	p0 =	seq.s32 s10, $0x1;
	s10 =	sld [smem:$0x3F9F];
	_ =	sdelay $0x3  }
0x34: {  	[smem:$0x3F9F] =	sst s10  }
0x35: {  	s10 =	sld [smem:$0x3F9E];
	_ =	sdelay $0x3  }
0x36: {  	p1 =	seq.s32 s10, $0x1;
	s10 =	sld [smem:$0x3F9F];
	_ =	sdelay $0x3  }
0x37: {  	[smem:$0x3F9F] =	sst s10  }
0x38: {  	s10 =	sld [smem:$0x3FA0]  }
0x39: {  	_ = 	snop;
	(pc) =	sbr.ind lr, $3  }
0x3a: {  	_ = 	snop  }
0x3b: {  	_ = 	snop  }
0x3c: {  	p2 =	seq.s32 s10, $0x1;
	s10 =	sld [smem:$0x3F9F]  }
0x3d: {  	_ =	shalt  }
0x3e: {  	_ =	shalt  }
0x3f: {  	_ =	shalt  }
0x40: {  	_ =	shalt  }
0x41: {  	_ =	shalt  }
0x42: {  	_ =	shalt  }
0x43: {  	_ =	shalt  }
0x44: {  	_ =	shalt  }
0x45: {  	_ =	shalt  }
0x46: {  	_ =	shalt  }
0x47: {  	_ =	shalt  }
0x48: {  	_ =	shalt  }
0x49: {  	_ =	shalt  }
0x4a: {  	_ =	shalt  }
0x4b: {  	_ =	shalt  }
0x4c: {  	_ =	shalt  }
0x4d: {  	_ =	shalt  }
0x4e: {  	_ =	shalt  }
0x4f: {  	_ =	shalt  }
0x50: {  	_ =	shalt  }
0x51: {  	_ =	shalt  }
0x52: {  	_ =	shalt  }
0x53: {  	_ =	shalt  }
0x54: {  	_ =	shalt  }
0x55: {  	_ =	shalt  }
0x56: {  	_ =	shalt  }
0x57: {  	_ =	shalt  }
0x58: {  	_ =	shalt  }
0x59: {  	_ =	shalt  }
0x5a: {  	_ =	shalt  }
0x5b: {  	_ =	shalt  }
0x5c: {  	_ =	shalt  }
0x5d: {  	_ =	shalt  }
0x5e: {  	_ =	shalt  }
0x5f: {  	_ =	shalt  }
0x60: {  	_ =	shalt  }
0x61: {  	_ =	shalt  }
0x62: {  	_ =	shalt  }
0x63: {  	_ =	shalt  }
0x64: {  	_ =	shalt  }
0x65: {  	_ =	shalt  }
0x66: {  	_ =	shalt  }
0x67: {  	_ =	shalt  }
0x68: {  	_ =	shalt  }
0x69: {  	_ =	shalt  }
0x6a: {  	_ =	shalt  }
0x6b: {  	_ =	shalt  }
0x6c: {  	_ =	shalt  }
0x6d: {  	_ =	shalt  }
0x6e: {  	_ =	shalt  }
0x6f: {  	_ =	shalt  }
0x70: {  	_ =	shalt  }
0x71: {  	_ =	shalt  }
0x72: {  	_ =	shalt  }
0x73: {  	_ =	shalt  }
0x74: {  	_ =	shalt  }
0x75: {  	_ =	shalt  }
0x76: {  	_ =	shalt  }
0x77: {  	_ =	shalt  }
0x78: {  	_ =	shalt  }
0x79: {  	_ =	shalt  }
0x7a: {  	_ =	shalt  }
0x7b: {  	_ =	shalt  }
0x7c: {  	_ =	shalt  }
0x7d: {  	_ =	shalt  }
0x7e: {  	_ =	shalt  }
0x7f: {  	_ =	shalt  }
0x80: {  	_ =	shalt  }
0x81: {  	_ =	shalt  }
0x82: {  	_ =	shalt  }
0x83: {  	_ =	shalt  }
0x84: {  	_ =	shalt  }
0x85: {  	_ =	shalt  }
0x86: {  	_ =	shalt  }
0x87: {  	_ =	shalt  }
.Lfunc_end0:
.L_simem_size_0:
called_computation.2_lowered:
.L_overlay_start_0:
0x88: {  	s2 =	sld [smem:$0x3FD9]  }
0x89: {  	s3 =	sld [smem:$0x3FFE];
	_ =	sdelay $0x1  }
0x8a: {  	s1 =	srdreg.scid  }
0x8b: {  	s0 =	sand.u32 $0x1, s1  }
0x8c: {  	s16 =	sshll.u32 s0, $0xA;
	s2 =	sadd.s32 s3, s2  }
0x8d: {  	s2 =	sadd.s32 s2, s16  }
0x8e: {  	[smem:$0x3FAB] =	sst s2  }
0x8f: {  	_ = 	snop  }
0x90: {  	(tm) =	ssettm $0x1  }
0x91: {  	s17 =	sld [smem:$0x3FFB];
	_ =	sdelay $0x3  }
0x92: {  	_ =	strace s17  }
0x93: {  	s2 =	sld [smem:$0x3FFC];
	_ =	sdelay $0x3  }
0x94: {  	_ =	strace s2  }
0x95: {  	s2 =	sld [smem:$0x3FFD];
	_ =	sdelay $0x3  }
0x96: {  	_ =	strace s2  }
0x97: {  	_ =	strace $0x8FFFFFFF  }
0x98: {  	s18 =	sld [smem:$0x3FDB];
	_ =	sdelay $0x1  }
0x99: {  	s19 =	simm.s32 $_scs_section_size  }
0x9a: {  	s4 =	simm.s32 $_size__tile_overlayer_lowered;
	s5 =	simm.s32 $_tile_overlayer_lowered  }
0x9b: {  	s22 =	simm.s32 $0x1BFF;
	s21 =	sshll.u32 s5, $0x1;
	s2 =	sadd.s32 s19, s18  }
0x9c: {  	s6 =	simm.s32 $0x0;
	s20 =	sshll.u32 s4, $0x1;
	s4 =	sadd.s32 s21, s2  }
0x9d: {  	[timem:s6], [sflag:s22] =	dma.local [hbm:s4], s20  }
0x9e: {  	_ =	swait.ge [sflag:s22], s20  }
0x9f: {  	s3 =	ssub.s32 $0x0, s20;
	[sflag:s22] =	ssyncset.done $0x0  }
0xa0: {  	[sflag:s22] =	ssyncadd.s32 s3;
	_ =	sdelay $0x1  }
0xa1: {  	s23 =	simm.s32 $0x1B8B  }
0xa2: {  	_ =	swait.ge [sflag:s23], $0x1  }
0xa3: {  	[sflag:s23] =	ssyncset.done $0x0  }
0xa4: {  	s25 =	simm.s32 $0x1B8E;
	s24 =	sld [smem:$0x3FFE];
	[sflag:s23] =	ssyncadd.s32 $0xFFFFFFFF  }
0xa5: {  	s26 =	simm.s32 $execute0_lowered;
	[smem:$0x3FD2] =	sst s25  }
0xa6: {  	s4 =	sshll.u32 s26, $0x1;
	_ =	strace $0x8000004C;
	[dreg:$0x1] =	wrdreg $0xFFFFFFFF  }
0xa7: {  	s28 =	simm.s32 $_size_execute0_lowered;
	s2 =	sadd.s32 s2, s4;
	[dreg:$0x0] =	wrdreg $0x0  }
0xa8: {  	s4 =	sshll.u32 s28, $0x1;
	[dreg:$0x2] =	wrdreg s2  }
0xa9: {  	[dreg:$0x3] =	wrdreg s4  }
0xaa: {  	[dreg:$0x4] =	wrdreg $0xC0  }
0xab: {  	_ =	task [dreg:s6], $0x5FFFF  }
0xac: {  	[dreg:$0x1] =	wrdreg $0xFFFFFFFF  }
0xad: {  	[dreg:$0x0] =	wrdreg $0x60  }
0xae: {  	[dreg:$0x2] =	wrdreg s24  }
0xaf: {  	[dreg:$0x3] =	wrdreg $0x0  }
0xb0: {  	[dreg:$0x4] =	wrdreg $0x9  }
0xb1: {  	_ =	task.clear_ibuf [dreg:s6], $0x5FFFF;
	_ =	strace $0x9000004C  }
0xb2: {  	s29 =	simm.s32 $0x9;
	_ =	strace $0x8000004E  }
0xb3: {  	_ =	swait.ge [sflag:s29], $0x1  }
0xb4: {  	[sflag:s29] =	ssyncadd.s32 $0xFFFFFFFF  }
0xb5: {  	_ =	strace $0x9000004E  }
0xb6: {  	_ =	sfence  }
0xb7: {  	s30 =	sld [smem:$0x0];
	_ =	sdelay $0x2  }
0xb8: {  	s31 =	sshll.u32 s1, $0xD;
	s1 =	sshrl.u32 s1, $0x2  }
0xb9: {  	s3 =	sand.u32 $0x4000, s31;
	s1 =	sadd.s32 s1, s30  }
0xba: {  	s0 =	sor.u32 s3, s0;
	s1 =	sshll.u32 s1, $0x11  }
0xbb: {  	s0 =	sor.u32 s1, s0  }
0xbc: {  	s0 =	sadd.s32 $0x8F2B, s0  }
0xbd: {  	[sflag:s0] =	ssyncadd.remote.s32 $0x1  }
0xbe: {  	_ =	sfence.sel $0xFFFF  }
0xbf: {  	[dreg:$0x0] =	wrdreg $0xFFFFFFFF;
	(pc) =	sbr.abs _section_cstart, $3  }
0xc0: {  	[dreg:$0x1] =	wrdreg $0xFFFFFFFF  }
0xc1: {  	_ =	task.clear_ibuf [dreg:s6], $0x2FFFF;
	_ =	strace $0x9FFFFFFF  }
0xc2: {  	(tm) =	ssettm $0x7FFFFFFF  }
0xc3: {  	_ =	shalt  }
tec
execute0_lowered:
.L_overlay_start_1:
0x0: {  	(tag) =	ssettag $0x1  }
0x1: {  	s0 =	rddreg [dreg:$0x0]  }
0x2: {  	s2 =	rddreg [dreg:$0x1]  }
0x3: {  	s1 =	srdreg.scid;
	s12 =	stileid.u32;
	s3 =	simm.s32 $0x0  }
0x4: {  	s17 =	simm.s32 $0x13C00;
	s18 =	simm.s32 $0x8;
	s19 =	simm.s32 $0x17C00  }
0x5: {  	s20 =	simm.s32 $0x50;
	s21 =	simm.s32 $0x17D00;
	s28 =	simm.s32 $0x1  }
0x6: {  	s29 =	simm.s32 $0x2;
	s30 =	simm.s32 $0x6;
	s31 =	simm.s32 $0x3  }
0x7: {  	s1 =	sand.u32 $0x1, s1;
	s4 =	sshll.u32 s12, $0xF;
	s8 =	smul.u32 $0x13C00, s12  }
0x8: {  	[smem:$0x7FF] =	sst s3;
	s6 =	sadd.s32 $0x15000, s0;
	s22 =	smul.u32 $0x4F000, s12  }
0x9: {  	s11 =	sadd.s32 $0x25000, s0;
	s5 =	sshll.u32 s1, $0xE;
	s7 =	smul.u32 $0x13C000, s1  }
0xa: {  	_ =	strace $0x8000004D;
	s1 =	ssub.s32 $0x2, s1;
	[dreg:$0x3] =	wrdreg s11  }
0xb: {  	s4 =	sor.u32 s5, s4;
	s5 =	sadd.s32 $0x27800, s0;
	s23 =	sshrl.u32 s1, $0x1  }
0xc: {  	s24 =	sshrl.u32 s22, $0x2;
	s22 =	simm.s32 $0x17C80;
	s9 =	sshrl.u32 s4, $0x3  }
0xd: {  	s7 =	sadd.s32 s8, s7;
	s1 =	ssub.s32 s1, s23;
	s8 =	sshll.u32 s12, $0x6  }
0xe: {  	s23 =	simm.s32 $0x0;
	s10 =	sadd.s32 s9, s0;
	s7 =	sshrl.u32 s7, $0x3  }
0xf: {  	s9 =	sadd.s32 s6, s9;
	s25 =	sor.u32 $0x1C07, s8;
	s14 =	smax.u32 s1, $0x1  }
0x10: {  	s0 =	sadd.s32 s7, s0;
	s7 =	sadd.s32 s24, s2;
	[dreg:$0x4] =	wrdreg s25  }
0x11: {  	s10 =	sadd.s32 $0x5000, s10;
	s26 =	sadd.s32 $0x10, s9;
	s15 =	sadd.s32 $0x7C0, s9  }
0x12: {  	s24 =	simm.s32 $0x1A500;
	s25 =	simm.s32 $0x7;
	[dreg:$0x5] =	wrdreg s10  }
0x13: {  	[dreg:$0x6] =	wrdreg s26;
	s0 =	sadd.s32 $0x4EA00, s0;
	s16 =	sshrl.u32 s7, $0x3  }
0x14: {  	s26 =	simm.s32 $0x5;
	[dreg:$0x7] =	wrdreg s0;
	s0 =	simm.s32 $0x4  }
.LBB2_1:
0x15: {  	s1 =	rddreg [dreg:$0x3]  }
0x16: {  	s7 =	rddreg [dreg:$0x4]  }
0x17: {  	[spmem:s16], [sflag:s7] =	dma.local [hbm:s1], $0x2780  }
0x18: {  	s1 =	rddreg [dreg:$0x5]  }
0x19: {  	[tilespmem:s17], [sflag:$0x8] =	stream.linear.gather [hbm4b:s1+s3], $0x3E80, $0x38;
	[tilespmem:$0x1CD00] =	vst v63  }
0x1a: {  	_ =	swait.ge [sflag:s18], $0x3E80  }
0x1b: {  	[sflag:s18] =	ssyncset.done $0x0  }
0x1c: {  	[sflag:s18] =	ssyncadd.s32 $0xFFFFC180  }
0x1d: {  	[tilespmem:s19], [sflag:$0x5] =	stream.linear.gather [hbm4b:s9+s3], $0x80, $0x38;
	[tilespmem:$0x1CD00] =	vst v63  }
0x1e: {  	_ = 	snop  }
0x1f: {  	[tilespmem:s21], [sflag:$0x1] =	stream.indirect.gather [hbm4b:s5+s20], $0x80, s17, s20, $0xb8;
	[tilespmem:$0x1CD00] =	vst v63  }
0x20: {  	s12 =	rddreg [dreg:$0x6]  }
0x21: {  	[tilespmem:s22], [sflag:$0x6] =	stream.linear.gather [hbm4b:s12+s3], $0x80, $0x38;
	[tilespmem:$0x1CD00] =	vst v63  }
0x22: {  	s13 =	simm.s32 $0x13C80  }
0x23: {  	[tilespmem:s24], [sflag:$0x2] =	stream.indirect.gather [hbm4b:s5+s20], $0x80, s13, s20, $0xb8;
	[tilespmem:$0x1CD00] =	vst v63  }
0x24: {  	_ =	swait.ge [sflag:s25], $0x2780  }
0x25: {  	[sflag:s25] =	ssyncset.done $0x0  }
0x26: {  	[sflag:s25] =	ssyncadd.s32 $0xFFFFD880  }
0x27: {  	[bflag:$0x0] =	sbarrier.arrive $0xFFFF  }
0x28: {  	_ =	swait.ge [sflag:s26], $0x80  }
0x29: {  	[sflag:s26] =	ssyncset.done $0x0  }
0x2a: {  	[sflag:s26] =	ssyncadd.s32 $0xFFFFFF80  }
0x2b: {  	_ =	swait.ge [sflag:s28], $0x2800  }
0x2c: {  	[sflag:s28] =	ssyncset.done $0x0  }
0x2d: {  	[sflag:s28] =	ssyncadd.s32 $0xFFFFD800  }
0x2e: {  	[spmem:s2] =	stream.indirect.scatter.add.f32 [tilespmem:s21], [sflag:$0x3], $0x80, s19, s20, $0xb8;
	[tilespmem:$0x1CD00] =	vst v63  }
0x2f: {  	_ =	swait.ge [sflag:s29], $0x2800  }
0x30: {  	[sflag:s29] =	ssyncset.done $0x0  }
0x31: {  	[sflag:s29] =	ssyncadd.s32 $0xFFFFD800  }
0x32: {  	s7 =	simm.s32 $0x100;
	_ =	swait.ge [sflag:s30], $0x80  }
0x33: {  	s10 =	sand.u32 $0x7C00, s7;
	[sflag:s30] =	ssyncset.done $0x0  }
0x34: {  	s1 =	sand.u32 $0x300, s7;
	s7 =	sadd.s32 s4, s10;
	[sflag:s30] =	ssyncadd.s32 $0xFFFFFF80  }
0x35: {  	[spmem:s2] =	stream.indirect.scatter.add.f32 [tilespmem:s24], [sflag:$0x4], $0x80, s22, s20, $0xb8;
	[tilespmem:$0x1CD00] =	vst v63  }
0x36: {  	s1 =	sor.u32 s1, s7;
	_ =	swait.ge [sflag:s31], $0x2800  }
0x37: {  	s1 =	sshrl.u32 s1, $0x3;
	[sflag:s31] =	ssyncset.done $0x0  }
0x38: {  	s1 =	sadd.s32 s6, s1;
	[sflag:s31] =	ssyncadd.s32 $0xFFFFD800  }
0x39: {  	[tilespmem:s19], [sflag:$0x5] =	stream.linear.gather [hbm4b:s1+s3], $0x80, $0x38;
	[tilespmem:$0x1CD00] =	vst v63  }
0x3a: {  	s11 =	simm.s32 $0x13D00  }
0x3b: {  	[tilespmem:s21], [sflag:$0x1] =	stream.indirect.gather [hbm4b:s5+s20], $0x80, s11, s20, $0xb8;
	[tilespmem:$0x1CD00] =	vst v63  }
0x3c: {  	_ =	swait.ge [sflag:s28], $0x2800  }
0x3d: {  	[sflag:s28] =	ssyncset.done $0x0  }
0x3e: {  	[sflag:s28] =	ssyncadd.s32 $0xFFFFD800  }
0x3f: {  	s12 =	simm.s32 $0x180;
	_ =	swait.ge [sflag:s26], $0x80  }
0x40: {  	s13 =	sand.u32 $0x7C00, s12;
	[sflag:s26] =	ssyncset.done $0x0  }
0x41: {  	s7 =	sadd.s32 s4, s13;
	s1 =	sand.u32 $0x380, s12;
	[sflag:s26] =	ssyncadd.s32 $0xFFFFFF80  }
0x42: {  	[spmem:s2] =	stream.indirect.scatter.add.f32 [tilespmem:s21], [sflag:$0x3], $0x80, s19, s20, $0xb8;
	[tilespmem:$0x1CD00] =	vst v63  }
0x43: {  	s1 =	sor.u32 s1, s7;
	_ =	swait.ge [sflag:s0], $0x2800  }
0x44: {  	s1 =	sshrl.u32 s1, $0x3;
	[sflag:s0] =	ssyncset.done $0x0  }
0x45: {  	s1 =	sadd.s32 s6, s1;
	[sflag:s0] =	ssyncadd.s32 $0xFFFFD800  }
0x46: {  	[tilespmem:s22], [sflag:$0x6] =	stream.linear.gather [hbm4b:s1+s3], $0x80, $0x38;
	[tilespmem:$0x1CD00] =	vst v63  }
0x47: {  	s10 =	simm.s32 $0x13E00;
	s7 =	simm.s32 $0x13D80;
	s1 =	simm.s32 $0x280  }
.LBB2_2:
0x48: {  	s11 =	sadd.s32 $0x80, s10  }
0x49: {  	p0 =	sne.s32 s1, $0x3D80;
	s12 =	smov.u32 s1;
	s1 =	sadd.s32 $0x100, s1  }
0x4a: {  	[tilespmem:s24], [sflag:$0x2] =	stream.indirect.gather [hbm4b:s5+s20], $0x80, s7, s20, $0xb8;
	[tilespmem:$0x1CD00] =	vst v63  }
0x4b: {  	s7 =	smov.u32 s11;
	_ =	swait.ge [sflag:s29], $0x2800  }
0x4c: {  	[sflag:s29] =	ssyncset.done $0x0  }
0x4d: {  	[sflag:s29] =	ssyncadd.s32 $0xFFFFD800  }
0x4e: {  	_ =	swait.ge [sflag:s30], $0x80  }
0x4f: {  	s11 =	sadd.s32 $0xFFFFFF80, s12;
	[sflag:s30] =	ssyncset.done $0x0  }
0x50: {  	s13 =	sand.u32 $0x7C00, s11;
	s11 =	sand.u32 $0x300, s11;
	[sflag:s30] =	ssyncadd.s32 $0xFFFFFF80  }
0x51: {  	[spmem:s2] =	stream.indirect.scatter.add.f32 [tilespmem:s24], [sflag:$0x4], $0x80, s22, s20, $0xb8;
	[tilespmem:$0x1CD00] =	vst v63  }
0x52: {  	s13 =	sadd.s32 s4, s13;
	_ =	swait.ge [sflag:s31], $0x2800  }
0x53: {  	s11 =	sor.u32 s11, s13;
	[sflag:s31] =	ssyncset.done $0x0  }
0x54: {  	s11 =	sshrl.u32 s11, $0x3;
	[sflag:s31] =	ssyncadd.s32 $0xFFFFD800  }
0x55: {  	s11 =	sadd.s32 s6, s11  }
0x56: {  	[tilespmem:s19], [sflag:$0x5] =	stream.linear.gather [hbm4b:s11+s3], $0x80, $0x38;
	[tilespmem:$0x1CD00] =	vst v63  }
0x57: {  	_ = 	snop  }
0x58: {  	[tilespmem:s21], [sflag:$0x1] =	stream.indirect.gather [hbm4b:s5+s20], $0x80, s10, s20, $0xb8;
	[tilespmem:$0x1CD00] =	vst v63  }
0x59: {  	_ =	swait.ge [sflag:s28], $0x2800  }
0x5a: {  	[sflag:s28] =	ssyncset.done $0x0  }
0x5b: {  	[sflag:s28] =	ssyncadd.s32 $0xFFFFD800  }
0x5c: {  	_ =	swait.ge [sflag:s26], $0x80  }
0x5d: {  	s11 =	sand.u32 $0x7C00, s12;
	[sflag:s26] =	ssyncset.done $0x0  }
0x5e: {  	s12 =	sand.u32 $0x380, s12;
	s11 =	sadd.s32 s4, s11;
	[sflag:s26] =	ssyncadd.s32 $0xFFFFFF80  }
0x5f: {  	[spmem:s2] =	stream.indirect.scatter.add.f32 [tilespmem:s21], [sflag:$0x3], $0x80, s19, s20, $0xb8;
	[tilespmem:$0x1CD00] =	vst v63  }
.Ltmp0:
0x60: {  	_ = 	snop;
	(pc) =	sbr.rel @p0 .LBB2_2-.Ltmp0, $4  }
0x61: {  	s11 =	sor.u32 s12, s11;
	_ =	swait.ge [sflag:s0], $0x2800  }
0x62: {  	s11 =	sshrl.u32 s11, $0x3;
	[sflag:s0] =	ssyncset.done $0x0  }
0x63: {  	s10 =	sadd.s32 $0x100, s10;
	s11 =	sadd.s32 s6, s11;
	[sflag:s0] =	ssyncadd.s32 $0xFFFFD800  }
0x64: {  	[tilespmem:s22], [sflag:$0x6] =	stream.linear.gather [hbm4b:s11+s3], $0x80, $0x38;
	[tilespmem:$0x1CD00] =	vst v63  }
0x65: {  	[tilespmem:s24], [sflag:$0x2] =	stream.indirect.gather [hbm4b:s5+s20], $0x80, s7, s20, $0xb8;
	[tilespmem:$0x1CD00] =	vst v63  }
0x66: {  	_ =	swait.ge [sflag:s29], $0x2800  }
0x67: {  	[sflag:s29] =	ssyncset.done $0x0  }
0x68: {  	[sflag:s29] =	ssyncadd.s32 $0xFFFFD800  }
0x69: {  	_ =	swait.ge [sflag:s30], $0x80  }
0x6a: {  	[sflag:s30] =	ssyncset.done $0x0  }
0x6b: {  	[sflag:s30] =	ssyncadd.s32 $0xFFFFFF80  }
0x6c: {  	[spmem:s2] =	stream.indirect.scatter.add.f32 [tilespmem:s24], [sflag:$0x4], $0x80, s22, s20, $0xb8;
	[tilespmem:$0x1CD00] =	vst v63  }
0x6d: {  	_ =	swait.ge [sflag:s31], $0x2800  }
0x6e: {  	[sflag:s31] =	ssyncset.done $0x0  }
0x6f: {  	[sflag:s31] =	ssyncadd.s32 $0xFFFFD800  }
0x70: {  	[tilespmem:s19], [sflag:$0x5] =	stream.linear.gather [hbm4b:s15+s3], $0x80, $0x38;
	[tilespmem:$0x1CD00] =	vst v63  }
0x71: {  	s1 =	simm.s32 $0x17A00  }
0x72: {  	[tilespmem:s21], [sflag:$0x1] =	stream.indirect.gather [hbm4b:s5+s20], $0x80, s1, s20, $0xb8;
	[tilespmem:$0x1CD00] =	vst v63  }
0x73: {  	_ =	swait.ge [sflag:s28], $0x2800  }
0x74: {  	[sflag:s28] =	ssyncset.done $0x0  }
0x75: {  	[sflag:s28] =	ssyncadd.s32 $0xFFFFD800  }
0x76: {  	_ =	swait.ge [sflag:s26], $0x80  }
0x77: {  	[sflag:s26] =	ssyncset.done $0x0  }
0x78: {  	[sflag:s26] =	ssyncadd.s32 $0xFFFFFF80  }
0x79: {  	[spmem:s2] =	stream.indirect.scatter.add.f32 [tilespmem:s21], [sflag:$0x3], $0x80, s19, s20, $0xb8;
	[tilespmem:$0x1CD00] =	vst v63  }
0x7a: {  	_ =	swait.ge [sflag:s0], $0x2800  }
0x7b: {  	[sflag:s0] =	ssyncset.done $0x0  }
0x7c: {  	[sflag:s0] =	ssyncadd.s32 $0xFFFFD800  }
0x7d: {  	_ =	swait.ge [sflag:s31], $0x2800  }
0x7e: {  	[sflag:s31] =	ssyncset.done $0x0  }
0x7f: {  	s23 =	sadd.s32 $0x1, s23;
	[sflag:s31] =	ssyncadd.s32 $0xFFFFD800  }
0x80: {  	p0 =	sne.s32 s23, s14;
	[bflag:$0x0] =	sbarrier.arrive $0xFFFF  }
.Ltmp1:
0x81: {  	s12 =	sor.u32 $0x1C08, s8;
	s13 =	rddreg [dreg:$0x7];
	(pc) =	sbr.rel @p0 .LBB2_1-.Ltmp1, $4  }
0x82: {  	[hbm:s13], [sflag:s12] =	dma.local [spmem:s16], $0x2780  }
0x83: {  	_ =	swait.ge [sflag:s18], $0x2780  }
0x84: {  	[sflag:s18] =	ssyncset.done $0x0  }
0x85: {  	[sflag:s18] =	ssyncadd.s32 $0xFFFFD880  }
0x86: {  	_ =	sfence.sel $0x180000  }
0x87: {  	[bflag:$0x0] =	sbarrier.arrive $0xFFFF  }
0x88: {  	_ =	strace $0x9000004D  }
0x89: {  	s0 =	stileid.u32;
	[bflag:$0x2] =	sbarrier.arrive $0xFFFF  }
0x8a: {  	p0 =	sne.s32 s0, $0x0;
	s0 =	rddreg [dreg:$0x2]  }
0x8b: {  	s0 =	sadd.s32 @!p0 $0x100000, s0  }
0x8c: {  	[sflag:s0] =	ssyncadd.tile.s32 @!p0 $0x1;
	_ =	shalt  }
.Lfunc_end2:
_tile_overlayer_lowered:
.L_overlay_start_2:
0x8d: {  	(tag) =	ssettag $0x2  }
0x8e: {  	s0 =	rddreg [dreg:$0x0];
	s2 =	stileid.u32  }
0x8f: {  	s1 =	rddreg [dreg:$0x1];
	p0 =	sne.s32 s2, $0x0  }
0x90: {  	s3 =	rddreg [dreg:$0x2];
	[bflag:$0x3] =	sbarrier.arrive $0xFFFF;
	s2 =	simm.s32 @!p0 $0x1C08  }
0x91: {  	[timem:s3], [sflag:s2] =	dma.local @!p0 [hbm:s0], s1  }
0x92: {  	s0 =	simm.s32 @!p0 $0x8  }
0x93: {  	_ =	swait.ge @!p0 [sflag:s0], s1  }
0x94: {  	s1 =	ssub.s32 @!p0 $0x0, s1;
	[sflag:s0] =	ssyncset.done @!p0 $0x0  }
0x95: {  	[sflag:s0] =	ssyncadd.s32 @!p0 s1  }
0x96: {  	[bflag:$0x3] =	sbarrier.arrive $0xFFFF  }
0x97: {  	_ =	shalt  }

// kernel: kernel.8.cloned.1.call-start
scs
__scs_entry_jumppad:
0x0: {  	(pc) =	sbr.rel $0x88, $3  }
0x1: {  	(tag) =	ssettag $0x0;
	lr =	simm.s32 $0x1  }
0x2: {  	[smem:$0x3F84] =	sst lr;
	_ =	strace $0xD0000000  }
0x3: {  	_ = 	snop  }
0x4: {  	_ = 	snop  }
0x5: {  	_ = 	snop  }
0x6: {  	_ = 	snop  }
0x7: {  	_ = 	snop  }
__scs_overlays_trampoline_lowered:
0x8: {  	[smem:$0x3F93] =	sst s0  }
0x9: {  	[smem:$0x3F94] =	sst s1  }
0xa: {  	[smem:$0x3F95] =	sst s2  }
0xb: {  	[smem:$0x3F96] =	sst s3  }
0xc: {  	[smem:$0x3F97] =	sst s4  }
0xd: {  	[smem:$0x3F98] =	sst s5  }
0xe: {  	[smem:$0x3F99] =	sst s6  }
0xf: {  	[smem:$0x3F9A] =	sst s7  }
0x10: {  	[smem:$0x3F9B] =	sst s8  }
0x11: {  	[smem:$0x3F9C] =	sst s9;
	s0 =	simm.s32 @!p0 $0x0  }
0x12: {  	s1 =	sld [smem:$0x3F82];
	s0 =	simm.s32 @p0 $0x1  }
0x13: {  	[smem:$0x3F9D] =	sst s0;
	s0 =	simm.s32 @!p1 $0x0  }
0x14: {  	s2 =	sld [smem:$0x3F81];
	s0 =	simm.s32 @p1 $0x1  }
0x15: {  	[smem:$0x3F9E] =	sst s0;
	s0 =	simm.s32 @!p2 $0x0  }
0x16: {  	s3 =	sld [smem:$0x3FDB];
	s0 =	simm.s32 @p2 $0x1  }
0x17: {  	s4 =	simm.s32 $0x1BF5;
	[smem:$0x3FA0] =	sst s0  }
0x18: {  	s0 =	sld [smem:$0x3F83];
	_ =	swait.ge [sflag:s4], $0x0  }
0x19: {  	s7 =	sld [smem:$0x3F84]  }
0x1a: {  	s8 =	sadd.s32 $0xFFFFE003, lr  }
0x1b: {  	s9 =	sadd.s32 $0xFFFFFEF7, lr;
	s5 =	simm.s32 $0xFFFFFFFF;
	p2 =	slt.u32 s8, $0xFFFFF086  }
0x1c: {  	p1 =	slt.u32 s9, $0xF7A;
	s5 =	simm.s32 @!p2 $0x0  }
0x1d: {  	s5 =	simm.s32 @p1 $0x1;
	p0 =	seq.s32 s7, s2  }
0x1e: {  	s7 =	smul.u32 @!p0 $0xF7A, s2;
	p2 =	seq.s32 @!p0 s5, $0x0  }
0x1f: {  	s9 =	smul.u32 $0xF7A, s1;
	s8 =	simm.s32 @!p0 $0x1BF5;
	p2 =	por !p2, p0  }
0x20: {  	[sflag:s8] =	ssyncset.s32 @!p0 $0xFFFFF086;
	s6 =	sadd.s32 @!p0 s3, s7;
	s7 =	simm.s32 @!p0 $0x108  }
0x21: {  	s3 =	sadd.s32 s3, s9;
	s6 =	sadd.s32 @!p0 $0x88, s6;
	s7 =	simm.s32 @p2 $0x1082  }
0x22: {  	[simem:s7], [sflag:s8] =	dma.local @!p0 [hbm:s6], $0xF7A  }
0x23: {  	s9 =	sor.u32 $0xD0000000, s2;
	s6 =	simm.s32 $0x108;
	_ =	swait.ge @!p0 [sflag:s8], $0x0  }
0x24: {  	s3 =	sadd.s32 $0x88, s3;
	s6 =	simm.s32 @!p1 $0x1082;
	[sflag:s4] =	ssyncset.s32 $0xFFFFF086  }
0x25: {  	[simem:s6], [sflag:s4] =	dma.local [hbm:s3], $0xF7A  }
0x26: {  	[smem:$0x3F84] =	sst s1;
	(tag) =	ssettag s2;
	_ =	strace s9  }
0x27: {  	s1 =	sld [smem:$0x3F94]  }
0x28: {  	s2 =	sld [smem:$0x3F95]  }
0x29: {  	s4 =	sld [smem:$0x3F97]  }
0x2a: {  	p0 =	seq.s32 s5, $0x0;
	s5 =	sld [smem:$0x3F98]  }
0x2b: {  	s6 =	sld [smem:$0x3F99]  }
0x2c: {  	s7 =	sld [smem:$0x3F9A]  }
0x2d: {  	s3 =	simm.s32 $0x108;
	s8 =	sld [smem:$0x3F9B]  }
0x2e: {  	s3 =	simm.s32 @!p0 $0x1082;
	s9 =	sld [smem:$0x3F9C]  }
0x2f: {  	lr =	sadd.s32 s0, s3;
	s0 =	sld [smem:$0x3F93]  }
0x30: {  	s3 =	sld [smem:$0x3F96]  }
0x31: {  	[smem:$0x3F9F] =	sst s10  }
0x32: {  	s10 =	sld [smem:$0x3F9D];
	_ =	sdelay $0x3  }
0x33: {  	p0 =	seq.s32 s10, $0x1;
	s10 =	sld [smem:$0x3F9F];
	_ =	sdelay $0x3  }
0x34: {  	[smem:$0x3F9F] =	sst s10  }
0x35: {  	s10 =	sld [smem:$0x3F9E];
	_ =	sdelay $0x3  }
0x36: {  	p1 =	seq.s32 s10, $0x1;
	s10 =	sld [smem:$0x3F9F];
	_ =	sdelay $0x3  }
0x37: {  	[smem:$0x3F9F] =	sst s10  }
0x38: {  	s10 =	sld [smem:$0x3FA0]  }
0x39: {  	_ = 	snop;
	(pc) =	sbr.ind lr, $3  }
0x3a: {  	_ = 	snop  }
0x3b: {  	_ = 	snop  }
0x3c: {  	p2 =	seq.s32 s10, $0x1;
	s10 =	sld [smem:$0x3F9F]  }
0x3d: {  	_ =	shalt  }
0x3e: {  	_ =	shalt  }
0x3f: {  	_ =	shalt  }
0x40: {  	_ =	shalt  }
0x41: {  	_ =	shalt  }
0x42: {  	_ =	shalt  }
0x43: {  	_ =	shalt  }
0x44: {  	_ =	shalt  }
0x45: {  	_ =	shalt  }
0x46: {  	_ =	shalt  }
0x47: {  	_ =	shalt  }
0x48: {  	_ =	shalt  }
0x49: {  	_ =	shalt  }
0x4a: {  	_ =	shalt  }
0x4b: {  	_ =	shalt  }
0x4c: {  	_ =	shalt  }
0x4d: {  	_ =	shalt  }
0x4e: {  	_ =	shalt  }
0x4f: {  	_ =	shalt  }
0x50: {  	_ =	shalt  }
0x51: {  	_ =	shalt  }
0x52: {  	_ =	shalt  }
0x53: {  	_ =	shalt  }
0x54: {  	_ =	shalt  }
0x55: {  	_ =	shalt  }
0x56: {  	_ =	shalt  }
0x57: {  	_ =	shalt  }
0x58: {  	_ =	shalt  }
0x59: {  	_ =	shalt  }
0x5a: {  	_ =	shalt  }
0x5b: {  	_ =	shalt  }
0x5c: {  	_ =	shalt  }
0x5d: {  	_ =	shalt  }
0x5e: {  	_ =	shalt  }
0x5f: {  	_ =	shalt  }
0x60: {  	_ =	shalt  }
0x61: {  	_ =	shalt  }
0x62: {  	_ =	shalt  }
0x63: {  	_ =	shalt  }
0x64: {  	_ =	shalt  }
0x65: {  	_ =	shalt  }
0x66: {  	_ =	shalt  }
0x67: {  	_ =	shalt  }
0x68: {  	_ =	shalt  }
0x69: {  	_ =	shalt  }
0x6a: {  	_ =	shalt  }
0x6b: {  	_ =	shalt  }
0x6c: {  	_ =	shalt  }
0x6d: {  	_ =	shalt  }
0x6e: {  	_ =	shalt  }
0x6f: {  	_ =	shalt  }
0x70: {  	_ =	shalt  }
0x71: {  	_ =	shalt  }
0x72: {  	_ =	shalt  }
0x73: {  	_ =	shalt  }
0x74: {  	_ =	shalt  }
0x75: {  	_ =	shalt  }
0x76: {  	_ =	shalt  }
0x77: {  	_ =	shalt  }
0x78: {  	_ =	shalt  }
0x79: {  	_ =	shalt  }
0x7a: {  	_ =	shalt  }
0x7b: {  	_ =	shalt  }
0x7c: {  	_ =	shalt  }
0x7d: {  	_ =	shalt  }
0x7e: {  	_ =	shalt  }
0x7f: {  	_ =	shalt  }
0x80: {  	_ =	shalt  }
0x81: {  	_ =	shalt  }
0x82: {  	_ =	shalt  }
0x83: {  	_ =	shalt  }
0x84: {  	_ =	shalt  }
0x85: {  	_ =	shalt  }
0x86: {  	_ =	shalt  }
0x87: {  	_ =	shalt  }
.Lfunc_end0:
.L_simem_size_0:
called_computation_lowered:
.L_overlay_start_0:
0x88: {  	s2 =	sld [smem:$0x3FD9]  }
0x89: {  	s3 =	sld [smem:$0x3FFE];
	_ =	sdelay $0x1  }
0x8a: {  	s1 =	srdreg.scid  }
0x8b: {  	s0 =	sand.u32 $0x1, s1  }
0x8c: {  	s17 =	sshll.u32 s0, $0xA;
	s2 =	sadd.s32 s3, s2  }
0x8d: {  	s2 =	sadd.s32 s2, s17  }
0x8e: {  	[smem:$0x3FAB] =	sst s2  }
0x8f: {  	_ = 	snop  }
0x90: {  	s2 =	sld [smem:$0x3FC9];
	(tm) =	ssettm $0x1  }
0x91: {  	s18 =	sld [smem:$0x3FFB];
	_ =	sdelay $0x3  }
0x92: {  	_ =	strace s18  }
0x93: {  	s3 =	sld [smem:$0x3FFC];
	_ =	sdelay $0x3  }
0x94: {  	_ =	strace s3  }
0x95: {  	s3 =	sld [smem:$0x3FFD];
	_ =	sdelay $0x3  }
0x96: {  	_ =	strace s3  }
0x97: {  	_ =	strace $0x8FFFFFFF  }
0x98: {  	s19 =	sld [smem:$0x3FDB];
	_ =	sdelay $0x1  }
0x99: {  	s4 =	simm.s32 $_scs_section_size  }
0x9a: {  	s5 =	simm.s32 $_size__tile_overlayer_lowered;
	s6 =	simm.s32 $_tile_overlayer_lowered  }
0x9b: {  	s22 =	simm.s32 $0x1BFF;
	s21 =	sshll.u32 s6, $0x1;
	s3 =	sadd.s32 s4, s19  }
0x9c: {  	s7 =	simm.s32 $0x0;
	s20 =	sshll.u32 s5, $0x1;
	s5 =	sadd.s32 s21, s3  }
0x9d: {  	[timem:s7], [sflag:s22] =	dma.local [hbm:s5], s20  }
0x9e: {  	_ =	swait.ge [sflag:s22], s20  }
0x9f: {  	s4 =	ssub.s32 $0x0, s20;
	[sflag:s22] =	ssyncset.done $0x0  }
0xa0: {  	[sflag:s22] =	ssyncadd.s32 s4;
	_ =	sdelay $0x1  }
0xa1: {  	s23 =	simm.s32 $0x1B8B  }
0xa2: {  	_ =	swait.ge [sflag:s23], $0x1  }
0xa3: {  	[sflag:s23] =	ssyncset.done $0x0  }
0xa4: {  	s25 =	simm.s32 $0x1B8E;
	s24 =	sld [smem:$0x3FFE];
	[sflag:s23] =	ssyncadd.s32 $0xFFFFFFFF  }
0xa5: {  	s26 =	simm.s32 $execute0_lowered;
	[smem:$0x3FD2] =	sst s25  }
0xa6: {  	s5 =	sshll.u32 s26, $0x1;
	_ =	strace $0x80000046;
	[dreg:$0x1] =	wrdreg $0xFFFFFFFF  }
0xa7: {  	s28 =	simm.s32 $_size_execute0_lowered;
	s3 =	sadd.s32 s3, s5;
	[dreg:$0x0] =	wrdreg $0x0  }
0xa8: {  	s5 =	sshll.u32 s28, $0x1;
	[dreg:$0x2] =	wrdreg s3  }
0xa9: {  	[dreg:$0x3] =	wrdreg s5  }
0xaa: {  	[dreg:$0x4] =	wrdreg $0xC0  }
0xab: {  	_ =	task [dreg:s7], $0x5FFFF  }
0xac: {  	[dreg:$0x1] =	wrdreg $0xFFFFFFFF  }
0xad: {  	[dreg:$0x0] =	wrdreg $0x60  }
0xae: {  	[dreg:$0x2] =	wrdreg s2  }
0xaf: {  	[dreg:$0x3] =	wrdreg s24  }
0xb0: {  	[dreg:$0x4] =	wrdreg $0x0  }
0xb1: {  	[dreg:$0x5] =	wrdreg $0x9  }
0xb2: {  	_ =	task.clear_ibuf [dreg:s7], $0x6FFFF;
	_ =	strace $0x90000046  }
0xb3: {  	s29 =	simm.s32 $0x9;
	_ =	strace $0x80000048  }
0xb4: {  	_ =	swait.ge [sflag:s29], $0x1  }
0xb5: {  	[sflag:s29] =	ssyncadd.s32 $0xFFFFFFFF  }
0xb6: {  	_ =	strace $0x90000048  }
0xb7: {  	_ =	sfence  }
0xb8: {  	s30 =	sld [smem:$0x0];
	_ =	sdelay $0x2  }
0xb9: {  	s31 =	sshll.u32 s1, $0xD;
	s1 =	sshrl.u32 s1, $0x2  }
0xba: {  	s3 =	sand.u32 $0x4000, s31;
	s1 =	sadd.s32 s1, s30  }
0xbb: {  	s0 =	sor.u32 s3, s0;
	s1 =	sshll.u32 s1, $0x11  }
0xbc: {  	s0 =	sor.u32 s1, s0  }
0xbd: {  	s0 =	sadd.s32 $0x8F2B, s0  }
0xbe: {  	[sflag:s0] =	ssyncadd.remote.s32 $0x1  }
0xbf: {  	_ =	sfence.sel $0xFFFF  }
0xc0: {  	[dreg:$0x0] =	wrdreg $0xFFFFFFFF;
	(pc) =	sbr.abs _section_cstart, $3  }
0xc1: {  	[dreg:$0x1] =	wrdreg $0xFFFFFFFF  }
0xc2: {  	_ =	task.clear_ibuf [dreg:s7], $0x2FFFF;
	_ =	strace $0x9FFFFFFF  }
0xc3: {  	(tm) =	ssettm $0x7FFFFFFF  }
tec
execute0_lowered:
.L_overlay_start_1:
0x0: {  	(tag) =	ssettag $0x1  }
0x1: {  	s2 =	rddreg [dreg:$0x0]  }
0x2: {  	s0 =	rddreg [dreg:$0x1];
	s1 =	srdreg.scid  }
0x3: {  	s3 =	rddreg [dreg:$0x2];
	s12 =	stileid.u32  }
0x4: {  	s4 =	simm.s32 $0x0;
	s17 =	simm.s32 $0x13C00;
	s18 =	simm.s32 $0x8  }
0x5: {  	s19 =	simm.s32 $0x17C00;
	s20 =	simm.s32 $0x50;
	s21 =	simm.s32 $0x17D00  }
0x6: {  	s28 =	simm.s32 $0x1;
	s29 =	simm.s32 $0x2;
	s30 =	simm.s32 $0x6  }
0x7: {  	s31 =	simm.s32 $0x3;
	s1 =	sand.u32 $0x1, s1;
	s8 =	smul.u32 $0x13C00, s12  }
0x8: {  	s5 =	sshll.u32 s12, $0xF;
	[smem:$0x7FF] =	sst s4;
	s22 =	smul.u32 $0x4F000, s12  }
0x9: {  	s11 =	sadd.s32 $0x25000, s0;
	s6 =	sshll.u32 s1, $0xE;
	s7 =	smul.u32 $0x13C000, s1  }
0xa: {  	_ =	strace $0x80000047;
	s1 =	ssub.s32 $0x2, s1;
	[dreg:$0x4] =	wrdreg s11  }
0xb: {  	s5 =	sor.u32 s6, s5;
	s6 =	sadd.s32 $0x15000, s0;
	s23 =	sshrl.u32 s1, $0x1  }
0xc: {  	s24 =	sshrl.u32 s22, $0x2;
	s22 =	simm.s32 $0x17C80;
	s9 =	sshrl.u32 s5, $0x3  }
0xd: {  	s7 =	sadd.s32 s8, s7;
	s1 =	ssub.s32 s1, s23;
	s8 =	sshll.u32 s12, $0x6  }
0xe: {  	s23 =	simm.s32 $0x0;
	s10 =	sadd.s32 s9, s0;
	s7 =	sshrl.u32 s7, $0x3  }
0xf: {  	s9 =	sadd.s32 s6, s9;
	s25 =	sor.u32 $0x1C07, s8;
	s14 =	smax.u32 s1, $0x1  }
0x10: {  	s0 =	sadd.s32 s7, s0;
	s7 =	sadd.s32 s24, s3;
	[dreg:$0x5] =	wrdreg s25  }
0x11: {  	s10 =	sadd.s32 $0x5000, s10;
	s26 =	sadd.s32 $0x10, s9;
	s15 =	sadd.s32 $0x7C0, s9  }
0x12: {  	s24 =	simm.s32 $0x1A500;
	s25 =	simm.s32 $0x7;
	[dreg:$0x6] =	wrdreg s10  }
0x13: {  	[dreg:$0x7] =	wrdreg s26;
	s0 =	sadd.s32 $0x27800, s0;
	s16 =	sshrl.u32 s7, $0x3  }
0x14: {  	s26 =	simm.s32 $0x5;
	[dreg:$0x8] =	wrdreg s0;
	s0 =	simm.s32 $0x4  }
.LBB2_1:
0x15: {  	s1 =	rddreg [dreg:$0x4]  }
0x16: {  	s7 =	rddreg [dreg:$0x5]  }
0x17: {  	[spmem:s16], [sflag:s7] =	dma.local [hbm:s1], $0x2780  }
0x18: {  	s1 =	rddreg [dreg:$0x6]  }
0x19: {  	[tilespmem:s17], [sflag:$0x8] =	stream.linear.gather [hbm4b:s1+s4], $0x3E80, $0x38;
	[tilespmem:$0x1CD00] =	vst v63  }
0x1a: {  	_ =	swait.ge [sflag:s18], $0x3E80  }
0x1b: {  	[sflag:s18] =	ssyncset.done $0x0  }
0x1c: {  	[sflag:s18] =	ssyncadd.s32 $0xFFFFC180  }
0x1d: {  	[tilespmem:s19], [sflag:$0x5] =	stream.linear.gather [hbm4b:s9+s4], $0x80, $0x38;
	[tilespmem:$0x1CD00] =	vst v63  }
0x1e: {  	_ = 	snop  }
0x1f: {  	[tilespmem:s21], [sflag:$0x1] =	stream.indirect.gather [hbm4b:s2+s20], $0x80, s17, s20, $0xb8;
	[tilespmem:$0x1CD00] =	vst v63  }
0x20: {  	s12 =	rddreg [dreg:$0x7]  }
0x21: {  	[tilespmem:s22], [sflag:$0x6] =	stream.linear.gather [hbm4b:s12+s4], $0x80, $0x38;
	[tilespmem:$0x1CD00] =	vst v63  }
0x22: {  	s13 =	simm.s32 $0x13C80  }
0x23: {  	[tilespmem:s24], [sflag:$0x2] =	stream.indirect.gather [hbm4b:s2+s20], $0x80, s13, s20, $0xb8;
	[tilespmem:$0x1CD00] =	vst v63  }
0x24: {  	_ =	swait.ge [sflag:s25], $0x2780  }
0x25: {  	[sflag:s25] =	ssyncset.done $0x0  }
0x26: {  	[sflag:s25] =	ssyncadd.s32 $0xFFFFD880  }
0x27: {  	[bflag:$0x0] =	sbarrier.arrive $0xFFFF  }
0x28: {  	_ =	swait.ge [sflag:s26], $0x80  }
0x29: {  	[sflag:s26] =	ssyncset.done $0x0  }
0x2a: {  	[sflag:s26] =	ssyncadd.s32 $0xFFFFFF80  }
0x2b: {  	_ =	swait.ge [sflag:s28], $0x2800  }
0x2c: {  	[sflag:s28] =	ssyncset.done $0x0  }
0x2d: {  	[sflag:s28] =	ssyncadd.s32 $0xFFFFD800  }
0x2e: {  	[spmem:s3] =	stream.indirect.scatter.add.f32 [tilespmem:s21], [sflag:$0x3], $0x80, s19, s20, $0xb8;
	[tilespmem:$0x1CD00] =	vst v63  }
0x2f: {  	_ =	swait.ge [sflag:s29], $0x2800  }
0x30: {  	[sflag:s29] =	ssyncset.done $0x0  }
0x31: {  	[sflag:s29] =	ssyncadd.s32 $0xFFFFD800  }
0x32: {  	s7 =	simm.s32 $0x100;
	_ =	swait.ge [sflag:s30], $0x80  }
0x33: {  	s10 =	sand.u32 $0x7C00, s7;
	[sflag:s30] =	ssyncset.done $0x0  }
0x34: {  	s1 =	sand.u32 $0x300, s7;
	s7 =	sadd.s32 s5, s10;
	[sflag:s30] =	ssyncadd.s32 $0xFFFFFF80  }
0x35: {  	[spmem:s3] =	stream.indirect.scatter.add.f32 [tilespmem:s24], [sflag:$0x4], $0x80, s22, s20, $0xb8;
	[tilespmem:$0x1CD00] =	vst v63  }
0x36: {  	s1 =	sor.u32 s1, s7;
	_ =	swait.ge [sflag:s31], $0x2800  }
0x37: {  	s1 =	sshrl.u32 s1, $0x3;
	[sflag:s31] =	ssyncset.done $0x0  }
0x38: {  	s1 =	sadd.s32 s6, s1;
	[sflag:s31] =	ssyncadd.s32 $0xFFFFD800  }
0x39: {  	[tilespmem:s19], [sflag:$0x5] =	stream.linear.gather [hbm4b:s1+s4], $0x80, $0x38;
	[tilespmem:$0x1CD00] =	vst v63  }
0x3a: {  	s11 =	simm.s32 $0x13D00  }
0x3b: {  	[tilespmem:s21], [sflag:$0x1] =	stream.indirect.gather [hbm4b:s2+s20], $0x80, s11, s20, $0xb8;
	[tilespmem:$0x1CD00] =	vst v63  }
0x3c: {  	_ =	swait.ge [sflag:s28], $0x2800  }
0x3d: {  	[sflag:s28] =	ssyncset.done $0x0  }
0x3e: {  	[sflag:s28] =	ssyncadd.s32 $0xFFFFD800  }
0x3f: {  	s12 =	simm.s32 $0x180;
	_ =	swait.ge [sflag:s26], $0x80  }
0x40: {  	s13 =	sand.u32 $0x7C00, s12;
	[sflag:s26] =	ssyncset.done $0x0  }
0x41: {  	s7 =	sadd.s32 s5, s13;
	s1 =	sand.u32 $0x380, s12;
	[sflag:s26] =	ssyncadd.s32 $0xFFFFFF80  }
0x42: {  	[spmem:s3] =	stream.indirect.scatter.add.f32 [tilespmem:s21], [sflag:$0x3], $0x80, s19, s20, $0xb8;
	[tilespmem:$0x1CD00] =	vst v63  }
0x43: {  	s1 =	sor.u32 s1, s7;
	_ =	swait.ge [sflag:s0], $0x2800  }
0x44: {  	s1 =	sshrl.u32 s1, $0x3;
	[sflag:s0] =	ssyncset.done $0x0  }
0x45: {  	s1 =	sadd.s32 s6, s1;
	[sflag:s0] =	ssyncadd.s32 $0xFFFFD800  }
0x46: {  	[tilespmem:s22], [sflag:$0x6] =	stream.linear.gather [hbm4b:s1+s4], $0x80, $0x38;
	[tilespmem:$0x1CD00] =	vst v63  }
0x47: {  	s10 =	simm.s32 $0x13E00;
	s7 =	simm.s32 $0x13D80;
	s1 =	simm.s32 $0x280  }
.LBB2_2:
0x48: {  	s11 =	sadd.s32 $0x80, s10  }
0x49: {  	p0 =	sne.s32 s1, $0x3D80;
	s12 =	smov.u32 s1;
	s1 =	sadd.s32 $0x100, s1  }
0x4a: {  	[tilespmem:s24], [sflag:$0x2] =	stream.indirect.gather [hbm4b:s2+s20], $0x80, s7, s20, $0xb8;
	[tilespmem:$0x1CD00] =	vst v63  }
0x4b: {  	s7 =	smov.u32 s11;
	_ =	swait.ge [sflag:s29], $0x2800  }
0x4c: {  	[sflag:s29] =	ssyncset.done $0x0  }
0x4d: {  	[sflag:s29] =	ssyncadd.s32 $0xFFFFD800  }
0x4e: {  	_ =	swait.ge [sflag:s30], $0x80  }
0x4f: {  	s11 =	sadd.s32 $0xFFFFFF80, s12;
	[sflag:s30] =	ssyncset.done $0x0  }
0x50: {  	s13 =	sand.u32 $0x7C00, s11;
	s11 =	sand.u32 $0x300, s11;
	[sflag:s30] =	ssyncadd.s32 $0xFFFFFF80  }
0x51: {  	[spmem:s3] =	stream.indirect.scatter.add.f32 [tilespmem:s24], [sflag:$0x4], $0x80, s22, s20, $0xb8;
	[tilespmem:$0x1CD00] =	vst v63  }
0x52: {  	s13 =	sadd.s32 s5, s13;
	_ =	swait.ge [sflag:s31], $0x2800  }
0x53: {  	s11 =	sor.u32 s11, s13;
	[sflag:s31] =	ssyncset.done $0x0  }
0x54: {  	s11 =	sshrl.u32 s11, $0x3;
	[sflag:s31] =	ssyncadd.s32 $0xFFFFD800  }
0x55: {  	s11 =	sadd.s32 s6, s11  }
0x56: {  	[tilespmem:s19], [sflag:$0x5] =	stream.linear.gather [hbm4b:s11+s4], $0x80, $0x38;
	[tilespmem:$0x1CD00] =	vst v63  }
0x57: {  	_ = 	snop  }
0x58: {  	[tilespmem:s21], [sflag:$0x1] =	stream.indirect.gather [hbm4b:s2+s20], $0x80, s10, s20, $0xb8;
	[tilespmem:$0x1CD00] =	vst v63  }
0x59: {  	_ =	swait.ge [sflag:s28], $0x2800  }
0x5a: {  	[sflag:s28] =	ssyncset.done $0x0  }
0x5b: {  	[sflag:s28] =	ssyncadd.s32 $0xFFFFD800  }
0x5c: {  	_ =	swait.ge [sflag:s26], $0x80  }
0x5d: {  	s11 =	sand.u32 $0x7C00, s12;
	[sflag:s26] =	ssyncset.done $0x0  }
0x5e: {  	s12 =	sand.u32 $0x380, s12;
	s11 =	sadd.s32 s5, s11;
	[sflag:s26] =	ssyncadd.s32 $0xFFFFFF80  }
0x5f: {  	[spmem:s3] =	stream.indirect.scatter.add.f32 [tilespmem:s21], [sflag:$0x3], $0x80, s19, s20, $0xb8;
	[tilespmem:$0x1CD00] =	vst v63  }
.Ltmp0:
0x60: {  	_ = 	snop;
	(pc) =	sbr.rel @p0 .LBB2_2-.Ltmp0, $4  }
0x61: {  	s11 =	sor.u32 s12, s11;
	_ =	swait.ge [sflag:s0], $0x2800  }
0x62: {  	s11 =	sshrl.u32 s11, $0x3;
	[sflag:s0] =	ssyncset.done $0x0  }
0x63: {  	s10 =	sadd.s32 $0x100, s10;
	s11 =	sadd.s32 s6, s11;
	[sflag:s0] =	ssyncadd.s32 $0xFFFFD800  }
0x64: {  	[tilespmem:s22], [sflag:$0x6] =	stream.linear.gather [hbm4b:s11+s4], $0x80, $0x38;
	[tilespmem:$0x1CD00] =	vst v63  }
0x65: {  	[tilespmem:s24], [sflag:$0x2] =	stream.indirect.gather [hbm4b:s2+s20], $0x80, s7, s20, $0xb8;
	[tilespmem:$0x1CD00] =	vst v63  }
0x66: {  	_ =	swait.ge [sflag:s29], $0x2800  }
0x67: {  	[sflag:s29] =	ssyncset.done $0x0  }
0x68: {  	[sflag:s29] =	ssyncadd.s32 $0xFFFFD800  }
0x69: {  	_ =	swait.ge [sflag:s30], $0x80  }
0x6a: {  	[sflag:s30] =	ssyncset.done $0x0  }
0x6b: {  	[sflag:s30] =	ssyncadd.s32 $0xFFFFFF80  }
0x6c: {  	[spmem:s3] =	stream.indirect.scatter.add.f32 [tilespmem:s24], [sflag:$0x4], $0x80, s22, s20, $0xb8;
	[tilespmem:$0x1CD00] =	vst v63  }
0x6d: {  	_ =	swait.ge [sflag:s31], $0x2800  }
0x6e: {  	[sflag:s31] =	ssyncset.done $0x0  }
0x6f: {  	[sflag:s31] =	ssyncadd.s32 $0xFFFFD800  }
0x70: {  	[tilespmem:s19], [sflag:$0x5] =	stream.linear.gather [hbm4b:s15+s4], $0x80, $0x38;
	[tilespmem:$0x1CD00] =	vst v63  }
0x71: {  	s1 =	simm.s32 $0x17A00  }
0x72: {  	[tilespmem:s21], [sflag:$0x1] =	stream.indirect.gather [hbm4b:s2+s20], $0x80, s1, s20, $0xb8;
	[tilespmem:$0x1CD00] =	vst v63  }
0x73: {  	_ =	swait.ge [sflag:s28], $0x2800  }
0x74: {  	[sflag:s28] =	ssyncset.done $0x0  }
0x75: {  	[sflag:s28] =	ssyncadd.s32 $0xFFFFD800  }
0x76: {  	_ =	swait.ge [sflag:s26], $0x80  }
0x77: {  	[sflag:s26] =	ssyncset.done $0x0  }
0x78: {  	[sflag:s26] =	ssyncadd.s32 $0xFFFFFF80  }
0x79: {  	[spmem:s3] =	stream.indirect.scatter.add.f32 [tilespmem:s21], [sflag:$0x3], $0x80, s19, s20, $0xb8;
	[tilespmem:$0x1CD00] =	vst v63  }
0x7a: {  	_ =	swait.ge [sflag:s0], $0x2800  }
0x7b: {  	[sflag:s0] =	ssyncset.done $0x0  }
0x7c: {  	[sflag:s0] =	ssyncadd.s32 $0xFFFFD800  }
0x7d: {  	_ =	swait.ge [sflag:s31], $0x2800  }
0x7e: {  	[sflag:s31] =	ssyncset.done $0x0  }
0x7f: {  	s23 =	sadd.s32 $0x1, s23;
	[sflag:s31] =	ssyncadd.s32 $0xFFFFD800  }
0x80: {  	p0 =	sne.s32 s23, s14;
	[bflag:$0x0] =	sbarrier.arrive $0xFFFF  }
.Ltmp1:
0x81: {  	s12 =	sor.u32 $0x1C08, s8;
	s13 =	rddreg [dreg:$0x8];
	(pc) =	sbr.rel @p0 .LBB2_1-.Ltmp1, $4  }
0x82: {  	[hbm:s13], [sflag:s12] =	dma.local [spmem:s16], $0x2780  }
0x83: {  	_ =	swait.ge [sflag:s18], $0x2780  }
0x84: {  	[sflag:s18] =	ssyncset.done $0x0  }
0x85: {  	[sflag:s18] =	ssyncadd.s32 $0xFFFFD880  }
0x86: {  	_ =	sfence.sel $0x180000  }
0x87: {  	[bflag:$0x0] =	sbarrier.arrive $0xFFFF  }
0x88: {  	_ =	strace $0x90000047  }
0x89: {  	s0 =	stileid.u32;
	[bflag:$0x2] =	sbarrier.arrive $0xFFFF  }
0x8a: {  	p0 =	sne.s32 s0, $0x0;
	s0 =	rddreg [dreg:$0x3]  }
0x8b: {  	s0 =	sadd.s32 @!p0 $0x100000, s0  }
0x8c: {  	[sflag:s0] =	ssyncadd.tile.s32 @!p0 $0x1;
	_ =	shalt  }
.Lfunc_end2:
_tile_overlayer_lowered:
.L_overlay_start_2:
0x8d: {  	(tag) =	ssettag $0x2  }
0x8e: {  	s0 =	rddreg [dreg:$0x0];
	s2 =	stileid.u32  }
0x8f: {  	s1 =	rddreg [dreg:$0x1];
	p0 =	sne.s32 s2, $0x0  }
0x90: {  	s3 =	rddreg [dreg:$0x2];
	[bflag:$0x3] =	sbarrier.arrive $0xFFFF;
	s2 =	simm.s32 @!p0 $0x1C08  }
0x91: {  	[timem:s3], [sflag:s2] =	dma.local @!p0 [hbm:s0], s1  }
0x92: {  	s0 =	simm.s32 @!p0 $0x8  }
0x93: {  	_ =	swait.ge @!p0 [sflag:s0], s1  }
0x94: {  	s1 =	ssub.s32 @!p0 $0x0, s1;
	[sflag:s0] =	ssyncset.done @!p0 $0x0  }
0x95: {  	[sflag:s0] =	ssyncadd.s32 @!p0 s1  }
0x96: {  	[bflag:$0x3] =	sbarrier.arrive $0xFFFF  }
0x97: {  	_ =	shalt  }

</sc_bundles>
